<compile_context>
chip_gen: v7x
topology: tpu7x:2x2x1
jax: 0.10.2.dev20260603
libtpu: 0.0.44.dev20260713+nightly
codegen_flags: <defaults>
</compile_context>

<pallas_src>
import dataclasses
import functools

import jax
import jax.numpy as jnp
from jax import lax
from jax.experimental import pallas as pl
from jax.experimental.pallas import tpu as pltpu
from jax.experimental.pallas import tpu_sc as plsc

NC, NS = 2, 16
NW = NC * NS
CHUNK = 1600


def kernel(x, weight):
    batch, seq = x.shape
    num_idx = batch * seq
    dim = weight.shape[1]
    b_per_w = num_idx // NW
    n_ch = b_per_w // CHUNK
    bat_per_ch = CHUNK // seq


    mesh = plsc.VectorSubcoreMesh(core_axis_name="c", subcore_axis_name="s")

    cp = pltpu.CompilerParams(use_tc_tiling_on_sc=False)
    if "needs_layout_passes" in pltpu.CompilerParams.__dataclass_fields__:
        cp = dataclasses.replace(cp, needs_layout_passes=False)

    @functools.partial(
        pl.kernel,
        mesh=mesh,
        compiler_params=cp,
        out_type=jax.ShapeDtypeStruct((num_idx, dim), jnp.float32),
        scratch_types=[
            pltpu.VMEM((CHUNK // 50, 50), jnp.int32),
            pltpu.VMEM((CHUNK // 50, 50), jnp.int32),
            pltpu.VMEM((CHUNK, dim), jnp.float32),
            pltpu.VMEM((CHUNK, dim), jnp.float32),
            pltpu.SemaphoreType.DMA,
            pltpu.SemaphoreType.DMA,
        ],
    )
    def gather_kernel(table_hbm, idx_hbm, out_hbm, i0, i1, r0, r1, sg0, sg1):
        wid = lax.axis_index("s") * NC + lax.axis_index("c")
        base = wid * b_per_w

        bbase = wid * (b_per_w // seq)

        def load_idx(t, iv):
            pltpu.sync_copy(
                idx_hbm.at[pl.ds(bbase + t * bat_per_ch, bat_per_ch)], iv)

        def fire(iv, rv, sem):
            for b in range(bat_per_ch):
                pltpu.async_copy(table_hbm.at[iv.at[b]],
                                 rv.at[pl.ds(b * seq, seq)], sem)

        def drain(iv, rv, sem):
            for b in range(bat_per_ch):
                pltpu.make_async_copy(table_hbm.at[iv.at[b]],
                                      rv.at[pl.ds(b * seq, seq)], sem).wait()

        load_idx(0, i0)
        fire(i0, r0, sg0)

        @pl.loop(0, n_ch, step=2)
        def _(t):
            off1 = base + (t + 1) * CHUNK
            load_idx(t + 1, i1)
            fire(i1, r1, sg1)

            drain(i0, r0, sg0)
            pltpu.sync_copy(r0, out_hbm.at[pl.ds(base + t * CHUNK, CHUNK)])

            @pl.when(t + 2 < n_ch)
            def _():
                load_idx(t + 2, i0)
                fire(i0, r0, sg0)

            drain(i1, r1, sg1)
            pltpu.sync_copy(r1, out_hbm.at[pl.ds(off1, CHUNK)])

    out = gather_kernel(weight, x)
    return out.reshape(batch, seq, dim)

# --- scband reference (transcript-rebuilt; emitter-appended) ---
"""Pipeline reference for scband-embedding-2662879723672 (READ-ONLY COPY).

The authoritative reference and input builder live on the scoring server;
editing this copy changes nothing except your own understanding.
"""

import jax, jax.numpy as jnp
import numpy as np

NUM_EMBEDDINGS = 1000000
EMBEDDING_DIM = 32

def setup_inputs(seed: int = 0) -> dict:
    key = jax.random.key(seed)
    k_idx, k_w = jax.random.split(key)
    x = jax.random.randint(k_idx, (16384, 50), 0, NUM_EMBEDDINGS, dtype=jnp.int64) if jax.config.jax_enable_x64 else jax.random.randint(k_idx, (16384, 50), 0, NUM_EMBEDDINGS, dtype=jnp.int32)
    weight = jax.random.normal(k_w, (NUM_EMBEDDINGS, EMBEDDING_DIM), dtype=jnp.float32)
    return {"x": x, "weight": weight}

def reference(x, weight):
    # Faithful translation of Embedding.forward: weight[x]
    return jnp.take(weight, x, axis=0)

if __name__ == "__main__":
    import jax
    _d = setup_inputs()
    print(jax.jit(kernel)(*tuple(_d.values())))

</pallas_src>

<mosaic_0001>
#map = affine_map<(d0, d1) -> (0, 0)>
module attributes {stable_mosaic.version = 14 : i64} {
  func.func @gather_kernel(%arg0: i32, %arg1: i32, %arg2: memref<1000000x32xf32, #tpu.memory_space<hbm>>, %arg3: memref<16384x50xi32, #tpu.memory_space<hbm>>, %arg4: memref<819200x32xf32, #tpu.memory_space<hbm>>, %arg5: memref<32x50xi32, #tpu.memory_space<vmem>>, %arg6: memref<32x50xi32, #tpu.memory_space<vmem>>, %arg7: memref<1600x32xf32, #tpu.memory_space<vmem>>, %arg8: memref<1600x32xf32, #tpu.memory_space<vmem>>, %arg9: memref<!tpu.dma_semaphore, #tpu.memory_space<semaphore_mem>>, %arg10: memref<!tpu.dma_semaphore, #tpu.memory_space<semaphore_mem>>) attributes {dimension_semantics = [#tpu.dimension_semantics<core_parallel>, #tpu.dimension_semantics<subcore_parallel>], iteration_bounds = array<i64: 2, 16>, scalar_prefetch = 0 : i64, scratch_operands = 6 : i64, tpu.core_type = #tpu.core_type<sc_vector_subcore>, window_params = [{transform_indices = #map}, {transform_indices = #map}, {transform_indices = #map}]} {
    %mul3A = arith.constant 2 : i32
    %mul3A_0 = arith.muli %arg1, %mul3A : i32
    %add3A = arith.addi %mul3A_0, %arg0 : i32
    %mul3A_1 = arith.constant 25600 : i32
    %mul3A_2 = arith.muli %add3A, %mul3A_1 : i32
    %mul3A_3 = arith.constant 512 : i32
    %mul3A_4 = arith.muli %add3A, %mul3A_3 : i32
    %add3A_5 = arith.constant 0 : i32
    %add3A_6 = arith.addi %mul3A_4, %add3A_5 : i32
    "tpu.region"() ({
      %run_scoped3A = tpu.sem_alloc : memref<!tpu.dma_semaphore, #tpu.memory_space<semaphore_mem>>
      %dma_start3A_330 = arith.constant 0 : i32
      %dma_start3A_331 = tpu.memref_slice %arg3[%add3A_6, %dma_start3A_330] : memref<16384x50xi32, #tpu.memory_space<hbm>> -> memref<32x50xi32, #tpu.memory_space<hbm>>
      %dma_start3A_332 = arith.constant 0 : i32
      %dma_start3A_333 = tpu.memref_slice %arg3[%add3A_6, %dma_start3A_332] : memref<16384x50xi32, #tpu.memory_space<hbm>> -> memref<32x50xi32, #tpu.memory_space<hbm>>
      tpu.enqueue_dma source(%dma_start3A_333 : memref<32x50xi32, #tpu.memory_space<hbm>>) target(%arg5 : memref<32x50xi32, #tpu.memory_space<vmem>>) target_semaphore(%run_scoped3A : memref<!tpu.dma_semaphore, #tpu.memory_space<semaphore_mem>>)
      %dma_wait3A = arith.constant 0 : i32
      %dma_wait3A_334 = tpu.memref_slice %arg3[%add3A_6, %dma_wait3A] : memref<16384x50xi32, #tpu.memory_space<hbm>> -> memref<32x50xi32, #tpu.memory_space<hbm>>
      %dma_wait3A_335 = arith.constant 0 : i32
      %dma_wait3A_336 = tpu.memref_slice %arg3[%add3A_6, %dma_wait3A_335] : memref<16384x50xi32, #tpu.memory_space<hbm>> -> memref<32x50xi32, #tpu.memory_space<hbm>>
      tpu.wait_dma2 semaphore(%run_scoped3A : memref<!tpu.dma_semaphore, #tpu.memory_space<semaphore_mem>>) src(%dma_wait3A_336 : memref<32x50xi32, #tpu.memory_space<hbm>>) dst(%arg5 : memref<32x50xi32, #tpu.memory_space<vmem>>)
      tpu.yield
    }) : () -> ()
    %dma_start3A = arith.constant 0 : i32
    %dma_start3A_7 = arith.constant 0 : i32
    %dma_start3A_8 = arith.constant 0 : i32
    %dma_start3A_9 = tpu.memref_slice %arg7[%dma_start3A_7, %dma_start3A_8] : memref<1600x32xf32, #tpu.memory_space<vmem>> -> memref<50x32xf32, #tpu.memory_space<vmem>>
    %dma_start3A_10 = arith.constant 0 : i32
    %dma_start3A_11 = tpu.memref_slice %arg5[%dma_start3A, %dma_start3A_10] : memref<32x50xi32, #tpu.memory_space<vmem>> -> memref<1x50xi32, #tpu.memory_space<vmem>>
    %dma_start3A_12 = tpu.memref_squeeze %dma_start3A_11 : memref<1x50xi32, #tpu.memory_space<vmem>> -> memref<50xi32, #tpu.memory_space<vmem>>
    %dma_start3A_13 = arith.constant 0 : i32
    %dma_start3A_14 = arith.constant 0 : i32
    %dma_start3A_15 = tpu.memref_slice %arg2[%dma_start3A_13, %dma_start3A_14] : memref<1000000x32xf32, #tpu.memory_space<hbm>> -> memref<1000000x32xf32, #tpu.memory_space<hbm>>
    tpu.enqueue_indirect_dma source(%dma_start3A_15 : memref<1000000x32xf32, #tpu.memory_space<hbm>>) target(%dma_start3A_9 : memref<50x32xf32, #tpu.memory_space<vmem>>) offsets(%dma_start3A_12 : memref<50xi32, #tpu.memory_space<vmem>>) semaphore(%arg9 : memref<!tpu.dma_semaphore, #tpu.memory_space<semaphore_mem>>)
    %dma_start3A_16 = arith.constant 1 : i32
    %dma_start3A_17 = arith.constant 50 : i32
    %dma_start3A_18 = arith.constant 0 : i32
    %dma_start3A_19 = tpu.memref_slice %arg7[%dma_start3A_17, %dma_start3A_18] : memref<1600x32xf32, #tpu.memory_space<vmem>> -> memref<50x32xf32, #tpu.memory_space<vmem>>
    %dma_start3A_20 = arith.constant 0 : i32
    %dma_start3A_21 = tpu.memref_slice %arg5[%dma_start3A_16, %dma_start3A_20] : memref<32x50xi32, #tpu.memory_space<vmem>> -> memref<1x50xi32, #tpu.memory_space<vmem>>
    %dma_start3A_22 = tpu.memref_squeeze %dma_start3A_21 : memref<1x50xi32, #tpu.memory_space<vmem>> -> memref<50xi32, #tpu.memory_space<vmem>>
    %dma_start3A_23 = arith.constant 0 : i32
    %dma_start3A_24 = arith.constant 0 : i32
    %dma_start3A_25 = tpu.memref_slice %arg2[%dma_start3A_23, %dma_start3A_24] : memref<1000000x32xf32, #tpu.memory_space<hbm>> -> memref<1000000x32xf32, #tpu.memory_space<hbm>>
    tpu.enqueue_indirect_dma source(%dma_start3A_25 : memref<1000000x32xf32, #tpu.memory_space<hbm>>) target(%dma_start3A_19 : memref<50x32xf32, #tpu.memory_space<vmem>>) offsets(%dma_start3A_22 : memref<50xi32, #tpu.memory_space<vmem>>) semaphore(%arg9 : memref<!tpu.dma_semaphore, #tpu.memory_space<semaphore_mem>>)
    %dma_start3A_26 = arith.constant 2 : i32
    %dma_start3A_27 = arith.constant 100 : i32
    %dma_start3A_28 = arith.constant 0 : i32
    %dma_start3A_29 = tpu.memref_slice %arg7[%dma_start3A_27, %dma_start3A_28] : memref<1600x32xf32, #tpu.memory_space<vmem>> -> memref<50x32xf32, #tpu.memory_space<vmem>>
    %dma_start3A_30 = arith.constant 0 : i32
    %dma_start3A_31 = tpu.memref_slice %arg5[%dma_start3A_26, %dma_start3A_30] : memref<32x50xi32, #tpu.memory_space<vmem>> -> memref<1x50xi32, #tpu.memory_space<vmem>>
    %dma_start3A_32 = tpu.memref_squeeze %dma_start3A_31 : memref<1x50xi32, #tpu.memory_space<vmem>> -> memref<50xi32, #tpu.memory_space<vmem>>
    %dma_start3A_33 = arith.constant 0 : i32
    %dma_start3A_34 = arith.constant 0 : i32
    %dma_start3A_35 = tpu.memref_slice %arg2[%dma_start3A_33, %dma_start3A_34] : memref<1000000x32xf32, #tpu.memory_space<hbm>> -> memref<1000000x32xf32, #tpu.memory_space<hbm>>
    tpu.enqueue_indirect_dma source(%dma_start3A_35 : memref<1000000x32xf32, #tpu.memory_space<hbm>>) target(%dma_start3A_29 : memref<50x32xf32, #tpu.memory_space<vmem>>) offsets(%dma_start3A_32 : memref<50xi32, #tpu.memory_space<vmem>>) semaphore(%arg9 : memref<!tpu.dma_semaphore, #tpu.memory_space<semaphore_mem>>)
    %dma_start3A_36 = arith.constant 3 : i32
    %dma_start3A_37 = arith.constant 150 : i32
    %dma_start3A_38 = arith.constant 0 : i32
    %dma_start3A_39 = tpu.memref_slice %arg7[%dma_start3A_37, %dma_start3A_38] : memref<1600x32xf32, #tpu.memory_space<vmem>> -> memref<50x32xf32, #tpu.memory_space<vmem>>
    %dma_start3A_40 = arith.constant 0 : i32
    %dma_start3A_41 = tpu.memref_slice %arg5[%dma_start3A_36, %dma_start3A_40] : memref<32x50xi32, #tpu.memory_space<vmem>> -> memref<1x50xi32, #tpu.memory_space<vmem>>
    %dma_start3A_42 = tpu.memref_squeeze %dma_start3A_41 : memref<1x50xi32, #tpu.memory_space<vmem>> -> memref<50xi32, #tpu.memory_space<vmem>>
    %dma_start3A_43 = arith.constant 0 : i32
    %dma_start3A_44 = arith.constant 0 : i32
    %dma_start3A_45 = tpu.memref_slice %arg2[%dma_start3A_43, %dma_start3A_44] : memref<1000000x32xf32, #tpu.memory_space<hbm>> -> memref<1000000x32xf32, #tpu.memory_space<hbm>>
    tpu.enqueue_indirect_dma source(%dma_start3A_45 : memref<1000000x32xf32, #tpu.memory_space<hbm>>) target(%dma_start3A_39 : memref<50x32xf32, #tpu.memory_space<vmem>>) offsets(%dma_start3A_42 : memref<50xi32, #tpu.memory_space<vmem>>) semaphore(%arg9 : memref<!tpu.dma_semaphore, #tpu.memory_space<semaphore_mem>>)
    %dma_start3A_46 = arith.constant 4 : i32
    %dma_start3A_47 = arith.constant 200 : i32
    %dma_start3A_48 = arith.constant 0 : i32
    %dma_start3A_49 = tpu.memref_slice %arg7[%dma_start3A_47, %dma_start3A_48] : memref<1600x32xf32, #tpu.memory_space<vmem>> -> memref<50x32xf32, #tpu.memory_space<vmem>>
    %dma_start3A_50 = arith.constant 0 : i32
    %dma_start3A_51 = tpu.memref_slice %arg5[%dma_start3A_46, %dma_start3A_50] : memref<32x50xi32, #tpu.memory_space<vmem>> -> memref<1x50xi32, #tpu.memory_space<vmem>>
    %dma_start3A_52 = tpu.memref_squeeze %dma_start3A_51 : memref<1x50xi32, #tpu.memory_space<vmem>> -> memref<50xi32, #tpu.memory_space<vmem>>
    %dma_start3A_53 = arith.constant 0 : i32
    %dma_start3A_54 = arith.constant 0 : i32
    %dma_start3A_55 = tpu.memref_slice %arg2[%dma_start3A_53, %dma_start3A_54] : memref<1000000x32xf32, #tpu.memory_space<hbm>> -> memref<1000000x32xf32, #tpu.memory_space<hbm>>
    tpu.enqueue_indirect_dma source(%dma_start3A_55 : memref<1000000x32xf32, #tpu.memory_space<hbm>>) target(%dma_start3A_49 : memref<50x32xf32, #tpu.memory_space<vmem>>) offsets(%dma_start3A_52 : memref<50xi32, #tpu.memory_space<vmem>>) semaphore(%arg9 : memref<!tpu.dma_semaphore, #tpu.memory_space<semaphore_mem>>)
    %dma_start3A_56 = arith.constant 5 : i32
    %dma_start3A_57 = arith.constant 250 : i32
    %dma_start3A_58 = arith.constant 0 : i32
    %dma_start3A_59 = tpu.memref_slice %arg7[%dma_start3A_57, %dma_start3A_58] : memref<1600x32xf32, #tpu.memory_space<vmem>> -> memref<50x32xf32, #tpu.memory_space<vmem>>
    %dma_start3A_60 = arith.constant 0 : i32
    %dma_start3A_61 = tpu.memref_slice %arg5[%dma_start3A_56, %dma_start3A_60] : memref<32x50xi32, #tpu.memory_space<vmem>> -> memref<1x50xi32, #tpu.memory_space<vmem>>
    %dma_start3A_62 = tpu.memref_squeeze %dma_start3A_61 : memref<1x50xi32, #tpu.memory_space<vmem>> -> memref<50xi32, #tpu.memory_space<vmem>>
    %dma_start3A_63 = arith.constant 0 : i32
    %dma_start3A_64 = arith.constant 0 : i32
    %dma_start3A_65 = tpu.memref_slice %arg2[%dma_start3A_63, %dma_start3A_64] : memref<1000000x32xf32, #tpu.memory_space<hbm>> -> memref<1000000x32xf32, #tpu.memory_space<hbm>>
    tpu.enqueue_indirect_dma source(%dma_start3A_65 : memref<1000000x32xf32, #tpu.memory_space<hbm>>) target(%dma_start3A_59 : memref<50x32xf32, #tpu.memory_space<vmem>>) offsets(%dma_start3A_62 : memref<50xi32, #tpu.memory_space<vmem>>) semaphore(%arg9 : memref<!tpu.dma_semaphore, #tpu.memory_space<semaphore_mem>>)
    %dma_start3A_66 = arith.constant 6 : i32
    %dma_start3A_67 = arith.constant 300 : i32
    %dma_start3A_68 = arith.constant 0 : i32
    %dma_start3A_69 = tpu.memref_slice %arg7[%dma_start3A_67, %dma_start3A_68] : memref<1600x32xf32, #tpu.memory_space<vmem>> -> memref<50x32xf32, #tpu.memory_space<vmem>>
    %dma_start3A_70 = arith.constant 0 : i32
    %dma_start3A_71 = tpu.memref_slice %arg5[%dma_start3A_66, %dma_start3A_70] : memref<32x50xi32, #tpu.memory_space<vmem>> -> memref<1x50xi32, #tpu.memory_space<vmem>>
    %dma_start3A_72 = tpu.memref_squeeze %dma_start3A_71 : memref<1x50xi32, #tpu.memory_space<vmem>> -> memref<50xi32, #tpu.memory_space<vmem>>
    %dma_start3A_73 = arith.constant 0 : i32
    %dma_start3A_74 = arith.constant 0 : i32
    %dma_start3A_75 = tpu.memref_slice %arg2[%dma_start3A_73, %dma_start3A_74] : memref<1000000x32xf32, #tpu.memory_space<hbm>> -> memref<1000000x32xf32, #tpu.memory_space<hbm>>
    tpu.enqueue_indirect_dma source(%dma_start3A_75 : memref<1000000x32xf32, #tpu.memory_space<hbm>>) target(%dma_start3A_69 : memref<50x32xf32, #tpu.memory_space<vmem>>) offsets(%dma_start3A_72 : memref<50xi32, #tpu.memory_space<vmem>>) semaphore(%arg9 : memref<!tpu.dma_semaphore, #tpu.memory_space<semaphore_mem>>)
    %dma_start3A_76 = arith.constant 7 : i32
    %dma_start3A_77 = arith.constant 350 : i32
    %dma_start3A_78 = arith.constant 0 : i32
    %dma_start3A_79 = tpu.memref_slice %arg7[%dma_start3A_77, %dma_start3A_78] : memref<1600x32xf32, #tpu.memory_space<vmem>> -> memref<50x32xf32, #tpu.memory_space<vmem>>
    %dma_start3A_80 = arith.constant 0 : i32
    %dma_start3A_81 = tpu.memref_slice %arg5[%dma_start3A_76, %dma_start3A_80] : memref<32x50xi32, #tpu.memory_space<vmem>> -> memref<1x50xi32, #tpu.memory_space<vmem>>
    %dma_start3A_82 = tpu.memref_squeeze %dma_start3A_81 : memref<1x50xi32, #tpu.memory_space<vmem>> -> memref<50xi32, #tpu.memory_space<vmem>>
    %dma_start3A_83 = arith.constant 0 : i32
    %dma_start3A_84 = arith.constant 0 : i32
    %dma_start3A_85 = tpu.memref_slice %arg2[%dma_start3A_83, %dma_start3A_84] : memref<1000000x32xf32, #tpu.memory_space<hbm>> -> memref<1000000x32xf32, #tpu.memory_space<hbm>>
    tpu.enqueue_indirect_dma source(%dma_start3A_85 : memref<1000000x32xf32, #tpu.memory_space<hbm>>) target(%dma_start3A_79 : memref<50x32xf32, #tpu.memory_space<vmem>>) offsets(%dma_start3A_82 : memref<50xi32, #tpu.memory_space<vmem>>) semaphore(%arg9 : memref<!tpu.dma_semaphore, #tpu.memory_space<semaphore_mem>>)
    %dma_start3A_86 = arith.constant 8 : i32
    %dma_start3A_87 = arith.constant 400 : i32
    %dma_start3A_88 = arith.constant 0 : i32
    %dma_start3A_89 = tpu.memref_slice %arg7[%dma_start3A_87, %dma_start3A_88] : memref<1600x32xf32, #tpu.memory_space<vmem>> -> memref<50x32xf32, #tpu.memory_space<vmem>>
    %dma_start3A_90 = arith.constant 0 : i32
    %dma_start3A_91 = tpu.memref_slice %arg5[%dma_start3A_86, %dma_start3A_90] : memref<32x50xi32, #tpu.memory_space<vmem>> -> memref<1x50xi32, #tpu.memory_space<vmem>>
    %dma_start3A_92 = tpu.memref_squeeze %dma_start3A_91 : memref<1x50xi32, #tpu.memory_space<vmem>> -> memref<50xi32, #tpu.memory_space<vmem>>
    %dma_start3A_93 = arith.constant 0 : i32
    %dma_start3A_94 = arith.constant 0 : i32
    %dma_start3A_95 = tpu.memref_slice %arg2[%dma_start3A_93, %dma_start3A_94] : memref<1000000x32xf32, #tpu.memory_space<hbm>> -> memref<1000000x32xf32, #tpu.memory_space<hbm>>
    tpu.enqueue_indirect_dma source(%dma_start3A_95 : memref<1000000x32xf32, #tpu.memory_space<hbm>>) target(%dma_start3A_89 : memref<50x32xf32, #tpu.memory_space<vmem>>) offsets(%dma_start3A_92 : memref<50xi32, #tpu.memory_space<vmem>>) semaphore(%arg9 : memref<!tpu.dma_semaphore, #tpu.memory_space<semaphore_mem>>)
    %dma_start3A_96 = arith.constant 9 : i32
    %dma_start3A_97 = arith.constant 450 : i32
    %dma_start3A_98 = arith.constant 0 : i32
    %dma_start3A_99 = tpu.memref_slice %arg7[%dma_start3A_97, %dma_start3A_98] : memref<1600x32xf32, #tpu.memory_space<vmem>> -> memref<50x32xf32, #tpu.memory_space<vmem>>
    %dma_start3A_100 = arith.constant 0 : i32
    %dma_start3A_101 = tpu.memref_slice %arg5[%dma_start3A_96, %dma_start3A_100] : memref<32x50xi32, #tpu.memory_space<vmem>> -> memref<1x50xi32, #tpu.memory_space<vmem>>
    %dma_start3A_102 = tpu.memref_squeeze %dma_start3A_101 : memref<1x50xi32, #tpu.memory_space<vmem>> -> memref<50xi32, #tpu.memory_space<vmem>>
    %dma_start3A_103 = arith.constant 0 : i32
    %dma_start3A_104 = arith.constant 0 : i32
    %dma_start3A_105 = tpu.memref_slice %arg2[%dma_start3A_103, %dma_start3A_104] : memref<1000000x32xf32, #tpu.memory_space<hbm>> -> memref<1000000x32xf32, #tpu.memory_space<hbm>>
    tpu.enqueue_indirect_dma source(%dma_start3A_105 : memref<1000000x32xf32, #tpu.memory_space<hbm>>) target(%dma_start3A_99 : memref<50x32xf32, #tpu.memory_space<vmem>>) offsets(%dma_start3A_102 : memref<50xi32, #tpu.memory_space<vmem>>) semaphore(%arg9 : memref<!tpu.dma_semaphore, #tpu.memory_space<semaphore_mem>>)
    %dma_start3A_106 = arith.constant 10 : i32
    %dma_start3A_107 = arith.constant 500 : i32
    %dma_start3A_108 = arith.constant 0 : i32
    %dma_start3A_109 = tpu.memref_slice %arg7[%dma_start3A_107, %dma_start3A_108] : memref<1600x32xf32, #tpu.memory_space<vmem>> -> memref<50x32xf32, #tpu.memory_space<vmem>>
    %dma_start3A_110 = arith.constant 0 : i32
    %dma_start3A_111 = tpu.memref_slice %arg5[%dma_start3A_106, %dma_start3A_110] : memref<32x50xi32, #tpu.memory_space<vmem>> -> memref<1x50xi32, #tpu.memory_space<vmem>>
    %dma_start3A_112 = tpu.memref_squeeze %dma_start3A_111 : memref<1x50xi32, #tpu.memory_space<vmem>> -> memref<50xi32, #tpu.memory_space<vmem>>
    %dma_start3A_113 = arith.constant 0 : i32
    %dma_start3A_114 = arith.constant 0 : i32
    %dma_start3A_115 = tpu.memref_slice %arg2[%dma_start3A_113, %dma_start3A_114] : memref<1000000x32xf32, #tpu.memory_space<hbm>> -> memref<1000000x32xf32, #tpu.memory_space<hbm>>
    tpu.enqueue_indirect_dma source(%dma_start3A_115 : memref<1000000x32xf32, #tpu.memory_space<hbm>>) target(%dma_start3A_109 : memref<50x32xf32, #tpu.memory_space<vmem>>) offsets(%dma_start3A_112 : memref<50xi32, #tpu.memory_space<vmem>>) semaphore(%arg9 : memref<!tpu.dma_semaphore, #tpu.memory_space<semaphore_mem>>)
    %dma_start3A_116 = arith.constant 11 : i32
    %dma_start3A_117 = arith.constant 550 : i32
    %dma_start3A_118 = arith.constant 0 : i32
    %dma_start3A_119 = tpu.memref_slice %arg7[%dma_start3A_117, %dma_start3A_118] : memref<1600x32xf32, #tpu.memory_space<vmem>> -> memref<50x32xf32, #tpu.memory_space<vmem>>
    %dma_start3A_120 = arith.constant 0 : i32
    %dma_start3A_121 = tpu.memref_slice %arg5[%dma_start3A_116, %dma_start3A_120] : memref<32x50xi32, #tpu.memory_space<vmem>> -> memref<1x50xi32, #tpu.memory_space<vmem>>
    %dma_start3A_122 = tpu.memref_squeeze %dma_start3A_121 : memref<1x50xi32, #tpu.memory_space<vmem>> -> memref<50xi32, #tpu.memory_space<vmem>>
    %dma_start3A_123 = arith.constant 0 : i32
    %dma_start3A_124 = arith.constant 0 : i32
    %dma_start3A_125 = tpu.memref_slice %arg2[%dma_start3A_123, %dma_start3A_124] : memref<1000000x32xf32, #tpu.memory_space<hbm>> -> memref<1000000x32xf32, #tpu.memory_space<hbm>>
    tpu.enqueue_indirect_dma source(%dma_start3A_125 : memref<1000000x32xf32, #tpu.memory_space<hbm>>) target(%dma_start3A_119 : memref<50x32xf32, #tpu.memory_space<vmem>>) offsets(%dma_start3A_122 : memref<50xi32, #tpu.memory_space<vmem>>) semaphore(%arg9 : memref<!tpu.dma_semaphore, #tpu.memory_space<semaphore_mem>>)
    %dma_start3A_126 = arith.constant 12 : i32
    %dma_start3A_127 = arith.constant 600 : i32
    %dma_start3A_128 = arith.constant 0 : i32
    %dma_start3A_129 = tpu.memref_slice %arg7[%dma_start3A_127, %dma_start3A_128] : memref<1600x32xf32, #tpu.memory_space<vmem>> -> memref<50x32xf32, #tpu.memory_space<vmem>>
    %dma_start3A_130 = arith.constant 0 : i32
    %dma_start3A_131 = tpu.memref_slice %arg5[%dma_start3A_126, %dma_start3A_130] : memref<32x50xi32, #tpu.memory_space<vmem>> -> memref<1x50xi32, #tpu.memory_space<vmem>>
    %dma_start3A_132 = tpu.memref_squeeze %dma_start3A_131 : memref<1x50xi32, #tpu.memory_space<vmem>> -> memref<50xi32, #tpu.memory_space<vmem>>
    %dma_start3A_133 = arith.constant 0 : i32
    %dma_start3A_134 = arith.constant 0 : i32
    %dma_start3A_135 = tpu.memref_slice %arg2[%dma_start3A_133, %dma_start3A_134] : memref<1000000x32xf32, #tpu.memory_space<hbm>> -> memref<1000000x32xf32, #tpu.memory_space<hbm>>
    tpu.enqueue_indirect_dma source(%dma_start3A_135 : memref<1000000x32xf32, #tpu.memory_space<hbm>>) target(%dma_start3A_129 : memref<50x32xf32, #tpu.memory_space<vmem>>) offsets(%dma_start3A_132 : memref<50xi32, #tpu.memory_space<vmem>>) semaphore(%arg9 : memref<!tpu.dma_semaphore, #tpu.memory_space<semaphore_mem>>)
    %dma_start3A_136 = arith.constant 13 : i32
    %dma_start3A_137 = arith.constant 650 : i32
    %dma_start3A_138 = arith.constant 0 : i32
    %dma_start3A_139 = tpu.memref_slice %arg7[%dma_start3A_137, %dma_start3A_138] : memref<1600x32xf32, #tpu.memory_space<vmem>> -> memref<50x32xf32, #tpu.memory_space<vmem>>
    %dma_start3A_140 = arith.constant 0 : i32
    %dma_start3A_141 = tpu.memref_slice %arg5[%dma_start3A_136, %dma_start3A_140] : memref<32x50xi32, #tpu.memory_space<vmem>> -> memref<1x50xi32, #tpu.memory_space<vmem>>
    %dma_start3A_142 = tpu.memref_squeeze %dma_start3A_141 : memref<1x50xi32, #tpu.memory_space<vmem>> -> memref<50xi32, #tpu.memory_space<vmem>>
    %dma_start3A_143 = arith.constant 0 : i32
    %dma_start3A_144 = arith.constant 0 : i32
    %dma_start3A_145 = tpu.memref_slice %arg2[%dma_start3A_143, %dma_start3A_144] : memref<1000000x32xf32, #tpu.memory_space<hbm>> -> memref<1000000x32xf32, #tpu.memory_space<hbm>>
    tpu.enqueue_indirect_dma source(%dma_start3A_145 : memref<1000000x32xf32, #tpu.memory_space<hbm>>) target(%dma_start3A_139 : memref<50x32xf32, #tpu.memory_space<vmem>>) offsets(%dma_start3A_142 : memref<50xi32, #tpu.memory_space<vmem>>) semaphore(%arg9 : memref<!tpu.dma_semaphore, #tpu.memory_space<semaphore_mem>>)
    %dma_start3A_146 = arith.constant 14 : i32
    %dma_start3A_147 = arith.constant 700 : i32
    %dma_start3A_148 = arith.constant 0 : i32
    %dma_start3A_149 = tpu.memref_slice %arg7[%dma_start3A_147, %dma_start3A_148] : memref<1600x32xf32, #tpu.memory_space<vmem>> -> memref<50x32xf32, #tpu.memory_space<vmem>>
    %dma_start3A_150 = arith.constant 0 : i32
    %dma_start3A_151 = tpu.memref_slice %arg5[%dma_start3A_146, %dma_start3A_150] : memref<32x50xi32, #tpu.memory_space<vmem>> -> memref<1x50xi32, #tpu.memory_space<vmem>>
    %dma_start3A_152 = tpu.memref_squeeze %dma_start3A_151 : memref<1x50xi32, #tpu.memory_space<vmem>> -> memref<50xi32, #tpu.memory_space<vmem>>
    %dma_start3A_153 = arith.constant 0 : i32
    %dma_start3A_154 = arith.constant 0 : i32
    %dma_start3A_155 = tpu.memref_slice %arg2[%dma_start3A_153, %dma_start3A_154] : memref<1000000x32xf32, #tpu.memory_space<hbm>> -> memref<1000000x32xf32, #tpu.memory_space<hbm>>
    tpu.enqueue_indirect_dma source(%dma_start3A_155 : memref<1000000x32xf32, #tpu.memory_space<hbm>>) target(%dma_start3A_149 : memref<50x32xf32, #tpu.memory_space<vmem>>) offsets(%dma_start3A_152 : memref<50xi32, #tpu.memory_space<vmem>>) semaphore(%arg9 : memref<!tpu.dma_semaphore, #tpu.memory_space<semaphore_mem>>)
    %dma_start3A_156 = arith.constant 15 : i32
    %dma_start3A_157 = arith.constant 750 : i32
    %dma_start3A_158 = arith.constant 0 : i32
    %dma_start3A_159 = tpu.memref_slice %arg7[%dma_start3A_157, %dma_start3A_158] : memref<1600x32xf32, #tpu.memory_space<vmem>> -> memref<50x32xf32, #tpu.memory_space<vmem>>
    %dma_start3A_160 = arith.constant 0 : i32
    %dma_start3A_161 = tpu.memref_slice %arg5[%dma_start3A_156, %dma_start3A_160] : memref<32x50xi32, #tpu.memory_space<vmem>> -> memref<1x50xi32, #tpu.memory_space<vmem>>
    %dma_start3A_162 = tpu.memref_squeeze %dma_start3A_161 : memref<1x50xi32, #tpu.memory_space<vmem>> -> memref<50xi32, #tpu.memory_space<vmem>>
    %dma_start3A_163 = arith.constant 0 : i32
    %dma_start3A_164 = arith.constant 0 : i32
    %dma_start3A_165 = tpu.memref_slice %arg2[%dma_start3A_163, %dma_start3A_164] : memref<1000000x32xf32, #tpu.memory_space<hbm>> -> memref<1000000x32xf32, #tpu.memory_space<hbm>>
    tpu.enqueue_indirect_dma source(%dma_start3A_165 : memref<1000000x32xf32, #tpu.memory_space<hbm>>) target(%dma_start3A_159 : memref<50x32xf32, #tpu.memory_space<vmem>>) offsets(%dma_start3A_162 : memref<50xi32, #tpu.memory_space<vmem>>) semaphore(%arg9 : memref<!tpu.dma_semaphore, #tpu.memory_space<semaphore_mem>>)
    %dma_start3A_166 = arith.constant 16 : i32
    %dma_start3A_167 = arith.constant 800 : i32
    %dma_start3A_168 = arith.constant 0 : i32
    %dma_start3A_169 = tpu.memref_slice %arg7[%dma_start3A_167, %dma_start3A_168] : memref<1600x32xf32, #tpu.memory_space<vmem>> -> memref<50x32xf32, #tpu.memory_space<vmem>>
    %dma_start3A_170 = arith.constant 0 : i32
    %dma_start3A_171 = tpu.memref_slice %arg5[%dma_start3A_166, %dma_start3A_170] : memref<32x50xi32, #tpu.memory_space<vmem>> -> memref<1x50xi32, #tpu.memory_space<vmem>>
    %dma_start3A_172 = tpu.memref_squeeze %dma_start3A_171 : memref<1x50xi32, #tpu.memory_space<vmem>> -> memref<50xi32, #tpu.memory_space<vmem>>
    %dma_start3A_173 = arith.constant 0 : i32
    %dma_start3A_174 = arith.constant 0 : i32
    %dma_start3A_175 = tpu.memref_slice %arg2[%dma_start3A_173, %dma_start3A_174] : memref<1000000x32xf32, #tpu.memory_space<hbm>> -> memref<1000000x32xf32, #tpu.memory_space<hbm>>
    tpu.enqueue_indirect_dma source(%dma_start3A_175 : memref<1000000x32xf32, #tpu.memory_space<hbm>>) target(%dma_start3A_169 : memref<50x32xf32, #tpu.memory_space<vmem>>) offsets(%dma_start3A_172 : memref<50xi32, #tpu.memory_space<vmem>>) semaphore(%arg9 : memref<!tpu.dma_semaphore, #tpu.memory_space<semaphore_mem>>)
    %dma_start3A_176 = arith.constant 17 : i32
    %dma_start3A_177 = arith.constant 850 : i32
    %dma_start3A_178 = arith.constant 0 : i32
    %dma_start3A_179 = tpu.memref_slice %arg7[%dma_start3A_177, %dma_start3A_178] : memref<1600x32xf32, #tpu.memory_space<vmem>> -> memref<50x32xf32, #tpu.memory_space<vmem>>
    %dma_start3A_180 = arith.constant 0 : i32
    %dma_start3A_181 = tpu.memref_slice %arg5[%dma_start3A_176, %dma_start3A_180] : memref<32x50xi32, #tpu.memory_space<vmem>> -> memref<1x50xi32, #tpu.memory_space<vmem>>
    %dma_start3A_182 = tpu.memref_squeeze %dma_start3A_181 : memref<1x50xi32, #tpu.memory_space<vmem>> -> memref<50xi32, #tpu.memory_space<vmem>>
    %dma_start3A_183 = arith.constant 0 : i32
    %dma_start3A_184 = arith.constant 0 : i32
    %dma_start3A_185 = tpu.memref_slice %arg2[%dma_start3A_183, %dma_start3A_184] : memref<1000000x32xf32, #tpu.memory_space<hbm>> -> memref<1000000x32xf32, #tpu.memory_space<hbm>>
    tpu.enqueue_indirect_dma source(%dma_start3A_185 : memref<1000000x32xf32, #tpu.memory_space<hbm>>) target(%dma_start3A_179 : memref<50x32xf32, #tpu.memory_space<vmem>>) offsets(%dma_start3A_182 : memref<50xi32, #tpu.memory_space<vmem>>) semaphore(%arg9 : memref<!tpu.dma_semaphore, #tpu.memory_space<semaphore_mem>>)
    %dma_start3A_186 = arith.constant 18 : i32
    %dma_start3A_187 = arith.constant 900 : i32
    %dma_start3A_188 = arith.constant 0 : i32
    %dma_start3A_189 = tpu.memref_slice %arg7[%dma_start3A_187, %dma_start3A_188] : memref<1600x32xf32, #tpu.memory_space<vmem>> -> memref<50x32xf32, #tpu.memory_space<vmem>>
    %dma_start3A_190 = arith.constant 0 : i32
    %dma_start3A_191 = tpu.memref_slice %arg5[%dma_start3A_186, %dma_start3A_190] : memref<32x50xi32, #tpu.memory_space<vmem>> -> memref<1x50xi32, #tpu.memory_space<vmem>>
    %dma_start3A_192 = tpu.memref_squeeze %dma_start3A_191 : memref<1x50xi32, #tpu.memory_space<vmem>> -> memref<50xi32, #tpu.memory_space<vmem>>
    %dma_start3A_193 = arith.constant 0 : i32
    %dma_start3A_194 = arith.constant 0 : i32
    %dma_start3A_195 = tpu.memref_slice %arg2[%dma_start3A_193, %dma_start3A_194] : memref<1000000x32xf32, #tpu.memory_space<hbm>> -> memref<1000000x32xf32, #tpu.memory_space<hbm>>
    tpu.enqueue_indirect_dma source(%dma_start3A_195 : memref<1000000x32xf32, #tpu.memory_space<hbm>>) target(%dma_start3A_189 : memref<50x32xf32, #tpu.memory_space<vmem>>) offsets(%dma_start3A_192 : memref<50xi32, #tpu.memory_space<vmem>>) semaphore(%arg9 : memref<!tpu.dma_semaphore, #tpu.memory_space<semaphore_mem>>)
    %dma_start3A_196 = arith.constant 19 : i32
    %dma_start3A_197 = arith.constant 950 : i32
    %dma_start3A_198 = arith.constant 0 : i32
    %dma_start3A_199 = tpu.memref_slice %arg7[%dma_start3A_197, %dma_start3A_198] : memref<1600x32xf32, #tpu.memory_space<vmem>> -> memref<50x32xf32, #tpu.memory_space<vmem>>
    %dma_start3A_200 = arith.constant 0 : i32
    %dma_start3A_201 = tpu.memref_slice %arg5[%dma_start3A_196, %dma_start3A_200] : memref<32x50xi32, #tpu.memory_space<vmem>> -> memref<1x50xi32, #tpu.memory_space<vmem>>
    %dma_start3A_202 = tpu.memref_squeeze %dma_start3A_201 : memref<1x50xi32, #tpu.memory_space<vmem>> -> memref<50xi32, #tpu.memory_space<vmem>>
    %dma_start3A_203 = arith.constant 0 : i32
    %dma_start3A_204 = arith.constant 0 : i32
    %dma_start3A_205 = tpu.memref_slice %arg2[%dma_start3A_203, %dma_start3A_204] : memref<1000000x32xf32, #tpu.memory_space<hbm>> -> memref<1000000x32xf32, #tpu.memory_space<hbm>>
    tpu.enqueue_indirect_dma source(%dma_start3A_205 : memref<1000000x32xf32, #tpu.memory_space<hbm>>) target(%dma_start3A_199 : memref<50x32xf32, #tpu.memory_space<vmem>>) offsets(%dma_start3A_202 : memref<50xi32, #tpu.memory_space<vmem>>) semaphore(%arg9 : memref<!tpu.dma_semaphore, #tpu.memory_space<semaphore_mem>>)
    %dma_start3A_206 = arith.constant 20 : i32
    %dma_start3A_207 = arith.constant 1000 : i32
    %dma_start3A_208 = arith.constant 0 : i32
    %dma_start3A_209 = tpu.memref_slice %arg7[%dma_start3A_207, %dma_start3A_208] : memref<1600x32xf32, #tpu.memory_space<vmem>> -> memref<50x32xf32, #tpu.memory_space<vmem>>
    %dma_start3A_210 = arith.constant 0 : i32
    %dma_start3A_211 = tpu.memref_slice %arg5[%dma_start3A_206, %dma_start3A_210] : memref<32x50xi32, #tpu.memory_space<vmem>> -> memref<1x50xi32, #tpu.memory_space<vmem>>
    %dma_start3A_212 = tpu.memref_squeeze %dma_start3A_211 : memref<1x50xi32, #tpu.memory_space<vmem>> -> memref<50xi32, #tpu.memory_space<vmem>>
    %dma_start3A_213 = arith.constant 0 : i32
    %dma_start3A_214 = arith.constant 0 : i32
    %dma_start3A_215 = tpu.memref_slice %arg2[%dma_start3A_213, %dma_start3A_214] : memref<1000000x32xf32, #tpu.memory_space<hbm>> -> memref<1000000x32xf32, #tpu.memory_space<hbm>>
    tpu.enqueue_indirect_dma source(%dma_start3A_215 : memref<1000000x32xf32, #tpu.memory_space<hbm>>) target(%dma_start3A_209 : memref<50x32xf32, #tpu.memory_space<vmem>>) offsets(%dma_start3A_212 : memref<50xi32, #tpu.memory_space<vmem>>) semaphore(%arg9 : memref<!tpu.dma_semaphore, #tpu.memory_space<semaphore_mem>>)
    %dma_start3A_216 = arith.constant 21 : i32
    %dma_start3A_217 = arith.constant 1050 : i32
    %dma_start3A_218 = arith.constant 0 : i32
    %dma_start3A_219 = tpu.memref_slice %arg7[%dma_start3A_217, %dma_start3A_218] : memref<1600x32xf32, #tpu.memory_space<vmem>> -> memref<50x32xf32, #tpu.memory_space<vmem>>
    %dma_start3A_220 = arith.constant 0 : i32
    %dma_start3A_221 = tpu.memref_slice %arg5[%dma_start3A_216, %dma_start3A_220] : memref<32x50xi32, #tpu.memory_space<vmem>> -> memref<1x50xi32, #tpu.memory_space<vmem>>
    %dma_start3A_222 = tpu.memref_squeeze %dma_start3A_221 : memref<1x50xi32, #tpu.memory_space<vmem>> -> memref<50xi32, #tpu.memory_space<vmem>>
    %dma_start3A_223 = arith.constant 0 : i32
    %dma_start3A_224 = arith.constant 0 : i32
    %dma_start3A_225 = tpu.memref_slice %arg2[%dma_start3A_223, %dma_start3A_224] : memref<1000000x32xf32, #tpu.memory_space<hbm>> -> memref<1000000x32xf32, #tpu.memory_space<hbm>>
    tpu.enqueue_indirect_dma source(%dma_start3A_225 : memref<1000000x32xf32, #tpu.memory_space<hbm>>) target(%dma_start3A_219 : memref<50x32xf32, #tpu.memory_space<vmem>>) offsets(%dma_start3A_222 : memref<50xi32, #tpu.memory_space<vmem>>) semaphore(%arg9 : memref<!tpu.dma_semaphore, #tpu.memory_space<semaphore_mem>>)
    %dma_start3A_226 = arith.constant 22 : i32
    %dma_start3A_227 = arith.constant 1100 : i32
    %dma_start3A_228 = arith.constant 0 : i32
    %dma_start3A_229 = tpu.memref_slice %arg7[%dma_start3A_227, %dma_start3A_228] : memref<1600x32xf32, #tpu.memory_space<vmem>> -> memref<50x32xf32, #tpu.memory_space<vmem>>
    %dma_start3A_230 = arith.constant 0 : i32
    %dma_start3A_231 = tpu.memref_slice %arg5[%dma_start3A_226, %dma_start3A_230] : memref<32x50xi32, #tpu.memory_space<vmem>> -> memref<1x50xi32, #tpu.memory_space<vmem>>
    %dma_start3A_232 = tpu.memref_squeeze %dma_start3A_231 : memref<1x50xi32, #tpu.memory_space<vmem>> -> memref<50xi32, #tpu.memory_space<vmem>>
    %dma_start3A_233 = arith.constant 0 : i32
    %dma_start3A_234 = arith.constant 0 : i32
    %dma_start3A_235 = tpu.memref_slice %arg2[%dma_start3A_233, %dma_start3A_234] : memref<1000000x32xf32, #tpu.memory_space<hbm>> -> memref<1000000x32xf32, #tpu.memory_space<hbm>>
    tpu.enqueue_indirect_dma source(%dma_start3A_235 : memref<1000000x32xf32, #tpu.memory_space<hbm>>) target(%dma_start3A_229 : memref<50x32xf32, #tpu.memory_space<vmem>>) offsets(%dma_start3A_232 : memref<50xi32, #tpu.memory_space<vmem>>) semaphore(%arg9 : memref<!tpu.dma_semaphore, #tpu.memory_space<semaphore_mem>>)
    %dma_start3A_236 = arith.constant 23 : i32
    %dma_start3A_237 = arith.constant 1150 : i32
    %dma_start3A_238 = arith.constant 0 : i32
    %dma_start3A_239 = tpu.memref_slice %arg7[%dma_start3A_237, %dma_start3A_238] : memref<1600x32xf32, #tpu.memory_space<vmem>> -> memref<50x32xf32, #tpu.memory_space<vmem>>
    %dma_start3A_240 = arith.constant 0 : i32
    %dma_start3A_241 = tpu.memref_slice %arg5[%dma_start3A_236, %dma_start3A_240] : memref<32x50xi32, #tpu.memory_space<vmem>> -> memref<1x50xi32, #tpu.memory_space<vmem>>
    %dma_start3A_242 = tpu.memref_squeeze %dma_start3A_241 : memref<1x50xi32, #tpu.memory_space<vmem>> -> memref<50xi32, #tpu.memory_space<vmem>>
    %dma_start3A_243 = arith.constant 0 : i32
    %dma_start3A_244 = arith.constant 0 : i32
    %dma_start3A_245 = tpu.memref_slice %arg2[%dma_start3A_243, %dma_start3A_244] : memref<1000000x32xf32, #tpu.memory_space<hbm>> -> memref<1000000x32xf32, #tpu.memory_space<hbm>>
    tpu.enqueue_indirect_dma source(%dma_start3A_245 : memref<1000000x32xf32, #tpu.memory_space<hbm>>) target(%dma_start3A_239 : memref<50x32xf32, #tpu.memory_space<vmem>>) offsets(%dma_start3A_242 : memref<50xi32, #tpu.memory_space<vmem>>) semaphore(%arg9 : memref<!tpu.dma_semaphore, #tpu.memory_space<semaphore_mem>>)
    %dma_start3A_246 = arith.constant 24 : i32
    %dma_start3A_247 = arith.constant 1200 : i32
    %dma_start3A_248 = arith.constant 0 : i32
    %dma_start3A_249 = tpu.memref_slice %arg7[%dma_start3A_247, %dma_start3A_248] : memref<1600x32xf32, #tpu.memory_space<vmem>> -> memref<50x32xf32, #tpu.memory_space<vmem>>
    %dma_start3A_250 = arith.constant 0 : i32
    %dma_start3A_251 = tpu.memref_slice %arg5[%dma_start3A_246, %dma_start3A_250] : memref<32x50xi32, #tpu.memory_space<vmem>> -> memref<1x50xi32, #tpu.memory_space<vmem>>
    %dma_start3A_252 = tpu.memref_squeeze %dma_start3A_251 : memref<1x50xi32, #tpu.memory_space<vmem>> -> memref<50xi32, #tpu.memory_space<vmem>>
    %dma_start3A_253 = arith.constant 0 : i32
    %dma_start3A_254 = arith.constant 0 : i32
    %dma_start3A_255 = tpu.memref_slice %arg2[%dma_start3A_253, %dma_start3A_254] : memref<1000000x32xf32, #tpu.memory_space<hbm>> -> memref<1000000x32xf32, #tpu.memory_space<hbm>>
    tpu.enqueue_indirect_dma source(%dma_start3A_255 : memref<1000000x32xf32, #tpu.memory_space<hbm>>) target(%dma_start3A_249 : memref<50x32xf32, #tpu.memory_space<vmem>>) offsets(%dma_start3A_252 : memref<50xi32, #tpu.memory_space<vmem>>) semaphore(%arg9 : memref<!tpu.dma_semaphore, #tpu.memory_space<semaphore_mem>>)
    %dma_start3A_256 = arith.constant 25 : i32
    %dma_start3A_257 = arith.constant 1250 : i32
    %dma_start3A_258 = arith.constant 0 : i32
    %dma_start3A_259 = tpu.memref_slice %arg7[%dma_start3A_257, %dma_start3A_258] : memref<1600x32xf32, #tpu.memory_space<vmem>> -> memref<50x32xf32, #tpu.memory_space<vmem>>
    %dma_start3A_260 = arith.constant 0 : i32
    %dma_start3A_261 = tpu.memref_slice %arg5[%dma_start3A_256, %dma_start3A_260] : memref<32x50xi32, #tpu.memory_space<vmem>> -> memref<1x50xi32, #tpu.memory_space<vmem>>
    %dma_start3A_262 = tpu.memref_squeeze %dma_start3A_261 : memref<1x50xi32, #tpu.memory_space<vmem>> -> memref<50xi32, #tpu.memory_space<vmem>>
    %dma_start3A_263 = arith.constant 0 : i32
    %dma_start3A_264 = arith.constant 0 : i32
    %dma_start3A_265 = tpu.memref_slice %arg2[%dma_start3A_263, %dma_start3A_264] : memref<1000000x32xf32, #tpu.memory_space<hbm>> -> memref<1000000x32xf32, #tpu.memory_space<hbm>>
    tpu.enqueue_indirect_dma source(%dma_start3A_265 : memref<1000000x32xf32, #tpu.memory_space<hbm>>) target(%dma_start3A_259 : memref<50x32xf32, #tpu.memory_space<vmem>>) offsets(%dma_start3A_262 : memref<50xi32, #tpu.memory_space<vmem>>) semaphore(%arg9 : memref<!tpu.dma_semaphore, #tpu.memory_space<semaphore_mem>>)
    %dma_start3A_266 = arith.constant 26 : i32
    %dma_start3A_267 = arith.constant 1300 : i32
    %dma_start3A_268 = arith.constant 0 : i32
    %dma_start3A_269 = tpu.memref_slice %arg7[%dma_start3A_267, %dma_start3A_268] : memref<1600x32xf32, #tpu.memory_space<vmem>> -> memref<50x32xf32, #tpu.memory_space<vmem>>
    %dma_start3A_270 = arith.constant 0 : i32
    %dma_start3A_271 = tpu.memref_slice %arg5[%dma_start3A_266, %dma_start3A_270] : memref<32x50xi32, #tpu.memory_space<vmem>> -> memref<1x50xi32, #tpu.memory_space<vmem>>
    %dma_start3A_272 = tpu.memref_squeeze %dma_start3A_271 : memref<1x50xi32, #tpu.memory_space<vmem>> -> memref<50xi32, #tpu.memory_space<vmem>>
    %dma_start3A_273 = arith.constant 0 : i32
    %dma_start3A_274 = arith.constant 0 : i32
    %dma_start3A_275 = tpu.memref_slice %arg2[%dma_start3A_273, %dma_start3A_274] : memref<1000000x32xf32, #tpu.memory_space<hbm>> -> memref<1000000x32xf32, #tpu.memory_space<hbm>>
    tpu.enqueue_indirect_dma source(%dma_start3A_275 : memref<1000000x32xf32, #tpu.memory_space<hbm>>) target(%dma_start3A_269 : memref<50x32xf32, #tpu.memory_space<vmem>>) offsets(%dma_start3A_272 : memref<50xi32, #tpu.memory_space<vmem>>) semaphore(%arg9 : memref<!tpu.dma_semaphore, #tpu.memory_space<semaphore_mem>>)
    %dma_start3A_276 = arith.constant 27 : i32
    %dma_start3A_277 = arith.constant 1350 : i32
    %dma_start3A_278 = arith.constant 0 : i32
    %dma_start3A_279 = tpu.memref_slice %arg7[%dma_start3A_277, %dma_start3A_278] : memref<1600x32xf32, #tpu.memory_space<vmem>> -> memref<50x32xf32, #tpu.memory_space<vmem>>
    %dma_start3A_280 = arith.constant 0 : i32
    %dma_start3A_281 = tpu.memref_slice %arg5[%dma_start3A_276, %dma_start3A_280] : memref<32x50xi32, #tpu.memory_space<vmem>> -> memref<1x50xi32, #tpu.memory_space<vmem>>
    %dma_start3A_282 = tpu.memref_squeeze %dma_start3A_281 : memref<1x50xi32, #tpu.memory_space<vmem>> -> memref<50xi32, #tpu.memory_space<vmem>>
    %dma_start3A_283 = arith.constant 0 : i32
    %dma_start3A_284 = arith.constant 0 : i32
    %dma_start3A_285 = tpu.memref_slice %arg2[%dma_start3A_283, %dma_start3A_284] : memref<1000000x32xf32, #tpu.memory_space<hbm>> -> memref<1000000x32xf32, #tpu.memory_space<hbm>>
    tpu.enqueue_indirect_dma source(%dma_start3A_285 : memref<1000000x32xf32, #tpu.memory_space<hbm>>) target(%dma_start3A_279 : memref<50x32xf32, #tpu.memory_space<vmem>>) offsets(%dma_start3A_282 : memref<50xi32, #tpu.memory_space<vmem>>) semaphore(%arg9 : memref<!tpu.dma_semaphore, #tpu.memory_space<semaphore_mem>>)
    %dma_start3A_286 = arith.constant 28 : i32
    %dma_start3A_287 = arith.constant 1400 : i32
    %dma_start3A_288 = arith.constant 0 : i32
    %dma_start3A_289 = tpu.memref_slice %arg7[%dma_start3A_287, %dma_start3A_288] : memref<1600x32xf32, #tpu.memory_space<vmem>> -> memref<50x32xf32, #tpu.memory_space<vmem>>
    %dma_start3A_290 = arith.constant 0 : i32
    %dma_start3A_291 = tpu.memref_slice %arg5[%dma_start3A_286, %dma_start3A_290] : memref<32x50xi32, #tpu.memory_space<vmem>> -> memref<1x50xi32, #tpu.memory_space<vmem>>
    %dma_start3A_292 = tpu.memref_squeeze %dma_start3A_291 : memref<1x50xi32, #tpu.memory_space<vmem>> -> memref<50xi32, #tpu.memory_space<vmem>>
    %dma_start3A_293 = arith.constant 0 : i32
    %dma_start3A_294 = arith.constant 0 : i32
    %dma_start3A_295 = tpu.memref_slice %arg2[%dma_start3A_293, %dma_start3A_294] : memref<1000000x32xf32, #tpu.memory_space<hbm>> -> memref<1000000x32xf32, #tpu.memory_space<hbm>>
    tpu.enqueue_indirect_dma source(%dma_start3A_295 : memref<1000000x32xf32, #tpu.memory_space<hbm>>) target(%dma_start3A_289 : memref<50x32xf32, #tpu.memory_space<vmem>>) offsets(%dma_start3A_292 : memref<50xi32, #tpu.memory_space<vmem>>) semaphore(%arg9 : memref<!tpu.dma_semaphore, #tpu.memory_space<semaphore_mem>>)
    %dma_start3A_296 = arith.constant 29 : i32
    %dma_start3A_297 = arith.constant 1450 : i32
    %dma_start3A_298 = arith.constant 0 : i32
    %dma_start3A_299 = tpu.memref_slice %arg7[%dma_start3A_297, %dma_start3A_298] : memref<1600x32xf32, #tpu.memory_space<vmem>> -> memref<50x32xf32, #tpu.memory_space<vmem>>
    %dma_start3A_300 = arith.constant 0 : i32
    %dma_start3A_301 = tpu.memref_slice %arg5[%dma_start3A_296, %dma_start3A_300] : memref<32x50xi32, #tpu.memory_space<vmem>> -> memref<1x50xi32, #tpu.memory_space<vmem>>
    %dma_start3A_302 = tpu.memref_squeeze %dma_start3A_301 : memref<1x50xi32, #tpu.memory_space<vmem>> -> memref<50xi32, #tpu.memory_space<vmem>>
    %dma_start3A_303 = arith.constant 0 : i32
    %dma_start3A_304 = arith.constant 0 : i32
    %dma_start3A_305 = tpu.memref_slice %arg2[%dma_start3A_303, %dma_start3A_304] : memref<1000000x32xf32, #tpu.memory_space<hbm>> -> memref<1000000x32xf32, #tpu.memory_space<hbm>>
    tpu.enqueue_indirect_dma source(%dma_start3A_305 : memref<1000000x32xf32, #tpu.memory_space<hbm>>) target(%dma_start3A_299 : memref<50x32xf32, #tpu.memory_space<vmem>>) offsets(%dma_start3A_302 : memref<50xi32, #tpu.memory_space<vmem>>) semaphore(%arg9 : memref<!tpu.dma_semaphore, #tpu.memory_space<semaphore_mem>>)
    %dma_start3A_306 = arith.constant 30 : i32
    %dma_start3A_307 = arith.constant 1500 : i32
    %dma_start3A_308 = arith.constant 0 : i32
    %dma_start3A_309 = tpu.memref_slice %arg7[%dma_start3A_307, %dma_start3A_308] : memref<1600x32xf32, #tpu.memory_space<vmem>> -> memref<50x32xf32, #tpu.memory_space<vmem>>
    %dma_start3A_310 = arith.constant 0 : i32
    %dma_start3A_311 = tpu.memref_slice %arg5[%dma_start3A_306, %dma_start3A_310] : memref<32x50xi32, #tpu.memory_space<vmem>> -> memref<1x50xi32, #tpu.memory_space<vmem>>
    %dma_start3A_312 = tpu.memref_squeeze %dma_start3A_311 : memref<1x50xi32, #tpu.memory_space<vmem>> -> memref<50xi32, #tpu.memory_space<vmem>>
    %dma_start3A_313 = arith.constant 0 : i32
    %dma_start3A_314 = arith.constant 0 : i32
    %dma_start3A_315 = tpu.memref_slice %arg2[%dma_start3A_313, %dma_start3A_314] : memref<1000000x32xf32, #tpu.memory_space<hbm>> -> memref<1000000x32xf32, #tpu.memory_space<hbm>>
    tpu.enqueue_indirect_dma source(%dma_start3A_315 : memref<1000000x32xf32, #tpu.memory_space<hbm>>) target(%dma_start3A_309 : memref<50x32xf32, #tpu.memory_space<vmem>>) offsets(%dma_start3A_312 : memref<50xi32, #tpu.memory_space<vmem>>) semaphore(%arg9 : memref<!tpu.dma_semaphore, #tpu.memory_space<semaphore_mem>>)
    %dma_start3A_316 = arith.constant 31 : i32
    %dma_start3A_317 = arith.constant 1550 : i32
    %dma_start3A_318 = arith.constant 0 : i32
    %dma_start3A_319 = tpu.memref_slice %arg7[%dma_start3A_317, %dma_start3A_318] : memref<1600x32xf32, #tpu.memory_space<vmem>> -> memref<50x32xf32, #tpu.memory_space<vmem>>
    %dma_start3A_320 = arith.constant 0 : i32
    %dma_start3A_321 = tpu.memref_slice %arg5[%dma_start3A_316, %dma_start3A_320] : memref<32x50xi32, #tpu.memory_space<vmem>> -> memref<1x50xi32, #tpu.memory_space<vmem>>
    %dma_start3A_322 = tpu.memref_squeeze %dma_start3A_321 : memref<1x50xi32, #tpu.memory_space<vmem>> -> memref<50xi32, #tpu.memory_space<vmem>>
    %dma_start3A_323 = arith.constant 0 : i32
    %dma_start3A_324 = arith.constant 0 : i32
    %dma_start3A_325 = tpu.memref_slice %arg2[%dma_start3A_323, %dma_start3A_324] : memref<1000000x32xf32, #tpu.memory_space<hbm>> -> memref<1000000x32xf32, #tpu.memory_space<hbm>>
    tpu.enqueue_indirect_dma source(%dma_start3A_325 : memref<1000000x32xf32, #tpu.memory_space<hbm>>) target(%dma_start3A_319 : memref<50x32xf32, #tpu.memory_space<vmem>>) offsets(%dma_start3A_322 : memref<50xi32, #tpu.memory_space<vmem>>) semaphore(%arg9 : memref<!tpu.dma_semaphore, #tpu.memory_space<semaphore_mem>>)
    %scan3A = arith.constant 0 : i32
    %scan3A_326 = arith.constant 8 : i32
    %scan3A_327 = arith.addi %scan3A, %scan3A_326 : i32
    %scan3A_328 = arith.constant 1 : i32
    scf.for %scan3A_330 = %scan3A to %scan3A_327 step %scan3A_328  : i32 {
      %mul3A_331 = arith.constant 2 : i32
      %mul3A_332 = arith.muli %scan3A_330, %mul3A_331 : i32
      %add3A_333 = arith.constant 0 : i32
      %add3A_334 = arith.addi %add3A_333, %mul3A_332 : i32
      %add3A_335 = arith.constant 1 : i32
      %add3A_336 = arith.addi %add3A_334, %add3A_335 : i32
      %mul3A_337 = arith.constant 1600 : i32
      %mul3A_338 = arith.muli %add3A_336, %mul3A_337 : i32
      %add3A_339 = arith.addi %mul3A_2, %mul3A_338 : i32
      %add3A_340 = arith.constant 1 : i32
      %add3A_341 = arith.addi %add3A_334, %add3A_340 : i32
      %mul3A_342 = arith.constant 32 : i32
      %mul3A_343 = arith.muli %add3A_341, %mul3A_342 : i32
      %add3A_344 = arith.addi %mul3A_4, %mul3A_343 : i32
      "tpu.region"() ({
        %run_scoped3A = tpu.sem_alloc : memref<!tpu.dma_semaphore, #tpu.memory_space<semaphore_mem>>
        %dma_start3A_1311 = arith.constant 0 : i32
        %dma_start3A_1312 = tpu.memref_slice %arg3[%add3A_344, %dma_start3A_1311] : memref<16384x50xi32, #tpu.memory_space<hbm>> -> memref<32x50xi32, #tpu.memory_space<hbm>>
        %dma_start3A_1313 = arith.constant 0 : i32
        %dma_start3A_1314 = tpu.memref_slice %arg3[%add3A_344, %dma_start3A_1313] : memref<16384x50xi32, #tpu.memory_space<hbm>> -> memref<32x50xi32, #tpu.memory_space<hbm>>
        tpu.enqueue_dma source(%dma_start3A_1314 : memref<32x50xi32, #tpu.memory_space<hbm>>) target(%arg6 : memref<32x50xi32, #tpu.memory_space<vmem>>) target_semaphore(%run_scoped3A : memref<!tpu.dma_semaphore, #tpu.memory_space<semaphore_mem>>)
        %dma_wait3A_1315 = arith.constant 0 : i32
        %dma_wait3A_1316 = tpu.memref_slice %arg3[%add3A_344, %dma_wait3A_1315] : memref<16384x50xi32, #tpu.memory_space<hbm>> -> memref<32x50xi32, #tpu.memory_space<hbm>>
        %dma_wait3A_1317 = arith.constant 0 : i32
        %dma_wait3A_1318 = tpu.memref_slice %arg3[%add3A_344, %dma_wait3A_1317] : memref<16384x50xi32, #tpu.memory_space<hbm>> -> memref<32x50xi32, #tpu.memory_space<hbm>>
        tpu.wait_dma2 semaphore(%run_scoped3A : memref<!tpu.dma_semaphore, #tpu.memory_space<semaphore_mem>>) src(%dma_wait3A_1318 : memref<32x50xi32, #tpu.memory_space<hbm>>) dst(%arg6 : memref<32x50xi32, #tpu.memory_space<vmem>>)
        tpu.yield
      }) : () -> ()
      %dma_start3A_345 = arith.constant 0 : i32
      %dma_start3A_346 = arith.constant 0 : i32
      %dma_start3A_347 = arith.constant 0 : i32
      %dma_start3A_348 = tpu.memref_slice %arg8[%dma_start3A_346, %dma_start3A_347] : memref<1600x32xf32, #tpu.memory_space<vmem>> -> memref<50x32xf32, #tpu.memory_space<vmem>>
      %dma_start3A_349 = arith.constant 0 : i32
      %dma_start3A_350 = tpu.memref_slice %arg6[%dma_start3A_345, %dma_start3A_349] : memref<32x50xi32, #tpu.memory_space<vmem>> -> memref<1x50xi32, #tpu.memory_space<vmem>>
      %dma_start3A_351 = tpu.memref_squeeze %dma_start3A_350 : memref<1x50xi32, #tpu.memory_space<vmem>> -> memref<50xi32, #tpu.memory_space<vmem>>
      %dma_start3A_352 = arith.constant 0 : i32
      %dma_start3A_353 = arith.constant 0 : i32
      %dma_start3A_354 = tpu.memref_slice %arg2[%dma_start3A_352, %dma_start3A_353] : memref<1000000x32xf32, #tpu.memory_space<hbm>> -> memref<1000000x32xf32, #tpu.memory_space<hbm>>
      tpu.enqueue_indirect_dma source(%dma_start3A_354 : memref<1000000x32xf32, #tpu.memory_space<hbm>>) target(%dma_start3A_348 : memref<50x32xf32, #tpu.memory_space<vmem>>) offsets(%dma_start3A_351 : memref<50xi32, #tpu.memory_space<vmem>>) semaphore(%arg10 : memref<!tpu.dma_semaphore, #tpu.memory_space<semaphore_mem>>)
      %dma_start3A_355 = arith.constant 1 : i32
      %dma_start3A_356 = arith.constant 50 : i32
      %dma_start3A_357 = arith.constant 0 : i32
      %dma_start3A_358 = tpu.memref_slice %arg8[%dma_start3A_356, %dma_start3A_357] : memref<1600x32xf32, #tpu.memory_space<vmem>> -> memref<50x32xf32, #tpu.memory_space<vmem>>
      %dma_start3A_359 = arith.constant 0 : i32
      %dma_start3A_360 = tpu.memref_slice %arg6[%dma_start3A_355, %dma_start3A_359] : memref<32x50xi32, #tpu.memory_space<vmem>> -> memref<1x50xi32, #tpu.memory_space<vmem>>
      %dma_start3A_361 = tpu.memref_squeeze %dma_start3A_360 : memref<1x50xi32, #tpu.memory_space<vmem>> -> memref<50xi32, #tpu.memory_space<vmem>>
      %dma_start3A_362 = arith.constant 0 : i32
      %dma_start3A_363 = arith.constant 0 : i32
      %dma_start3A_364 = tpu.memref_slice %arg2[%dma_start3A_362, %dma_start3A_363] : memref<1000000x32xf32, #tpu.memory_space<hbm>> -> memref<1000000x32xf32, #tpu.memory_space<hbm>>
      tpu.enqueue_indirect_dma source(%dma_start3A_364 : memref<1000000x32xf32, #tpu.memory_space<hbm>>) target(%dma_start3A_358 : memref<50x32xf32, #tpu.memory_space<vmem>>) offsets(%dma_start3A_361 : memref<50xi32, #tpu.memory_space<vmem>>) semaphore(%arg10 : memref<!tpu.dma_semaphore, #tpu.memory_space<semaphore_mem>>)
      %dma_start3A_365 = arith.constant 2 : i32
      %dma_start3A_366 = arith.constant 100 : i32
      %dma_start3A_367 = arith.constant 0 : i32
      %dma_start3A_368 = tpu.memref_slice %arg8[%dma_start3A_366, %dma_start3A_367] : memref<1600x32xf32, #tpu.memory_space<vmem>> -> memref<50x32xf32, #tpu.memory_space<vmem>>
      %dma_start3A_369 = arith.constant 0 : i32
      %dma_start3A_370 = tpu.memref_slice %arg6[%dma_start3A_365, %dma_start3A_369] : memref<32x50xi32, #tpu.memory_space<vmem>> -> memref<1x50xi32, #tpu.memory_space<vmem>>
      %dma_start3A_371 = tpu.memref_squeeze %dma_start3A_370 : memref<1x50xi32, #tpu.memory_space<vmem>> -> memref<50xi32, #tpu.memory_space<vmem>>
      %dma_start3A_372 = arith.constant 0 : i32
      %dma_start3A_373 = arith.constant 0 : i32
      %dma_start3A_374 = tpu.memref_slice %arg2[%dma_start3A_372, %dma_start3A_373] : memref<1000000x32xf32, #tpu.memory_space<hbm>> -> memref<1000000x32xf32, #tpu.memory_space<hbm>>
      tpu.enqueue_indirect_dma source(%dma_start3A_374 : memref<1000000x32xf32, #tpu.memory_space<hbm>>) target(%dma_start3A_368 : memref<50x32xf32, #tpu.memory_space<vmem>>) offsets(%dma_start3A_371 : memref<50xi32, #tpu.memory_space<vmem>>) semaphore(%arg10 : memref<!tpu.dma_semaphore, #tpu.memory_space<semaphore_mem>>)
      %dma_start3A_375 = arith.constant 3 : i32
      %dma_start3A_376 = arith.constant 150 : i32
      %dma_start3A_377 = arith.constant 0 : i32
      %dma_start3A_378 = tpu.memref_slice %arg8[%dma_start3A_376, %dma_start3A_377] : memref<1600x32xf32, #tpu.memory_space<vmem>> -> memref<50x32xf32, #tpu.memory_space<vmem>>
      %dma_start3A_379 = arith.constant 0 : i32
      %dma_start3A_380 = tpu.memref_slice %arg6[%dma_start3A_375, %dma_start3A_379] : memref<32x50xi32, #tpu.memory_space<vmem>> -> memref<1x50xi32, #tpu.memory_space<vmem>>
      %dma_start3A_381 = tpu.memref_squeeze %dma_start3A_380 : memref<1x50xi32, #tpu.memory_space<vmem>> -> memref<50xi32, #tpu.memory_space<vmem>>
      %dma_start3A_382 = arith.constant 0 : i32
      %dma_start3A_383 = arith.constant 0 : i32
      %dma_start3A_384 = tpu.memref_slice %arg2[%dma_start3A_382, %dma_start3A_383] : memref<1000000x32xf32, #tpu.memory_space<hbm>> -> memref<1000000x32xf32, #tpu.memory_space<hbm>>
      tpu.enqueue_indirect_dma source(%dma_start3A_384 : memref<1000000x32xf32, #tpu.memory_space<hbm>>) target(%dma_start3A_378 : memref<50x32xf32, #tpu.memory_space<vmem>>) offsets(%dma_start3A_381 : memref<50xi32, #tpu.memory_space<vmem>>) semaphore(%arg10 : memref<!tpu.dma_semaphore, #tpu.memory_space<semaphore_mem>>)
      %dma_start3A_385 = arith.constant 4 : i32
      %dma_start3A_386 = arith.constant 200 : i32
      %dma_start3A_387 = arith.constant 0 : i32
      %dma_start3A_388 = tpu.memref_slice %arg8[%dma_start3A_386, %dma_start3A_387] : memref<1600x32xf32, #tpu.memory_space<vmem>> -> memref<50x32xf32, #tpu.memory_space<vmem>>
      %dma_start3A_389 = arith.constant 0 : i32
      %dma_start3A_390 = tpu.memref_slice %arg6[%dma_start3A_385, %dma_start3A_389] : memref<32x50xi32, #tpu.memory_space<vmem>> -> memref<1x50xi32, #tpu.memory_space<vmem>>
      %dma_start3A_391 = tpu.memref_squeeze %dma_start3A_390 : memref<1x50xi32, #tpu.memory_space<vmem>> -> memref<50xi32, #tpu.memory_space<vmem>>
      %dma_start3A_392 = arith.constant 0 : i32
      %dma_start3A_393 = arith.constant 0 : i32
      %dma_start3A_394 = tpu.memref_slice %arg2[%dma_start3A_392, %dma_start3A_393] : memref<1000000x32xf32, #tpu.memory_space<hbm>> -> memref<1000000x32xf32, #tpu.memory_space<hbm>>
      tpu.enqueue_indirect_dma source(%dma_start3A_394 : memref<1000000x32xf32, #tpu.memory_space<hbm>>) target(%dma_start3A_388 : memref<50x32xf32, #tpu.memory_space<vmem>>) offsets(%dma_start3A_391 : memref<50xi32, #tpu.memory_space<vmem>>) semaphore(%arg10 : memref<!tpu.dma_semaphore, #tpu.memory_space<semaphore_mem>>)
      %dma_start3A_395 = arith.constant 5 : i32
      %dma_start3A_396 = arith.constant 250 : i32
      %dma_start3A_397 = arith.constant 0 : i32
      %dma_start3A_398 = tpu.memref_slice %arg8[%dma_start3A_396, %dma_start3A_397] : memref<1600x32xf32, #tpu.memory_space<vmem>> -> memref<50x32xf32, #tpu.memory_space<vmem>>
      %dma_start3A_399 = arith.constant 0 : i32
      %dma_start3A_400 = tpu.memref_slice %arg6[%dma_start3A_395, %dma_start3A_399] : memref<32x50xi32, #tpu.memory_space<vmem>> -> memref<1x50xi32, #tpu.memory_space<vmem>>
      %dma_start3A_401 = tpu.memref_squeeze %dma_start3A_400 : memref<1x50xi32, #tpu.memory_space<vmem>> -> memref<50xi32, #tpu.memory_space<vmem>>
      %dma_start3A_402 = arith.constant 0 : i32
      %dma_start3A_403 = arith.constant 0 : i32
      %dma_start3A_404 = tpu.memref_slice %arg2[%dma_start3A_402, %dma_start3A_403] : memref<1000000x32xf32, #tpu.memory_space<hbm>> -> memref<1000000x32xf32, #tpu.memory_space<hbm>>
      tpu.enqueue_indirect_dma source(%dma_start3A_404 : memref<1000000x32xf32, #tpu.memory_space<hbm>>) target(%dma_start3A_398 : memref<50x32xf32, #tpu.memory_space<vmem>>) offsets(%dma_start3A_401 : memref<50xi32, #tpu.memory_space<vmem>>) semaphore(%arg10 : memref<!tpu.dma_semaphore, #tpu.memory_space<semaphore_mem>>)
      %dma_start3A_405 = arith.constant 6 : i32
      %dma_start3A_406 = arith.constant 300 : i32
      %dma_start3A_407 = arith.constant 0 : i32
      %dma_start3A_408 = tpu.memref_slice %arg8[%dma_start3A_406, %dma_start3A_407] : memref<1600x32xf32, #tpu.memory_space<vmem>> -> memref<50x32xf32, #tpu.memory_space<vmem>>
      %dma_start3A_409 = arith.constant 0 : i32
      %dma_start3A_410 = tpu.memref_slice %arg6[%dma_start3A_405, %dma_start3A_409] : memref<32x50xi32, #tpu.memory_space<vmem>> -> memref<1x50xi32, #tpu.memory_space<vmem>>
      %dma_start3A_411 = tpu.memref_squeeze %dma_start3A_410 : memref<1x50xi32, #tpu.memory_space<vmem>> -> memref<50xi32, #tpu.memory_space<vmem>>
      %dma_start3A_412 = arith.constant 0 : i32
      %dma_start3A_413 = arith.constant 0 : i32
      %dma_start3A_414 = tpu.memref_slice %arg2[%dma_start3A_412, %dma_start3A_413] : memref<1000000x32xf32, #tpu.memory_space<hbm>> -> memref<1000000x32xf32, #tpu.memory_space<hbm>>
      tpu.enqueue_indirect_dma source(%dma_start3A_414 : memref<1000000x32xf32, #tpu.memory_space<hbm>>) target(%dma_start3A_408 : memref<50x32xf32, #tpu.memory_space<vmem>>) offsets(%dma_start3A_411 : memref<50xi32, #tpu.memory_space<vmem>>) semaphore(%arg10 : memref<!tpu.dma_semaphore, #tpu.memory_space<semaphore_mem>>)
      %dma_start3A_415 = arith.constant 7 : i32
      %dma_start3A_416 = arith.constant 350 : i32
      %dma_start3A_417 = arith.constant 0 : i32
      %dma_start3A_418 = tpu.memref_slice %arg8[%dma_start3A_416, %dma_start3A_417] : memref<1600x32xf32, #tpu.memory_space<vmem>> -> memref<50x32xf32, #tpu.memory_space<vmem>>
      %dma_start3A_419 = arith.constant 0 : i32
      %dma_start3A_420 = tpu.memref_slice %arg6[%dma_start3A_415, %dma_start3A_419] : memref<32x50xi32, #tpu.memory_space<vmem>> -> memref<1x50xi32, #tpu.memory_space<vmem>>
      %dma_start3A_421 = tpu.memref_squeeze %dma_start3A_420 : memref<1x50xi32, #tpu.memory_space<vmem>> -> memref<50xi32, #tpu.memory_space<vmem>>
      %dma_start3A_422 = arith.constant 0 : i32
      %dma_start3A_423 = arith.constant 0 : i32
      %dma_start3A_424 = tpu.memref_slice %arg2[%dma_start3A_422, %dma_start3A_423] : memref<1000000x32xf32, #tpu.memory_space<hbm>> -> memref<1000000x32xf32, #tpu.memory_space<hbm>>
      tpu.enqueue_indirect_dma source(%dma_start3A_424 : memref<1000000x32xf32, #tpu.memory_space<hbm>>) target(%dma_start3A_418 : memref<50x32xf32, #tpu.memory_space<vmem>>) offsets(%dma_start3A_421 : memref<50xi32, #tpu.memory_space<vmem>>) semaphore(%arg10 : memref<!tpu.dma_semaphore, #tpu.memory_space<semaphore_mem>>)
      %dma_start3A_425 = arith.constant 8 : i32
      %dma_start3A_426 = arith.constant 400 : i32
      %dma_start3A_427 = arith.constant 0 : i32
      %dma_start3A_428 = tpu.memref_slice %arg8[%dma_start3A_426, %dma_start3A_427] : memref<1600x32xf32, #tpu.memory_space<vmem>> -> memref<50x32xf32, #tpu.memory_space<vmem>>
      %dma_start3A_429 = arith.constant 0 : i32
      %dma_start3A_430 = tpu.memref_slice %arg6[%dma_start3A_425, %dma_start3A_429] : memref<32x50xi32, #tpu.memory_space<vmem>> -> memref<1x50xi32, #tpu.memory_space<vmem>>
      %dma_start3A_431 = tpu.memref_squeeze %dma_start3A_430 : memref<1x50xi32, #tpu.memory_space<vmem>> -> memref<50xi32, #tpu.memory_space<vmem>>
      %dma_start3A_432 = arith.constant 0 : i32
      %dma_start3A_433 = arith.constant 0 : i32
      %dma_start3A_434 = tpu.memref_slice %arg2[%dma_start3A_432, %dma_start3A_433] : memref<1000000x32xf32, #tpu.memory_space<hbm>> -> memref<1000000x32xf32, #tpu.memory_space<hbm>>
      tpu.enqueue_indirect_dma source(%dma_start3A_434 : memref<1000000x32xf32, #tpu.memory_space<hbm>>) target(%dma_start3A_428 : memref<50x32xf32, #tpu.memory_space<vmem>>) offsets(%dma_start3A_431 : memref<50xi32, #tpu.memory_space<vmem>>) semaphore(%arg10 : memref<!tpu.dma_semaphore, #tpu.memory_space<semaphore_mem>>)
      %dma_start3A_435 = arith.constant 9 : i32
      %dma_start3A_436 = arith.constant 450 : i32
      %dma_start3A_437 = arith.constant 0 : i32
      %dma_start3A_438 = tpu.memref_slice %arg8[%dma_start3A_436, %dma_start3A_437] : memref<1600x32xf32, #tpu.memory_space<vmem>> -> memref<50x32xf32, #tpu.memory_space<vmem>>
      %dma_start3A_439 = arith.constant 0 : i32
      %dma_start3A_440 = tpu.memref_slice %arg6[%dma_start3A_435, %dma_start3A_439] : memref<32x50xi32, #tpu.memory_space<vmem>> -> memref<1x50xi32, #tpu.memory_space<vmem>>
      %dma_start3A_441 = tpu.memref_squeeze %dma_start3A_440 : memref<1x50xi32, #tpu.memory_space<vmem>> -> memref<50xi32, #tpu.memory_space<vmem>>
      %dma_start3A_442 = arith.constant 0 : i32
      %dma_start3A_443 = arith.constant 0 : i32
      %dma_start3A_444 = tpu.memref_slice %arg2[%dma_start3A_442, %dma_start3A_443] : memref<1000000x32xf32, #tpu.memory_space<hbm>> -> memref<1000000x32xf32, #tpu.memory_space<hbm>>
      tpu.enqueue_indirect_dma source(%dma_start3A_444 : memref<1000000x32xf32, #tpu.memory_space<hbm>>) target(%dma_start3A_438 : memref<50x32xf32, #tpu.memory_space<vmem>>) offsets(%dma_start3A_441 : memref<50xi32, #tpu.memory_space<vmem>>) semaphore(%arg10 : memref<!tpu.dma_semaphore, #tpu.memory_space<semaphore_mem>>)
      %dma_start3A_445 = arith.constant 10 : i32
      %dma_start3A_446 = arith.constant 500 : i32
      %dma_start3A_447 = arith.constant 0 : i32
      %dma_start3A_448 = tpu.memref_slice %arg8[%dma_start3A_446, %dma_start3A_447] : memref<1600x32xf32, #tpu.memory_space<vmem>> -> memref<50x32xf32, #tpu.memory_space<vmem>>
      %dma_start3A_449 = arith.constant 0 : i32
      %dma_start3A_450 = tpu.memref_slice %arg6[%dma_start3A_445, %dma_start3A_449] : memref<32x50xi32, #tpu.memory_space<vmem>> -> memref<1x50xi32, #tpu.memory_space<vmem>>
      %dma_start3A_451 = tpu.memref_squeeze %dma_start3A_450 : memref<1x50xi32, #tpu.memory_space<vmem>> -> memref<50xi32, #tpu.memory_space<vmem>>
      %dma_start3A_452 = arith.constant 0 : i32
      %dma_start3A_453 = arith.constant 0 : i32
      %dma_start3A_454 = tpu.memref_slice %arg2[%dma_start3A_452, %dma_start3A_453] : memref<1000000x32xf32, #tpu.memory_space<hbm>> -> memref<1000000x32xf32, #tpu.memory_space<hbm>>
      tpu.enqueue_indirect_dma source(%dma_start3A_454 : memref<1000000x32xf32, #tpu.memory_space<hbm>>) target(%dma_start3A_448 : memref<50x32xf32, #tpu.memory_space<vmem>>) offsets(%dma_start3A_451 : memref<50xi32, #tpu.memory_space<vmem>>) semaphore(%arg10 : memref<!tpu.dma_semaphore, #tpu.memory_space<semaphore_mem>>)
      %dma_start3A_455 = arith.constant 11 : i32
      %dma_start3A_456 = arith.constant 550 : i32
      %dma_start3A_457 = arith.constant 0 : i32
      %dma_start3A_458 = tpu.memref_slice %arg8[%dma_start3A_456, %dma_start3A_457] : memref<1600x32xf32, #tpu.memory_space<vmem>> -> memref<50x32xf32, #tpu.memory_space<vmem>>
      %dma_start3A_459 = arith.constant 0 : i32
      %dma_start3A_460 = tpu.memref_slice %arg6[%dma_start3A_455, %dma_start3A_459] : memref<32x50xi32, #tpu.memory_space<vmem>> -> memref<1x50xi32, #tpu.memory_space<vmem>>
      %dma_start3A_461 = tpu.memref_squeeze %dma_start3A_460 : memref<1x50xi32, #tpu.memory_space<vmem>> -> memref<50xi32, #tpu.memory_space<vmem>>
      %dma_start3A_462 = arith.constant 0 : i32
      %dma_start3A_463 = arith.constant 0 : i32
      %dma_start3A_464 = tpu.memref_slice %arg2[%dma_start3A_462, %dma_start3A_463] : memref<1000000x32xf32, #tpu.memory_space<hbm>> -> memref<1000000x32xf32, #tpu.memory_space<hbm>>
      tpu.enqueue_indirect_dma source(%dma_start3A_464 : memref<1000000x32xf32, #tpu.memory_space<hbm>>) target(%dma_start3A_458 : memref<50x32xf32, #tpu.memory_space<vmem>>) offsets(%dma_start3A_461 : memref<50xi32, #tpu.memory_space<vmem>>) semaphore(%arg10 : memref<!tpu.dma_semaphore, #tpu.memory_space<semaphore_mem>>)
      %dma_start3A_465 = arith.constant 12 : i32
      %dma_start3A_466 = arith.constant 600 : i32
      %dma_start3A_467 = arith.constant 0 : i32
      %dma_start3A_468 = tpu.memref_slice %arg8[%dma_start3A_466, %dma_start3A_467] : memref<1600x32xf32, #tpu.memory_space<vmem>> -> memref<50x32xf32, #tpu.memory_space<vmem>>
      %dma_start3A_469 = arith.constant 0 : i32
      %dma_start3A_470 = tpu.memref_slice %arg6[%dma_start3A_465, %dma_start3A_469] : memref<32x50xi32, #tpu.memory_space<vmem>> -> memref<1x50xi32, #tpu.memory_space<vmem>>
      %dma_start3A_471 = tpu.memref_squeeze %dma_start3A_470 : memref<1x50xi32, #tpu.memory_space<vmem>> -> memref<50xi32, #tpu.memory_space<vmem>>
      %dma_start3A_472 = arith.constant 0 : i32
      %dma_start3A_473 = arith.constant 0 : i32
      %dma_start3A_474 = tpu.memref_slice %arg2[%dma_start3A_472, %dma_start3A_473] : memref<1000000x32xf32, #tpu.memory_space<hbm>> -> memref<1000000x32xf32, #tpu.memory_space<hbm>>
      tpu.enqueue_indirect_dma source(%dma_start3A_474 : memref<1000000x32xf32, #tpu.memory_space<hbm>>) target(%dma_start3A_468 : memref<50x32xf32, #tpu.memory_space<vmem>>) offsets(%dma_start3A_471 : memref<50xi32, #tpu.memory_space<vmem>>) semaphore(%arg10 : memref<!tpu.dma_semaphore, #tpu.memory_space<semaphore_mem>>)
      %dma_start3A_475 = arith.constant 13 : i32
      %dma_start3A_476 = arith.constant 650 : i32
      %dma_start3A_477 = arith.constant 0 : i32
      %dma_start3A_478 = tpu.memref_slice %arg8[%dma_start3A_476, %dma_start3A_477] : memref<1600x32xf32, #tpu.memory_space<vmem>> -> memref<50x32xf32, #tpu.memory_space<vmem>>
      %dma_start3A_479 = arith.constant 0 : i32
      %dma_start3A_480 = tpu.memref_slice %arg6[%dma_start3A_475, %dma_start3A_479] : memref<32x50xi32, #tpu.memory_space<vmem>> -> memref<1x50xi32, #tpu.memory_space<vmem>>
      %dma_start3A_481 = tpu.memref_squeeze %dma_start3A_480 : memref<1x50xi32, #tpu.memory_space<vmem>> -> memref<50xi32, #tpu.memory_space<vmem>>
      %dma_start3A_482 = arith.constant 0 : i32
      %dma_start3A_483 = arith.constant 0 : i32
      %dma_start3A_484 = tpu.memref_slice %arg2[%dma_start3A_482, %dma_start3A_483] : memref<1000000x32xf32, #tpu.memory_space<hbm>> -> memref<1000000x32xf32, #tpu.memory_space<hbm>>
      tpu.enqueue_indirect_dma source(%dma_start3A_484 : memref<1000000x32xf32, #tpu.memory_space<hbm>>) target(%dma_start3A_478 : memref<50x32xf32, #tpu.memory_space<vmem>>) offsets(%dma_start3A_481 : memref<50xi32, #tpu.memory_space<vmem>>) semaphore(%arg10 : memref<!tpu.dma_semaphore, #tpu.memory_space<semaphore_mem>>)
      %dma_start3A_485 = arith.constant 14 : i32
      %dma_start3A_486 = arith.constant 700 : i32
      %dma_start3A_487 = arith.constant 0 : i32
      %dma_start3A_488 = tpu.memref_slice %arg8[%dma_start3A_486, %dma_start3A_487] : memref<1600x32xf32, #tpu.memory_space<vmem>> -> memref<50x32xf32, #tpu.memory_space<vmem>>
      %dma_start3A_489 = arith.constant 0 : i32
      %dma_start3A_490 = tpu.memref_slice %arg6[%dma_start3A_485, %dma_start3A_489] : memref<32x50xi32, #tpu.memory_space<vmem>> -> memref<1x50xi32, #tpu.memory_space<vmem>>
      %dma_start3A_491 = tpu.memref_squeeze %dma_start3A_490 : memref<1x50xi32, #tpu.memory_space<vmem>> -> memref<50xi32, #tpu.memory_space<vmem>>
      %dma_start3A_492 = arith.constant 0 : i32
      %dma_start3A_493 = arith.constant 0 : i32
      %dma_start3A_494 = tpu.memref_slice %arg2[%dma_start3A_492, %dma_start3A_493] : memref<1000000x32xf32, #tpu.memory_space<hbm>> -> memref<1000000x32xf32, #tpu.memory_space<hbm>>
      tpu.enqueue_indirect_dma source(%dma_start3A_494 : memref<1000000x32xf32, #tpu.memory_space<hbm>>) target(%dma_start3A_488 : memref<50x32xf32, #tpu.memory_space<vmem>>) offsets(%dma_start3A_491 : memref<50xi32, #tpu.memory_space<vmem>>) semaphore(%arg10 : memref<!tpu.dma_semaphore, #tpu.memory_space<semaphore_mem>>)
      %dma_start3A_495 = arith.constant 15 : i32
      %dma_start3A_496 = arith.constant 750 : i32
      %dma_start3A_497 = arith.constant 0 : i32
      %dma_start3A_498 = tpu.memref_slice %arg8[%dma_start3A_496, %dma_start3A_497] : memref<1600x32xf32, #tpu.memory_space<vmem>> -> memref<50x32xf32, #tpu.memory_space<vmem>>
      %dma_start3A_499 = arith.constant 0 : i32
      %dma_start3A_500 = tpu.memref_slice %arg6[%dma_start3A_495, %dma_start3A_499] : memref<32x50xi32, #tpu.memory_space<vmem>> -> memref<1x50xi32, #tpu.memory_space<vmem>>
      %dma_start3A_501 = tpu.memref_squeeze %dma_start3A_500 : memref<1x50xi32, #tpu.memory_space<vmem>> -> memref<50xi32, #tpu.memory_space<vmem>>
      %dma_start3A_502 = arith.constant 0 : i32
      %dma_start3A_503 = arith.constant 0 : i32
      %dma_start3A_504 = tpu.memref_slice %arg2[%dma_start3A_502, %dma_start3A_503] : memref<1000000x32xf32, #tpu.memory_space<hbm>> -> memref<1000000x32xf32, #tpu.memory_space<hbm>>
      tpu.enqueue_indirect_dma source(%dma_start3A_504 : memref<1000000x32xf32, #tpu.memory_space<hbm>>) target(%dma_start3A_498 : memref<50x32xf32, #tpu.memory_space<vmem>>) offsets(%dma_start3A_501 : memref<50xi32, #tpu.memory_space<vmem>>) semaphore(%arg10 : memref<!tpu.dma_semaphore, #tpu.memory_space<semaphore_mem>>)
      %dma_start3A_505 = arith.constant 16 : i32
      %dma_start3A_506 = arith.constant 800 : i32
      %dma_start3A_507 = arith.constant 0 : i32
      %dma_start3A_508 = tpu.memref_slice %arg8[%dma_start3A_506, %dma_start3A_507] : memref<1600x32xf32, #tpu.memory_space<vmem>> -> memref<50x32xf32, #tpu.memory_space<vmem>>
      %dma_start3A_509 = arith.constant 0 : i32
      %dma_start3A_510 = tpu.memref_slice %arg6[%dma_start3A_505, %dma_start3A_509] : memref<32x50xi32, #tpu.memory_space<vmem>> -> memref<1x50xi32, #tpu.memory_space<vmem>>
      %dma_start3A_511 = tpu.memref_squeeze %dma_start3A_510 : memref<1x50xi32, #tpu.memory_space<vmem>> -> memref<50xi32, #tpu.memory_space<vmem>>
      %dma_start3A_512 = arith.constant 0 : i32
      %dma_start3A_513 = arith.constant 0 : i32
      %dma_start3A_514 = tpu.memref_slice %arg2[%dma_start3A_512, %dma_start3A_513] : memref<1000000x32xf32, #tpu.memory_space<hbm>> -> memref<1000000x32xf32, #tpu.memory_space<hbm>>
      tpu.enqueue_indirect_dma source(%dma_start3A_514 : memref<1000000x32xf32, #tpu.memory_space<hbm>>) target(%dma_start3A_508 : memref<50x32xf32, #tpu.memory_space<vmem>>) offsets(%dma_start3A_511 : memref<50xi32, #tpu.memory_space<vmem>>) semaphore(%arg10 : memref<!tpu.dma_semaphore, #tpu.memory_space<semaphore_mem>>)
      %dma_start3A_515 = arith.constant 17 : i32
      %dma_start3A_516 = arith.constant 850 : i32
      %dma_start3A_517 = arith.constant 0 : i32
      %dma_start3A_518 = tpu.memref_slice %arg8[%dma_start3A_516, %dma_start3A_517] : memref<1600x32xf32, #tpu.memory_space<vmem>> -> memref<50x32xf32, #tpu.memory_space<vmem>>
      %dma_start3A_519 = arith.constant 0 : i32
      %dma_start3A_520 = tpu.memref_slice %arg6[%dma_start3A_515, %dma_start3A_519] : memref<32x50xi32, #tpu.memory_space<vmem>> -> memref<1x50xi32, #tpu.memory_space<vmem>>
      %dma_start3A_521 = tpu.memref_squeeze %dma_start3A_520 : memref<1x50xi32, #tpu.memory_space<vmem>> -> memref<50xi32, #tpu.memory_space<vmem>>
      %dma_start3A_522 = arith.constant 0 : i32
      %dma_start3A_523 = arith.constant 0 : i32
      %dma_start3A_524 = tpu.memref_slice %arg2[%dma_start3A_522, %dma_start3A_523] : memref<1000000x32xf32, #tpu.memory_space<hbm>> -> memref<1000000x32xf32, #tpu.memory_space<hbm>>
      tpu.enqueue_indirect_dma source(%dma_start3A_524 : memref<1000000x32xf32, #tpu.memory_space<hbm>>) target(%dma_start3A_518 : memref<50x32xf32, #tpu.memory_space<vmem>>) offsets(%dma_start3A_521 : memref<50xi32, #tpu.memory_space<vmem>>) semaphore(%arg10 : memref<!tpu.dma_semaphore, #tpu.memory_space<semaphore_mem>>)
      %dma_start3A_525 = arith.constant 18 : i32
      %dma_start3A_526 = arith.constant 900 : i32
      %dma_start3A_527 = arith.constant 0 : i32
      %dma_start3A_528 = tpu.memref_slice %arg8[%dma_start3A_526, %dma_start3A_527] : memref<1600x32xf32, #tpu.memory_space<vmem>> -> memref<50x32xf32, #tpu.memory_space<vmem>>
      %dma_start3A_529 = arith.constant 0 : i32
      %dma_start3A_530 = tpu.memref_slice %arg6[%dma_start3A_525, %dma_start3A_529] : memref<32x50xi32, #tpu.memory_space<vmem>> -> memref<1x50xi32, #tpu.memory_space<vmem>>
      %dma_start3A_531 = tpu.memref_squeeze %dma_start3A_530 : memref<1x50xi32, #tpu.memory_space<vmem>> -> memref<50xi32, #tpu.memory_space<vmem>>
      %dma_start3A_532 = arith.constant 0 : i32
      %dma_start3A_533 = arith.constant 0 : i32
      %dma_start3A_534 = tpu.memref_slice %arg2[%dma_start3A_532, %dma_start3A_533] : memref<1000000x32xf32, #tpu.memory_space<hbm>> -> memref<1000000x32xf32, #tpu.memory_space<hbm>>
      tpu.enqueue_indirect_dma source(%dma_start3A_534 : memref<1000000x32xf32, #tpu.memory_space<hbm>>) target(%dma_start3A_528 : memref<50x32xf32, #tpu.memory_space<vmem>>) offsets(%dma_start3A_531 : memref<50xi32, #tpu.memory_space<vmem>>) semaphore(%arg10 : memref<!tpu.dma_semaphore, #tpu.memory_space<semaphore_mem>>)
      %dma_start3A_535 = arith.constant 19 : i32
      %dma_start3A_536 = arith.constant 950 : i32
      %dma_start3A_537 = arith.constant 0 : i32
      %dma_start3A_538 = tpu.memref_slice %arg8[%dma_start3A_536, %dma_start3A_537] : memref<1600x32xf32, #tpu.memory_space<vmem>> -> memref<50x32xf32, #tpu.memory_space<vmem>>
      %dma_start3A_539 = arith.constant 0 : i32
      %dma_start3A_540 = tpu.memref_slice %arg6[%dma_start3A_535, %dma_start3A_539] : memref<32x50xi32, #tpu.memory_space<vmem>> -> memref<1x50xi32, #tpu.memory_space<vmem>>
      %dma_start3A_541 = tpu.memref_squeeze %dma_start3A_540 : memref<1x50xi32, #tpu.memory_space<vmem>> -> memref<50xi32, #tpu.memory_space<vmem>>
      %dma_start3A_542 = arith.constant 0 : i32
      %dma_start3A_543 = arith.constant 0 : i32
      %dma_start3A_544 = tpu.memref_slice %arg2[%dma_start3A_542, %dma_start3A_543] : memref<1000000x32xf32, #tpu.memory_space<hbm>> -> memref<1000000x32xf32, #tpu.memory_space<hbm>>
      tpu.enqueue_indirect_dma source(%dma_start3A_544 : memref<1000000x32xf32, #tpu.memory_space<hbm>>) target(%dma_start3A_538 : memref<50x32xf32, #tpu.memory_space<vmem>>) offsets(%dma_start3A_541 : memref<50xi32, #tpu.memory_space<vmem>>) semaphore(%arg10 : memref<!tpu.dma_semaphore, #tpu.memory_space<semaphore_mem>>)
      %dma_start3A_545 = arith.constant 20 : i32
      %dma_start3A_546 = arith.constant 1000 : i32
      %dma_start3A_547 = arith.constant 0 : i32
      %dma_start3A_548 = tpu.memref_slice %arg8[%dma_start3A_546, %dma_start3A_547] : memref<1600x32xf32, #tpu.memory_space<vmem>> -> memref<50x32xf32, #tpu.memory_space<vmem>>
      %dma_start3A_549 = arith.constant 0 : i32
      %dma_start3A_550 = tpu.memref_slice %arg6[%dma_start3A_545, %dma_start3A_549] : memref<32x50xi32, #tpu.memory_space<vmem>> -> memref<1x50xi32, #tpu.memory_space<vmem>>
      %dma_start3A_551 = tpu.memref_squeeze %dma_start3A_550 : memref<1x50xi32, #tpu.memory_space<vmem>> -> memref<50xi32, #tpu.memory_space<vmem>>
      %dma_start3A_552 = arith.constant 0 : i32
      %dma_start3A_553 = arith.constant 0 : i32
      %dma_start3A_554 = tpu.memref_slice %arg2[%dma_start3A_552, %dma_start3A_553] : memref<1000000x32xf32, #tpu.memory_space<hbm>> -> memref<1000000x32xf32, #tpu.memory_space<hbm>>
      tpu.enqueue_indirect_dma source(%dma_start3A_554 : memref<1000000x32xf32, #tpu.memory_space<hbm>>) target(%dma_start3A_548 : memref<50x32xf32, #tpu.memory_space<vmem>>) offsets(%dma_start3A_551 : memref<50xi32, #tpu.memory_space<vmem>>) semaphore(%arg10 : memref<!tpu.dma_semaphore, #tpu.memory_space<semaphore_mem>>)
      %dma_start3A_555 = arith.constant 21 : i32
      %dma_start3A_556 = arith.constant 1050 : i32
      %dma_start3A_557 = arith.constant 0 : i32
      %dma_start3A_558 = tpu.memref_slice %arg8[%dma_start3A_556, %dma_start3A_557] : memref<1600x32xf32, #tpu.memory_space<vmem>> -> memref<50x32xf32, #tpu.memory_space<vmem>>
      %dma_start3A_559 = arith.constant 0 : i32
      %dma_start3A_560 = tpu.memref_slice %arg6[%dma_start3A_555, %dma_start3A_559] : memref<32x50xi32, #tpu.memory_space<vmem>> -> memref<1x50xi32, #tpu.memory_space<vmem>>
      %dma_start3A_561 = tpu.memref_squeeze %dma_start3A_560 : memref<1x50xi32, #tpu.memory_space<vmem>> -> memref<50xi32, #tpu.memory_space<vmem>>
      %dma_start3A_562 = arith.constant 0 : i32
      %dma_start3A_563 = arith.constant 0 : i32
      %dma_start3A_564 = tpu.memref_slice %arg2[%dma_start3A_562, %dma_start3A_563] : memref<1000000x32xf32, #tpu.memory_space<hbm>> -> memref<1000000x32xf32, #tpu.memory_space<hbm>>
      tpu.enqueue_indirect_dma source(%dma_start3A_564 : memref<1000000x32xf32, #tpu.memory_space<hbm>>) target(%dma_start3A_558 : memref<50x32xf32, #tpu.memory_space<vmem>>) offsets(%dma_start3A_561 : memref<50xi32, #tpu.memory_space<vmem>>) semaphore(%arg10 : memref<!tpu.dma_semaphore, #tpu.memory_space<semaphore_mem>>)
      %dma_start3A_565 = arith.constant 22 : i32
      %dma_start3A_566 = arith.constant 1100 : i32
      %dma_start3A_567 = arith.constant 0 : i32
      %dma_start3A_568 = tpu.memref_slice %arg8[%dma_start3A_566, %dma_start3A_567] : memref<1600x32xf32, #tpu.memory_space<vmem>> -> memref<50x32xf32, #tpu.memory_space<vmem>>
      %dma_start3A_569 = arith.constant 0 : i32
      %dma_start3A_570 = tpu.memref_slice %arg6[%dma_start3A_565, %dma_start3A_569] : memref<32x50xi32, #tpu.memory_space<vmem>> -> memref<1x50xi32, #tpu.memory_space<vmem>>
      %dma_start3A_571 = tpu.memref_squeeze %dma_start3A_570 : memref<1x50xi32, #tpu.memory_space<vmem>> -> memref<50xi32, #tpu.memory_space<vmem>>
      %dma_start3A_572 = arith.constant 0 : i32
      %dma_start3A_573 = arith.constant 0 : i32
      %dma_start3A_574 = tpu.memref_slice %arg2[%dma_start3A_572, %dma_start3A_573] : memref<1000000x32xf32, #tpu.memory_space<hbm>> -> memref<1000000x32xf32, #tpu.memory_space<hbm>>
      tpu.enqueue_indirect_dma source(%dma_start3A_574 : memref<1000000x32xf32, #tpu.memory_space<hbm>>) target(%dma_start3A_568 : memref<50x32xf32, #tpu.memory_space<vmem>>) offsets(%dma_start3A_571 : memref<50xi32, #tpu.memory_space<vmem>>) semaphore(%arg10 : memref<!tpu.dma_semaphore, #tpu.memory_space<semaphore_mem>>)
      %dma_start3A_575 = arith.constant 23 : i32
      %dma_start3A_576 = arith.constant 1150 : i32
      %dma_start3A_577 = arith.constant 0 : i32
      %dma_start3A_578 = tpu.memref_slice %arg8[%dma_start3A_576, %dma_start3A_577] : memref<1600x32xf32, #tpu.memory_space<vmem>> -> memref<50x32xf32, #tpu.memory_space<vmem>>
      %dma_start3A_579 = arith.constant 0 : i32
      %dma_start3A_580 = tpu.memref_slice %arg6[%dma_start3A_575, %dma_start3A_579] : memref<32x50xi32, #tpu.memory_space<vmem>> -> memref<1x50xi32, #tpu.memory_space<vmem>>
      %dma_start3A_581 = tpu.memref_squeeze %dma_start3A_580 : memref<1x50xi32, #tpu.memory_space<vmem>> -> memref<50xi32, #tpu.memory_space<vmem>>
      %dma_start3A_582 = arith.constant 0 : i32
      %dma_start3A_583 = arith.constant 0 : i32
      %dma_start3A_584 = tpu.memref_slice %arg2[%dma_start3A_582, %dma_start3A_583] : memref<1000000x32xf32, #tpu.memory_space<hbm>> -> memref<1000000x32xf32, #tpu.memory_space<hbm>>
      tpu.enqueue_indirect_dma source(%dma_start3A_584 : memref<1000000x32xf32, #tpu.memory_space<hbm>>) target(%dma_start3A_578 : memref<50x32xf32, #tpu.memory_space<vmem>>) offsets(%dma_start3A_581 : memref<50xi32, #tpu.memory_space<vmem>>) semaphore(%arg10 : memref<!tpu.dma_semaphore, #tpu.memory_space<semaphore_mem>>)
      %dma_start3A_585 = arith.constant 24 : i32
      %dma_start3A_586 = arith.constant 1200 : i32
      %dma_start3A_587 = arith.constant 0 : i32
      %dma_start3A_588 = tpu.memref_slice %arg8[%dma_start3A_586, %dma_start3A_587] : memref<1600x32xf32, #tpu.memory_space<vmem>> -> memref<50x32xf32, #tpu.memory_space<vmem>>
      %dma_start3A_589 = arith.constant 0 : i32
      %dma_start3A_590 = tpu.memref_slice %arg6[%dma_start3A_585, %dma_start3A_589] : memref<32x50xi32, #tpu.memory_space<vmem>> -> memref<1x50xi32, #tpu.memory_space<vmem>>
      %dma_start3A_591 = tpu.memref_squeeze %dma_start3A_590 : memref<1x50xi32, #tpu.memory_space<vmem>> -> memref<50xi32, #tpu.memory_space<vmem>>
      %dma_start3A_592 = arith.constant 0 : i32
      %dma_start3A_593 = arith.constant 0 : i32
      %dma_start3A_594 = tpu.memref_slice %arg2[%dma_start3A_592, %dma_start3A_593] : memref<1000000x32xf32, #tpu.memory_space<hbm>> -> memref<1000000x32xf32, #tpu.memory_space<hbm>>
      tpu.enqueue_indirect_dma source(%dma_start3A_594 : memref<1000000x32xf32, #tpu.memory_space<hbm>>) target(%dma_start3A_588 : memref<50x32xf32, #tpu.memory_space<vmem>>) offsets(%dma_start3A_591 : memref<50xi32, #tpu.memory_space<vmem>>) semaphore(%arg10 : memref<!tpu.dma_semaphore, #tpu.memory_space<semaphore_mem>>)
      %dma_start3A_595 = arith.constant 25 : i32
      %dma_start3A_596 = arith.constant 1250 : i32
      %dma_start3A_597 = arith.constant 0 : i32
      %dma_start3A_598 = tpu.memref_slice %arg8[%dma_start3A_596, %dma_start3A_597] : memref<1600x32xf32, #tpu.memory_space<vmem>> -> memref<50x32xf32, #tpu.memory_space<vmem>>
      %dma_start3A_599 = arith.constant 0 : i32
      %dma_start3A_600 = tpu.memref_slice %arg6[%dma_start3A_595, %dma_start3A_599] : memref<32x50xi32, #tpu.memory_space<vmem>> -> memref<1x50xi32, #tpu.memory_space<vmem>>
      %dma_start3A_601 = tpu.memref_squeeze %dma_start3A_600 : memref<1x50xi32, #tpu.memory_space<vmem>> -> memref<50xi32, #tpu.memory_space<vmem>>
      %dma_start3A_602 = arith.constant 0 : i32
      %dma_start3A_603 = arith.constant 0 : i32
      %dma_start3A_604 = tpu.memref_slice %arg2[%dma_start3A_602, %dma_start3A_603] : memref<1000000x32xf32, #tpu.memory_space<hbm>> -> memref<1000000x32xf32, #tpu.memory_space<hbm>>
      tpu.enqueue_indirect_dma source(%dma_start3A_604 : memref<1000000x32xf32, #tpu.memory_space<hbm>>) target(%dma_start3A_598 : memref<50x32xf32, #tpu.memory_space<vmem>>) offsets(%dma_start3A_601 : memref<50xi32, #tpu.memory_space<vmem>>) semaphore(%arg10 : memref<!tpu.dma_semaphore, #tpu.memory_space<semaphore_mem>>)
      %dma_start3A_605 = arith.constant 26 : i32
      %dma_start3A_606 = arith.constant 1300 : i32
      %dma_start3A_607 = arith.constant 0 : i32
      %dma_start3A_608 = tpu.memref_slice %arg8[%dma_start3A_606, %dma_start3A_607] : memref<1600x32xf32, #tpu.memory_space<vmem>> -> memref<50x32xf32, #tpu.memory_space<vmem>>
      %dma_start3A_609 = arith.constant 0 : i32
      %dma_start3A_610 = tpu.memref_slice %arg6[%dma_start3A_605, %dma_start3A_609] : memref<32x50xi32, #tpu.memory_space<vmem>> -> memref<1x50xi32, #tpu.memory_space<vmem>>
      %dma_start3A_611 = tpu.memref_squeeze %dma_start3A_610 : memref<1x50xi32, #tpu.memory_space<vmem>> -> memref<50xi32, #tpu.memory_space<vmem>>
      %dma_start3A_612 = arith.constant 0 : i32
      %dma_start3A_613 = arith.constant 0 : i32
      %dma_start3A_614 = tpu.memref_slice %arg2[%dma_start3A_612, %dma_start3A_613] : memref<1000000x32xf32, #tpu.memory_space<hbm>> -> memref<1000000x32xf32, #tpu.memory_space<hbm>>
      tpu.enqueue_indirect_dma source(%dma_start3A_614 : memref<1000000x32xf32, #tpu.memory_space<hbm>>) target(%dma_start3A_608 : memref<50x32xf32, #tpu.memory_space<vmem>>) offsets(%dma_start3A_611 : memref<50xi32, #tpu.memory_space<vmem>>) semaphore(%arg10 : memref<!tpu.dma_semaphore, #tpu.memory_space<semaphore_mem>>)
      %dma_start3A_615 = arith.constant 27 : i32
      %dma_start3A_616 = arith.constant 1350 : i32
      %dma_start3A_617 = arith.constant 0 : i32
      %dma_start3A_618 = tpu.memref_slice %arg8[%dma_start3A_616, %dma_start3A_617] : memref<1600x32xf32, #tpu.memory_space<vmem>> -> memref<50x32xf32, #tpu.memory_space<vmem>>
      %dma_start3A_619 = arith.constant 0 : i32
      %dma_start3A_620 = tpu.memref_slice %arg6[%dma_start3A_615, %dma_start3A_619] : memref<32x50xi32, #tpu.memory_space<vmem>> -> memref<1x50xi32, #tpu.memory_space<vmem>>
      %dma_start3A_621 = tpu.memref_squeeze %dma_start3A_620 : memref<1x50xi32, #tpu.memory_space<vmem>> -> memref<50xi32, #tpu.memory_space<vmem>>
      %dma_start3A_622 = arith.constant 0 : i32
      %dma_start3A_623 = arith.constant 0 : i32
      %dma_start3A_624 = tpu.memref_slice %arg2[%dma_start3A_622, %dma_start3A_623] : memref<1000000x32xf32, #tpu.memory_space<hbm>> -> memref<1000000x32xf32, #tpu.memory_space<hbm>>
      tpu.enqueue_indirect_dma source(%dma_start3A_624 : memref<1000000x32xf32, #tpu.memory_space<hbm>>) target(%dma_start3A_618 : memref<50x32xf32, #tpu.memory_space<vmem>>) offsets(%dma_start3A_621 : memref<50xi32, #tpu.memory_space<vmem>>) semaphore(%arg10 : memref<!tpu.dma_semaphore, #tpu.memory_space<semaphore_mem>>)
      %dma_start3A_625 = arith.constant 28 : i32
      %dma_start3A_626 = arith.constant 1400 : i32
      %dma_start3A_627 = arith.constant 0 : i32
      %dma_start3A_628 = tpu.memref_slice %arg8[%dma_start3A_626, %dma_start3A_627] : memref<1600x32xf32, #tpu.memory_space<vmem>> -> memref<50x32xf32, #tpu.memory_space<vmem>>
      %dma_start3A_629 = arith.constant 0 : i32
      %dma_start3A_630 = tpu.memref_slice %arg6[%dma_start3A_625, %dma_start3A_629] : memref<32x50xi32, #tpu.memory_space<vmem>> -> memref<1x50xi32, #tpu.memory_space<vmem>>
      %dma_start3A_631 = tpu.memref_squeeze %dma_start3A_630 : memref<1x50xi32, #tpu.memory_space<vmem>> -> memref<50xi32, #tpu.memory_space<vmem>>
      %dma_start3A_632 = arith.constant 0 : i32
      %dma_start3A_633 = arith.constant 0 : i32
      %dma_start3A_634 = tpu.memref_slice %arg2[%dma_start3A_632, %dma_start3A_633] : memref<1000000x32xf32, #tpu.memory_space<hbm>> -> memref<1000000x32xf32, #tpu.memory_space<hbm>>
      tpu.enqueue_indirect_dma source(%dma_start3A_634 : memref<1000000x32xf32, #tpu.memory_space<hbm>>) target(%dma_start3A_628 : memref<50x32xf32, #tpu.memory_space<vmem>>) offsets(%dma_start3A_631 : memref<50xi32, #tpu.memory_space<vmem>>) semaphore(%arg10 : memref<!tpu.dma_semaphore, #tpu.memory_space<semaphore_mem>>)
      %dma_start3A_635 = arith.constant 29 : i32
      %dma_start3A_636 = arith.constant 1450 : i32
      %dma_start3A_637 = arith.constant 0 : i32
      %dma_start3A_638 = tpu.memref_slice %arg8[%dma_start3A_636, %dma_start3A_637] : memref<1600x32xf32, #tpu.memory_space<vmem>> -> memref<50x32xf32, #tpu.memory_space<vmem>>
      %dma_start3A_639 = arith.constant 0 : i32
      %dma_start3A_640 = tpu.memref_slice %arg6[%dma_start3A_635, %dma_start3A_639] : memref<32x50xi32, #tpu.memory_space<vmem>> -> memref<1x50xi32, #tpu.memory_space<vmem>>
      %dma_start3A_641 = tpu.memref_squeeze %dma_start3A_640 : memref<1x50xi32, #tpu.memory_space<vmem>> -> memref<50xi32, #tpu.memory_space<vmem>>
      %dma_start3A_642 = arith.constant 0 : i32
      %dma_start3A_643 = arith.constant 0 : i32
      %dma_start3A_644 = tpu.memref_slice %arg2[%dma_start3A_642, %dma_start3A_643] : memref<1000000x32xf32, #tpu.memory_space<hbm>> -> memref<1000000x32xf32, #tpu.memory_space<hbm>>
      tpu.enqueue_indirect_dma source(%dma_start3A_644 : memref<1000000x32xf32, #tpu.memory_space<hbm>>) target(%dma_start3A_638 : memref<50x32xf32, #tpu.memory_space<vmem>>) offsets(%dma_start3A_641 : memref<50xi32, #tpu.memory_space<vmem>>) semaphore(%arg10 : memref<!tpu.dma_semaphore, #tpu.memory_space<semaphore_mem>>)
      %dma_start3A_645 = arith.constant 30 : i32
      %dma_start3A_646 = arith.constant 1500 : i32
      %dma_start3A_647 = arith.constant 0 : i32
      %dma_start3A_648 = tpu.memref_slice %arg8[%dma_start3A_646, %dma_start3A_647] : memref<1600x32xf32, #tpu.memory_space<vmem>> -> memref<50x32xf32, #tpu.memory_space<vmem>>
      %dma_start3A_649 = arith.constant 0 : i32
      %dma_start3A_650 = tpu.memref_slice %arg6[%dma_start3A_645, %dma_start3A_649] : memref<32x50xi32, #tpu.memory_space<vmem>> -> memref<1x50xi32, #tpu.memory_space<vmem>>
      %dma_start3A_651 = tpu.memref_squeeze %dma_start3A_650 : memref<1x50xi32, #tpu.memory_space<vmem>> -> memref<50xi32, #tpu.memory_space<vmem>>
      %dma_start3A_652 = arith.constant 0 : i32
      %dma_start3A_653 = arith.constant 0 : i32
      %dma_start3A_654 = tpu.memref_slice %arg2[%dma_start3A_652, %dma_start3A_653] : memref<1000000x32xf32, #tpu.memory_space<hbm>> -> memref<1000000x32xf32, #tpu.memory_space<hbm>>
      tpu.enqueue_indirect_dma source(%dma_start3A_654 : memref<1000000x32xf32, #tpu.memory_space<hbm>>) target(%dma_start3A_648 : memref<50x32xf32, #tpu.memory_space<vmem>>) offsets(%dma_start3A_651 : memref<50xi32, #tpu.memory_space<vmem>>) semaphore(%arg10 : memref<!tpu.dma_semaphore, #tpu.memory_space<semaphore_mem>>)
      %dma_start3A_655 = arith.constant 31 : i32
      %dma_start3A_656 = arith.constant 1550 : i32
      %dma_start3A_657 = arith.constant 0 : i32
      %dma_start3A_658 = tpu.memref_slice %arg8[%dma_start3A_656, %dma_start3A_657] : memref<1600x32xf32, #tpu.memory_space<vmem>> -> memref<50x32xf32, #tpu.memory_space<vmem>>
      %dma_start3A_659 = arith.constant 0 : i32
      %dma_start3A_660 = tpu.memref_slice %arg6[%dma_start3A_655, %dma_start3A_659] : memref<32x50xi32, #tpu.memory_space<vmem>> -> memref<1x50xi32, #tpu.memory_space<vmem>>
      %dma_start3A_661 = tpu.memref_squeeze %dma_start3A_660 : memref<1x50xi32, #tpu.memory_space<vmem>> -> memref<50xi32, #tpu.memory_space<vmem>>
      %dma_start3A_662 = arith.constant 0 : i32
      %dma_start3A_663 = arith.constant 0 : i32
      %dma_start3A_664 = tpu.memref_slice %arg2[%dma_start3A_662, %dma_start3A_663] : memref<1000000x32xf32, #tpu.memory_space<hbm>> -> memref<1000000x32xf32, #tpu.memory_space<hbm>>
      tpu.enqueue_indirect_dma source(%dma_start3A_664 : memref<1000000x32xf32, #tpu.memory_space<hbm>>) target(%dma_start3A_658 : memref<50x32xf32, #tpu.memory_space<vmem>>) offsets(%dma_start3A_661 : memref<50xi32, #tpu.memory_space<vmem>>) semaphore(%arg10 : memref<!tpu.dma_semaphore, #tpu.memory_space<semaphore_mem>>)
      %dma_wait3A = arith.constant 0 : i32
      %dma_wait3A_665 = arith.constant 0 : i32
      %dma_wait3A_666 = arith.constant 0 : i32
      %dma_wait3A_667 = tpu.memref_slice %arg7[%dma_wait3A_665, %dma_wait3A_666] : memref<1600x32xf32, #tpu.memory_space<vmem>> -> memref<50x32xf32, #tpu.memory_space<vmem>>
      %dma_wait3A_668 = arith.constant 0 : i32
      %dma_wait3A_669 = tpu.memref_slice %arg5[%dma_wait3A, %dma_wait3A_668] : memref<32x50xi32, #tpu.memory_space<vmem>> -> memref<1x50xi32, #tpu.memory_space<vmem>>
      %dma_wait3A_670 = tpu.memref_squeeze %dma_wait3A_669 : memref<1x50xi32, #tpu.memory_space<vmem>> -> memref<50xi32, #tpu.memory_space<vmem>>
      %dma_wait3A_671 = arith.constant 0 : i32
      %dma_wait3A_672 = arith.constant 0 : i32
      %dma_wait3A_673 = tpu.memref_slice %arg2[%dma_wait3A_671, %dma_wait3A_672] : memref<1000000x32xf32, #tpu.memory_space<hbm>> -> memref<1000000x32xf32, #tpu.memory_space<hbm>>
      tpu.wait_indirect_dma semaphore(%arg9 : memref<!tpu.dma_semaphore, #tpu.memory_space<semaphore_mem>>) src(%dma_wait3A_673 : memref<1000000x32xf32, #tpu.memory_space<hbm>>) dst(%dma_wait3A_667 : memref<50x32xf32, #tpu.memory_space<vmem>>)
      %dma_wait3A_674 = arith.constant 1 : i32
      %dma_wait3A_675 = arith.constant 50 : i32
      %dma_wait3A_676 = arith.constant 0 : i32
      %dma_wait3A_677 = tpu.memref_slice %arg7[%dma_wait3A_675, %dma_wait3A_676] : memref<1600x32xf32, #tpu.memory_space<vmem>> -> memref<50x32xf32, #tpu.memory_space<vmem>>
      %dma_wait3A_678 = arith.constant 0 : i32
      %dma_wait3A_679 = tpu.memref_slice %arg5[%dma_wait3A_674, %dma_wait3A_678] : memref<32x50xi32, #tpu.memory_space<vmem>> -> memref<1x50xi32, #tpu.memory_space<vmem>>
      %dma_wait3A_680 = tpu.memref_squeeze %dma_wait3A_679 : memref<1x50xi32, #tpu.memory_space<vmem>> -> memref<50xi32, #tpu.memory_space<vmem>>
      %dma_wait3A_681 = arith.constant 0 : i32
      %dma_wait3A_682 = arith.constant 0 : i32
      %dma_wait3A_683 = tpu.memref_slice %arg2[%dma_wait3A_681, %dma_wait3A_682] : memref<1000000x32xf32, #tpu.memory_space<hbm>> -> memref<1000000x32xf32, #tpu.memory_space<hbm>>
      tpu.wait_indirect_dma semaphore(%arg9 : memref<!tpu.dma_semaphore, #tpu.memory_space<semaphore_mem>>) src(%dma_wait3A_683 : memref<1000000x32xf32, #tpu.memory_space<hbm>>) dst(%dma_wait3A_677 : memref<50x32xf32, #tpu.memory_space<vmem>>)
      %dma_wait3A_684 = arith.constant 2 : i32
      %dma_wait3A_685 = arith.constant 100 : i32
      %dma_wait3A_686 = arith.constant 0 : i32
      %dma_wait3A_687 = tpu.memref_slice %arg7[%dma_wait3A_685, %dma_wait3A_686] : memref<1600x32xf32, #tpu.memory_space<vmem>> -> memref<50x32xf32, #tpu.memory_space<vmem>>
      %dma_wait3A_688 = arith.constant 0 : i32
      %dma_wait3A_689 = tpu.memref_slice %arg5[%dma_wait3A_684, %dma_wait3A_688] : memref<32x50xi32, #tpu.memory_space<vmem>> -> memref<1x50xi32, #tpu.memory_space<vmem>>
      %dma_wait3A_690 = tpu.memref_squeeze %dma_wait3A_689 : memref<1x50xi32, #tpu.memory_space<vmem>> -> memref<50xi32, #tpu.memory_space<vmem>>
      %dma_wait3A_691 = arith.constant 0 : i32
      %dma_wait3A_692 = arith.constant 0 : i32
      %dma_wait3A_693 = tpu.memref_slice %arg2[%dma_wait3A_691, %dma_wait3A_692] : memref<1000000x32xf32, #tpu.memory_space<hbm>> -> memref<1000000x32xf32, #tpu.memory_space<hbm>>
      tpu.wait_indirect_dma semaphore(%arg9 : memref<!tpu.dma_semaphore, #tpu.memory_space<semaphore_mem>>) src(%dma_wait3A_693 : memref<1000000x32xf32, #tpu.memory_space<hbm>>) dst(%dma_wait3A_687 : memref<50x32xf32, #tpu.memory_space<vmem>>)
      %dma_wait3A_694 = arith.constant 3 : i32
      %dma_wait3A_695 = arith.constant 150 : i32
      %dma_wait3A_696 = arith.constant 0 : i32
      %dma_wait3A_697 = tpu.memref_slice %arg7[%dma_wait3A_695, %dma_wait3A_696] : memref<1600x32xf32, #tpu.memory_space<vmem>> -> memref<50x32xf32, #tpu.memory_space<vmem>>
      %dma_wait3A_698 = arith.constant 0 : i32
      %dma_wait3A_699 = tpu.memref_slice %arg5[%dma_wait3A_694, %dma_wait3A_698] : memref<32x50xi32, #tpu.memory_space<vmem>> -> memref<1x50xi32, #tpu.memory_space<vmem>>
      %dma_wait3A_700 = tpu.memref_squeeze %dma_wait3A_699 : memref<1x50xi32, #tpu.memory_space<vmem>> -> memref<50xi32, #tpu.memory_space<vmem>>
      %dma_wait3A_701 = arith.constant 0 : i32
      %dma_wait3A_702 = arith.constant 0 : i32
      %dma_wait3A_703 = tpu.memref_slice %arg2[%dma_wait3A_701, %dma_wait3A_702] : memref<1000000x32xf32, #tpu.memory_space<hbm>> -> memref<1000000x32xf32, #tpu.memory_space<hbm>>
      tpu.wait_indirect_dma semaphore(%arg9 : memref<!tpu.dma_semaphore, #tpu.memory_space<semaphore_mem>>) src(%dma_wait3A_703 : memref<1000000x32xf32, #tpu.memory_space<hbm>>) dst(%dma_wait3A_697 : memref<50x32xf32, #tpu.memory_space<vmem>>)
      %dma_wait3A_704 = arith.constant 4 : i32
      %dma_wait3A_705 = arith.constant 200 : i32
      %dma_wait3A_706 = arith.constant 0 : i32
      %dma_wait3A_707 = tpu.memref_slice %arg7[%dma_wait3A_705, %dma_wait3A_706] : memref<1600x32xf32, #tpu.memory_space<vmem>> -> memref<50x32xf32, #tpu.memory_space<vmem>>
      %dma_wait3A_708 = arith.constant 0 : i32
      %dma_wait3A_709 = tpu.memref_slice %arg5[%dma_wait3A_704, %dma_wait3A_708] : memref<32x50xi32, #tpu.memory_space<vmem>> -> memref<1x50xi32, #tpu.memory_space<vmem>>
      %dma_wait3A_710 = tpu.memref_squeeze %dma_wait3A_709 : memref<1x50xi32, #tpu.memory_space<vmem>> -> memref<50xi32, #tpu.memory_space<vmem>>
      %dma_wait3A_711 = arith.constant 0 : i32
      %dma_wait3A_712 = arith.constant 0 : i32
      %dma_wait3A_713 = tpu.memref_slice %arg2[%dma_wait3A_711, %dma_wait3A_712] : memref<1000000x32xf32, #tpu.memory_space<hbm>> -> memref<1000000x32xf32, #tpu.memory_space<hbm>>
      tpu.wait_indirect_dma semaphore(%arg9 : memref<!tpu.dma_semaphore, #tpu.memory_space<semaphore_mem>>) src(%dma_wait3A_713 : memref<1000000x32xf32, #tpu.memory_space<hbm>>) dst(%dma_wait3A_707 : memref<50x32xf32, #tpu.memory_space<vmem>>)
      %dma_wait3A_714 = arith.constant 5 : i32
      %dma_wait3A_715 = arith.constant 250 : i32
      %dma_wait3A_716 = arith.constant 0 : i32
      %dma_wait3A_717 = tpu.memref_slice %arg7[%dma_wait3A_715, %dma_wait3A_716] : memref<1600x32xf32, #tpu.memory_space<vmem>> -> memref<50x32xf32, #tpu.memory_space<vmem>>
      %dma_wait3A_718 = arith.constant 0 : i32
      %dma_wait3A_719 = tpu.memref_slice %arg5[%dma_wait3A_714, %dma_wait3A_718] : memref<32x50xi32, #tpu.memory_space<vmem>> -> memref<1x50xi32, #tpu.memory_space<vmem>>
      %dma_wait3A_720 = tpu.memref_squeeze %dma_wait3A_719 : memref<1x50xi32, #tpu.memory_space<vmem>> -> memref<50xi32, #tpu.memory_space<vmem>>
      %dma_wait3A_721 = arith.constant 0 : i32
      %dma_wait3A_722 = arith.constant 0 : i32
      %dma_wait3A_723 = tpu.memref_slice %arg2[%dma_wait3A_721, %dma_wait3A_722] : memref<1000000x32xf32, #tpu.memory_space<hbm>> -> memref<1000000x32xf32, #tpu.memory_space<hbm>>
      tpu.wait_indirect_dma semaphore(%arg9 : memref<!tpu.dma_semaphore, #tpu.memory_space<semaphore_mem>>) src(%dma_wait3A_723 : memref<1000000x32xf32, #tpu.memory_space<hbm>>) dst(%dma_wait3A_717 : memref<50x32xf32, #tpu.memory_space<vmem>>)
      %dma_wait3A_724 = arith.constant 6 : i32
      %dma_wait3A_725 = arith.constant 300 : i32
      %dma_wait3A_726 = arith.constant 0 : i32
      %dma_wait3A_727 = tpu.memref_slice %arg7[%dma_wait3A_725, %dma_wait3A_726] : memref<1600x32xf32, #tpu.memory_space<vmem>> -> memref<50x32xf32, #tpu.memory_space<vmem>>
      %dma_wait3A_728 = arith.constant 0 : i32
      %dma_wait3A_729 = tpu.memref_slice %arg5[%dma_wait3A_724, %dma_wait3A_728] : memref<32x50xi32, #tpu.memory_space<vmem>> -> memref<1x50xi32, #tpu.memory_space<vmem>>
      %dma_wait3A_730 = tpu.memref_squeeze %dma_wait3A_729 : memref<1x50xi32, #tpu.memory_space<vmem>> -> memref<50xi32, #tpu.memory_space<vmem>>
      %dma_wait3A_731 = arith.constant 0 : i32
      %dma_wait3A_732 = arith.constant 0 : i32
      %dma_wait3A_733 = tpu.memref_slice %arg2[%dma_wait3A_731, %dma_wait3A_732] : memref<1000000x32xf32, #tpu.memory_space<hbm>> -> memref<1000000x32xf32, #tpu.memory_space<hbm>>
      tpu.wait_indirect_dma semaphore(%arg9 : memref<!tpu.dma_semaphore, #tpu.memory_space<semaphore_mem>>) src(%dma_wait3A_733 : memref<1000000x32xf32, #tpu.memory_space<hbm>>) dst(%dma_wait3A_727 : memref<50x32xf32, #tpu.memory_space<vmem>>)
      %dma_wait3A_734 = arith.constant 7 : i32
      %dma_wait3A_735 = arith.constant 350 : i32
      %dma_wait3A_736 = arith.constant 0 : i32
      %dma_wait3A_737 = tpu.memref_slice %arg7[%dma_wait3A_735, %dma_wait3A_736] : memref<1600x32xf32, #tpu.memory_space<vmem>> -> memref<50x32xf32, #tpu.memory_space<vmem>>
      %dma_wait3A_738 = arith.constant 0 : i32
      %dma_wait3A_739 = tpu.memref_slice %arg5[%dma_wait3A_734, %dma_wait3A_738] : memref<32x50xi32, #tpu.memory_space<vmem>> -> memref<1x50xi32, #tpu.memory_space<vmem>>
      %dma_wait3A_740 = tpu.memref_squeeze %dma_wait3A_739 : memref<1x50xi32, #tpu.memory_space<vmem>> -> memref<50xi32, #tpu.memory_space<vmem>>
      %dma_wait3A_741 = arith.constant 0 : i32
      %dma_wait3A_742 = arith.constant 0 : i32
      %dma_wait3A_743 = tpu.memref_slice %arg2[%dma_wait3A_741, %dma_wait3A_742] : memref<1000000x32xf32, #tpu.memory_space<hbm>> -> memref<1000000x32xf32, #tpu.memory_space<hbm>>
      tpu.wait_indirect_dma semaphore(%arg9 : memref<!tpu.dma_semaphore, #tpu.memory_space<semaphore_mem>>) src(%dma_wait3A_743 : memref<1000000x32xf32, #tpu.memory_space<hbm>>) dst(%dma_wait3A_737 : memref<50x32xf32, #tpu.memory_space<vmem>>)
      %dma_wait3A_744 = arith.constant 8 : i32
      %dma_wait3A_745 = arith.constant 400 : i32
      %dma_wait3A_746 = arith.constant 0 : i32
      %dma_wait3A_747 = tpu.memref_slice %arg7[%dma_wait3A_745, %dma_wait3A_746] : memref<1600x32xf32, #tpu.memory_space<vmem>> -> memref<50x32xf32, #tpu.memory_space<vmem>>
      %dma_wait3A_748 = arith.constant 0 : i32
      %dma_wait3A_749 = tpu.memref_slice %arg5[%dma_wait3A_744, %dma_wait3A_748] : memref<32x50xi32, #tpu.memory_space<vmem>> -> memref<1x50xi32, #tpu.memory_space<vmem>>
      %dma_wait3A_750 = tpu.memref_squeeze %dma_wait3A_749 : memref<1x50xi32, #tpu.memory_space<vmem>> -> memref<50xi32, #tpu.memory_space<vmem>>
      %dma_wait3A_751 = arith.constant 0 : i32
      %dma_wait3A_752 = arith.constant 0 : i32
      %dma_wait3A_753 = tpu.memref_slice %arg2[%dma_wait3A_751, %dma_wait3A_752] : memref<1000000x32xf32, #tpu.memory_space<hbm>> -> memref<1000000x32xf32, #tpu.memory_space<hbm>>
      tpu.wait_indirect_dma semaphore(%arg9 : memref<!tpu.dma_semaphore, #tpu.memory_space<semaphore_mem>>) src(%dma_wait3A_753 : memref<1000000x32xf32, #tpu.memory_space<hbm>>) dst(%dma_wait3A_747 : memref<50x32xf32, #tpu.memory_space<vmem>>)
      %dma_wait3A_754 = arith.constant 9 : i32
      %dma_wait3A_755 = arith.constant 450 : i32
      %dma_wait3A_756 = arith.constant 0 : i32
      %dma_wait3A_757 = tpu.memref_slice %arg7[%dma_wait3A_755, %dma_wait3A_756] : memref<1600x32xf32, #tpu.memory_space<vmem>> -> memref<50x32xf32, #tpu.memory_space<vmem>>
      %dma_wait3A_758 = arith.constant 0 : i32
      %dma_wait3A_759 = tpu.memref_slice %arg5[%dma_wait3A_754, %dma_wait3A_758] : memref<32x50xi32, #tpu.memory_space<vmem>> -> memref<1x50xi32, #tpu.memory_space<vmem>>
      %dma_wait3A_760 = tpu.memref_squeeze %dma_wait3A_759 : memref<1x50xi32, #tpu.memory_space<vmem>> -> memref<50xi32, #tpu.memory_space<vmem>>
      %dma_wait3A_761 = arith.constant 0 : i32
      %dma_wait3A_762 = arith.constant 0 : i32
      %dma_wait3A_763 = tpu.memref_slice %arg2[%dma_wait3A_761, %dma_wait3A_762] : memref<1000000x32xf32, #tpu.memory_space<hbm>> -> memref<1000000x32xf32, #tpu.memory_space<hbm>>
      tpu.wait_indirect_dma semaphore(%arg9 : memref<!tpu.dma_semaphore, #tpu.memory_space<semaphore_mem>>) src(%dma_wait3A_763 : memref<1000000x32xf32, #tpu.memory_space<hbm>>) dst(%dma_wait3A_757 : memref<50x32xf32, #tpu.memory_space<vmem>>)
      %dma_wait3A_764 = arith.constant 10 : i32
      %dma_wait3A_765 = arith.constant 500 : i32
      %dma_wait3A_766 = arith.constant 0 : i32
      %dma_wait3A_767 = tpu.memref_slice %arg7[%dma_wait3A_765, %dma_wait3A_766] : memref<1600x32xf32, #tpu.memory_space<vmem>> -> memref<50x32xf32, #tpu.memory_space<vmem>>
      %dma_wait3A_768 = arith.constant 0 : i32
      %dma_wait3A_769 = tpu.memref_slice %arg5[%dma_wait3A_764, %dma_wait3A_768] : memref<32x50xi32, #tpu.memory_space<vmem>> -> memref<1x50xi32, #tpu.memory_space<vmem>>
      %dma_wait3A_770 = tpu.memref_squeeze %dma_wait3A_769 : memref<1x50xi32, #tpu.memory_space<vmem>> -> memref<50xi32, #tpu.memory_space<vmem>>
      %dma_wait3A_771 = arith.constant 0 : i32
      %dma_wait3A_772 = arith.constant 0 : i32
      %dma_wait3A_773 = tpu.memref_slice %arg2[%dma_wait3A_771, %dma_wait3A_772] : memref<1000000x32xf32, #tpu.memory_space<hbm>> -> memref<1000000x32xf32, #tpu.memory_space<hbm>>
      tpu.wait_indirect_dma semaphore(%arg9 : memref<!tpu.dma_semaphore, #tpu.memory_space<semaphore_mem>>) src(%dma_wait3A_773 : memref<1000000x32xf32, #tpu.memory_space<hbm>>) dst(%dma_wait3A_767 : memref<50x32xf32, #tpu.memory_space<vmem>>)
      %dma_wait3A_774 = arith.constant 11 : i32
      %dma_wait3A_775 = arith.constant 550 : i32
      %dma_wait3A_776 = arith.constant 0 : i32
      %dma_wait3A_777 = tpu.memref_slice %arg7[%dma_wait3A_775, %dma_wait3A_776] : memref<1600x32xf32, #tpu.memory_space<vmem>> -> memref<50x32xf32, #tpu.memory_space<vmem>>
      %dma_wait3A_778 = arith.constant 0 : i32
      %dma_wait3A_779 = tpu.memref_slice %arg5[%dma_wait3A_774, %dma_wait3A_778] : memref<32x50xi32, #tpu.memory_space<vmem>> -> memref<1x50xi32, #tpu.memory_space<vmem>>
      %dma_wait3A_780 = tpu.memref_squeeze %dma_wait3A_779 : memref<1x50xi32, #tpu.memory_space<vmem>> -> memref<50xi32, #tpu.memory_space<vmem>>
      %dma_wait3A_781 = arith.constant 0 : i32
      %dma_wait3A_782 = arith.constant 0 : i32
      %dma_wait3A_783 = tpu.memref_slice %arg2[%dma_wait3A_781, %dma_wait3A_782] : memref<1000000x32xf32, #tpu.memory_space<hbm>> -> memref<1000000x32xf32, #tpu.memory_space<hbm>>
      tpu.wait_indirect_dma semaphore(%arg9 : memref<!tpu.dma_semaphore, #tpu.memory_space<semaphore_mem>>) src(%dma_wait3A_783 : memref<1000000x32xf32, #tpu.memory_space<hbm>>) dst(%dma_wait3A_777 : memref<50x32xf32, #tpu.memory_space<vmem>>)
      %dma_wait3A_784 = arith.constant 12 : i32
      %dma_wait3A_785 = arith.constant 600 : i32
      %dma_wait3A_786 = arith.constant 0 : i32
      %dma_wait3A_787 = tpu.memref_slice %arg7[%dma_wait3A_785, %dma_wait3A_786] : memref<1600x32xf32, #tpu.memory_space<vmem>> -> memref<50x32xf32, #tpu.memory_space<vmem>>
      %dma_wait3A_788 = arith.constant 0 : i32
      %dma_wait3A_789 = tpu.memref_slice %arg5[%dma_wait3A_784, %dma_wait3A_788] : memref<32x50xi32, #tpu.memory_space<vmem>> -> memref<1x50xi32, #tpu.memory_space<vmem>>
      %dma_wait3A_790 = tpu.memref_squeeze %dma_wait3A_789 : memref<1x50xi32, #tpu.memory_space<vmem>> -> memref<50xi32, #tpu.memory_space<vmem>>
      %dma_wait3A_791 = arith.constant 0 : i32
      %dma_wait3A_792 = arith.constant 0 : i32
      %dma_wait3A_793 = tpu.memref_slice %arg2[%dma_wait3A_791, %dma_wait3A_792] : memref<1000000x32xf32, #tpu.memory_space<hbm>> -> memref<1000000x32xf32, #tpu.memory_space<hbm>>
      tpu.wait_indirect_dma semaphore(%arg9 : memref<!tpu.dma_semaphore, #tpu.memory_space<semaphore_mem>>) src(%dma_wait3A_793 : memref<1000000x32xf32, #tpu.memory_space<hbm>>) dst(%dma_wait3A_787 : memref<50x32xf32, #tpu.memory_space<vmem>>)
      %dma_wait3A_794 = arith.constant 13 : i32
      %dma_wait3A_795 = arith.constant 650 : i32
      %dma_wait3A_796 = arith.constant 0 : i32
      %dma_wait3A_797 = tpu.memref_slice %arg7[%dma_wait3A_795, %dma_wait3A_796] : memref<1600x32xf32, #tpu.memory_space<vmem>> -> memref<50x32xf32, #tpu.memory_space<vmem>>
      %dma_wait3A_798 = arith.constant 0 : i32
      %dma_wait3A_799 = tpu.memref_slice %arg5[%dma_wait3A_794, %dma_wait3A_798] : memref<32x50xi32, #tpu.memory_space<vmem>> -> memref<1x50xi32, #tpu.memory_space<vmem>>
      %dma_wait3A_800 = tpu.memref_squeeze %dma_wait3A_799 : memref<1x50xi32, #tpu.memory_space<vmem>> -> memref<50xi32, #tpu.memory_space<vmem>>
      %dma_wait3A_801 = arith.constant 0 : i32
      %dma_wait3A_802 = arith.constant 0 : i32
      %dma_wait3A_803 = tpu.memref_slice %arg2[%dma_wait3A_801, %dma_wait3A_802] : memref<1000000x32xf32, #tpu.memory_space<hbm>> -> memref<1000000x32xf32, #tpu.memory_space<hbm>>
      tpu.wait_indirect_dma semaphore(%arg9 : memref<!tpu.dma_semaphore, #tpu.memory_space<semaphore_mem>>) src(%dma_wait3A_803 : memref<1000000x32xf32, #tpu.memory_space<hbm>>) dst(%dma_wait3A_797 : memref<50x32xf32, #tpu.memory_space<vmem>>)
      %dma_wait3A_804 = arith.constant 14 : i32
      %dma_wait3A_805 = arith.constant 700 : i32
      %dma_wait3A_806 = arith.constant 0 : i32
      %dma_wait3A_807 = tpu.memref_slice %arg7[%dma_wait3A_805, %dma_wait3A_806] : memref<1600x32xf32, #tpu.memory_space<vmem>> -> memref<50x32xf32, #tpu.memory_space<vmem>>
      %dma_wait3A_808 = arith.constant 0 : i32
      %dma_wait3A_809 = tpu.memref_slice %arg5[%dma_wait3A_804, %dma_wait3A_808] : memref<32x50xi32, #tpu.memory_space<vmem>> -> memref<1x50xi32, #tpu.memory_space<vmem>>
      %dma_wait3A_810 = tpu.memref_squeeze %dma_wait3A_809 : memref<1x50xi32, #tpu.memory_space<vmem>> -> memref<50xi32, #tpu.memory_space<vmem>>
      %dma_wait3A_811 = arith.constant 0 : i32
      %dma_wait3A_812 = arith.constant 0 : i32
      %dma_wait3A_813 = tpu.memref_slice %arg2[%dma_wait3A_811, %dma_wait3A_812] : memref<1000000x32xf32, #tpu.memory_space<hbm>> -> memref<1000000x32xf32, #tpu.memory_space<hbm>>
      tpu.wait_indirect_dma semaphore(%arg9 : memref<!tpu.dma_semaphore, #tpu.memory_space<semaphore_mem>>) src(%dma_wait3A_813 : memref<1000000x32xf32, #tpu.memory_space<hbm>>) dst(%dma_wait3A_807 : memref<50x32xf32, #tpu.memory_space<vmem>>)
      %dma_wait3A_814 = arith.constant 15 : i32
      %dma_wait3A_815 = arith.constant 750 : i32
      %dma_wait3A_816 = arith.constant 0 : i32
      %dma_wait3A_817 = tpu.memref_slice %arg7[%dma_wait3A_815, %dma_wait3A_816] : memref<1600x32xf32, #tpu.memory_space<vmem>> -> memref<50x32xf32, #tpu.memory_space<vmem>>
      %dma_wait3A_818 = arith.constant 0 : i32
      %dma_wait3A_819 = tpu.memref_slice %arg5[%dma_wait3A_814, %dma_wait3A_818] : memref<32x50xi32, #tpu.memory_space<vmem>> -> memref<1x50xi32, #tpu.memory_space<vmem>>
      %dma_wait3A_820 = tpu.memref_squeeze %dma_wait3A_819 : memref<1x50xi32, #tpu.memory_space<vmem>> -> memref<50xi32, #tpu.memory_space<vmem>>
      %dma_wait3A_821 = arith.constant 0 : i32
      %dma_wait3A_822 = arith.constant 0 : i32
      %dma_wait3A_823 = tpu.memref_slice %arg2[%dma_wait3A_821, %dma_wait3A_822] : memref<1000000x32xf32, #tpu.memory_space<hbm>> -> memref<1000000x32xf32, #tpu.memory_space<hbm>>
      tpu.wait_indirect_dma semaphore(%arg9 : memref<!tpu.dma_semaphore, #tpu.memory_space<semaphore_mem>>) src(%dma_wait3A_823 : memref<1000000x32xf32, #tpu.memory_space<hbm>>) dst(%dma_wait3A_817 : memref<50x32xf32, #tpu.memory_space<vmem>>)
      %dma_wait3A_824 = arith.constant 16 : i32
      %dma_wait3A_825 = arith.constant 800 : i32
      %dma_wait3A_826 = arith.constant 0 : i32
      %dma_wait3A_827 = tpu.memref_slice %arg7[%dma_wait3A_825, %dma_wait3A_826] : memref<1600x32xf32, #tpu.memory_space<vmem>> -> memref<50x32xf32, #tpu.memory_space<vmem>>
      %dma_wait3A_828 = arith.constant 0 : i32
      %dma_wait3A_829 = tpu.memref_slice %arg5[%dma_wait3A_824, %dma_wait3A_828] : memref<32x50xi32, #tpu.memory_space<vmem>> -> memref<1x50xi32, #tpu.memory_space<vmem>>
      %dma_wait3A_830 = tpu.memref_squeeze %dma_wait3A_829 : memref<1x50xi32, #tpu.memory_space<vmem>> -> memref<50xi32, #tpu.memory_space<vmem>>
      %dma_wait3A_831 = arith.constant 0 : i32
      %dma_wait3A_832 = arith.constant 0 : i32
      %dma_wait3A_833 = tpu.memref_slice %arg2[%dma_wait3A_831, %dma_wait3A_832] : memref<1000000x32xf32, #tpu.memory_space<hbm>> -> memref<1000000x32xf32, #tpu.memory_space<hbm>>
      tpu.wait_indirect_dma semaphore(%arg9 : memref<!tpu.dma_semaphore, #tpu.memory_space<semaphore_mem>>) src(%dma_wait3A_833 : memref<1000000x32xf32, #tpu.memory_space<hbm>>) dst(%dma_wait3A_827 : memref<50x32xf32, #tpu.memory_space<vmem>>)
      %dma_wait3A_834 = arith.constant 17 : i32
      %dma_wait3A_835 = arith.constant 850 : i32
      %dma_wait3A_836 = arith.constant 0 : i32
      %dma_wait3A_837 = tpu.memref_slice %arg7[%dma_wait3A_835, %dma_wait3A_836] : memref<1600x32xf32, #tpu.memory_space<vmem>> -> memref<50x32xf32, #tpu.memory_space<vmem>>
      %dma_wait3A_838 = arith.constant 0 : i32
      %dma_wait3A_839 = tpu.memref_slice %arg5[%dma_wait3A_834, %dma_wait3A_838] : memref<32x50xi32, #tpu.memory_space<vmem>> -> memref<1x50xi32, #tpu.memory_space<vmem>>
      %dma_wait3A_840 = tpu.memref_squeeze %dma_wait3A_839 : memref<1x50xi32, #tpu.memory_space<vmem>> -> memref<50xi32, #tpu.memory_space<vmem>>
      %dma_wait3A_841 = arith.constant 0 : i32
      %dma_wait3A_842 = arith.constant 0 : i32
      %dma_wait3A_843 = tpu.memref_slice %arg2[%dma_wait3A_841, %dma_wait3A_842] : memref<1000000x32xf32, #tpu.memory_space<hbm>> -> memref<1000000x32xf32, #tpu.memory_space<hbm>>
      tpu.wait_indirect_dma semaphore(%arg9 : memref<!tpu.dma_semaphore, #tpu.memory_space<semaphore_mem>>) src(%dma_wait3A_843 : memref<1000000x32xf32, #tpu.memory_space<hbm>>) dst(%dma_wait3A_837 : memref<50x32xf32, #tpu.memory_space<vmem>>)
      %dma_wait3A_844 = arith.constant 18 : i32
      %dma_wait3A_845 = arith.constant 900 : i32
      %dma_wait3A_846 = arith.constant 0 : i32
      %dma_wait3A_847 = tpu.memref_slice %arg7[%dma_wait3A_845, %dma_wait3A_846] : memref<1600x32xf32, #tpu.memory_space<vmem>> -> memref<50x32xf32, #tpu.memory_space<vmem>>
      %dma_wait3A_848 = arith.constant 0 : i32
      %dma_wait3A_849 = tpu.memref_slice %arg5[%dma_wait3A_844, %dma_wait3A_848] : memref<32x50xi32, #tpu.memory_space<vmem>> -> memref<1x50xi32, #tpu.memory_space<vmem>>
      %dma_wait3A_850 = tpu.memref_squeeze %dma_wait3A_849 : memref<1x50xi32, #tpu.memory_space<vmem>> -> memref<50xi32, #tpu.memory_space<vmem>>
      %dma_wait3A_851 = arith.constant 0 : i32
      %dma_wait3A_852 = arith.constant 0 : i32
      %dma_wait3A_853 = tpu.memref_slice %arg2[%dma_wait3A_851, %dma_wait3A_852] : memref<1000000x32xf32, #tpu.memory_space<hbm>> -> memref<1000000x32xf32, #tpu.memory_space<hbm>>
      tpu.wait_indirect_dma semaphore(%arg9 : memref<!tpu.dma_semaphore, #tpu.memory_space<semaphore_mem>>) src(%dma_wait3A_853 : memref<1000000x32xf32, #tpu.memory_space<hbm>>) dst(%dma_wait3A_847 : memref<50x32xf32, #tpu.memory_space<vmem>>)
      %dma_wait3A_854 = arith.constant 19 : i32
      %dma_wait3A_855 = arith.constant 950 : i32
      %dma_wait3A_856 = arith.constant 0 : i32
      %dma_wait3A_857 = tpu.memref_slice %arg7[%dma_wait3A_855, %dma_wait3A_856] : memref<1600x32xf32, #tpu.memory_space<vmem>> -> memref<50x32xf32, #tpu.memory_space<vmem>>
      %dma_wait3A_858 = arith.constant 0 : i32
      %dma_wait3A_859 = tpu.memref_slice %arg5[%dma_wait3A_854, %dma_wait3A_858] : memref<32x50xi32, #tpu.memory_space<vmem>> -> memref<1x50xi32, #tpu.memory_space<vmem>>
      %dma_wait3A_860 = tpu.memref_squeeze %dma_wait3A_859 : memref<1x50xi32, #tpu.memory_space<vmem>> -> memref<50xi32, #tpu.memory_space<vmem>>
      %dma_wait3A_861 = arith.constant 0 : i32
      %dma_wait3A_862 = arith.constant 0 : i32
      %dma_wait3A_863 = tpu.memref_slice %arg2[%dma_wait3A_861, %dma_wait3A_862] : memref<1000000x32xf32, #tpu.memory_space<hbm>> -> memref<1000000x32xf32, #tpu.memory_space<hbm>>
      tpu.wait_indirect_dma semaphore(%arg9 : memref<!tpu.dma_semaphore, #tpu.memory_space<semaphore_mem>>) src(%dma_wait3A_863 : memref<1000000x32xf32, #tpu.memory_space<hbm>>) dst(%dma_wait3A_857 : memref<50x32xf32, #tpu.memory_space<vmem>>)
      %dma_wait3A_864 = arith.constant 20 : i32
      %dma_wait3A_865 = arith.constant 1000 : i32
      %dma_wait3A_866 = arith.constant 0 : i32
      %dma_wait3A_867 = tpu.memref_slice %arg7[%dma_wait3A_865, %dma_wait3A_866] : memref<1600x32xf32, #tpu.memory_space<vmem>> -> memref<50x32xf32, #tpu.memory_space<vmem>>
      %dma_wait3A_868 = arith.constant 0 : i32
      %dma_wait3A_869 = tpu.memref_slice %arg5[%dma_wait3A_864, %dma_wait3A_868] : memref<32x50xi32, #tpu.memory_space<vmem>> -> memref<1x50xi32, #tpu.memory_space<vmem>>
      %dma_wait3A_870 = tpu.memref_squeeze %dma_wait3A_869 : memref<1x50xi32, #tpu.memory_space<vmem>> -> memref<50xi32, #tpu.memory_space<vmem>>
      %dma_wait3A_871 = arith.constant 0 : i32
      %dma_wait3A_872 = arith.constant 0 : i32
      %dma_wait3A_873 = tpu.memref_slice %arg2[%dma_wait3A_871, %dma_wait3A_872] : memref<1000000x32xf32, #tpu.memory_space<hbm>> -> memref<1000000x32xf32, #tpu.memory_space<hbm>>
      tpu.wait_indirect_dma semaphore(%arg9 : memref<!tpu.dma_semaphore, #tpu.memory_space<semaphore_mem>>) src(%dma_wait3A_873 : memref<1000000x32xf32, #tpu.memory_space<hbm>>) dst(%dma_wait3A_867 : memref<50x32xf32, #tpu.memory_space<vmem>>)
      %dma_wait3A_874 = arith.constant 21 : i32
      %dma_wait3A_875 = arith.constant 1050 : i32
      %dma_wait3A_876 = arith.constant 0 : i32
      %dma_wait3A_877 = tpu.memref_slice %arg7[%dma_wait3A_875, %dma_wait3A_876] : memref<1600x32xf32, #tpu.memory_space<vmem>> -> memref<50x32xf32, #tpu.memory_space<vmem>>
      %dma_wait3A_878 = arith.constant 0 : i32
      %dma_wait3A_879 = tpu.memref_slice %arg5[%dma_wait3A_874, %dma_wait3A_878] : memref<32x50xi32, #tpu.memory_space<vmem>> -> memref<1x50xi32, #tpu.memory_space<vmem>>
      %dma_wait3A_880 = tpu.memref_squeeze %dma_wait3A_879 : memref<1x50xi32, #tpu.memory_space<vmem>> -> memref<50xi32, #tpu.memory_space<vmem>>
      %dma_wait3A_881 = arith.constant 0 : i32
      %dma_wait3A_882 = arith.constant 0 : i32
      %dma_wait3A_883 = tpu.memref_slice %arg2[%dma_wait3A_881, %dma_wait3A_882] : memref<1000000x32xf32, #tpu.memory_space<hbm>> -> memref<1000000x32xf32, #tpu.memory_space<hbm>>
      tpu.wait_indirect_dma semaphore(%arg9 : memref<!tpu.dma_semaphore, #tpu.memory_space<semaphore_mem>>) src(%dma_wait3A_883 : memref<1000000x32xf32, #tpu.memory_space<hbm>>) dst(%dma_wait3A_877 : memref<50x32xf32, #tpu.memory_space<vmem>>)
      %dma_wait3A_884 = arith.constant 22 : i32
      %dma_wait3A_885 = arith.constant 1100 : i32
      %dma_wait3A_886 = arith.constant 0 : i32
      %dma_wait3A_887 = tpu.memref_slice %arg7[%dma_wait3A_885, %dma_wait3A_886] : memref<1600x32xf32, #tpu.memory_space<vmem>> -> memref<50x32xf32, #tpu.memory_space<vmem>>
      %dma_wait3A_888 = arith.constant 0 : i32
      %dma_wait3A_889 = tpu.memref_slice %arg5[%dma_wait3A_884, %dma_wait3A_888] : memref<32x50xi32, #tpu.memory_space<vmem>> -> memref<1x50xi32, #tpu.memory_space<vmem>>
      %dma_wait3A_890 = tpu.memref_squeeze %dma_wait3A_889 : memref<1x50xi32, #tpu.memory_space<vmem>> -> memref<50xi32, #tpu.memory_space<vmem>>
      %dma_wait3A_891 = arith.constant 0 : i32
      %dma_wait3A_892 = arith.constant 0 : i32
      %dma_wait3A_893 = tpu.memref_slice %arg2[%dma_wait3A_891, %dma_wait3A_892] : memref<1000000x32xf32, #tpu.memory_space<hbm>> -> memref<1000000x32xf32, #tpu.memory_space<hbm>>
      tpu.wait_indirect_dma semaphore(%arg9 : memref<!tpu.dma_semaphore, #tpu.memory_space<semaphore_mem>>) src(%dma_wait3A_893 : memref<1000000x32xf32, #tpu.memory_space<hbm>>) dst(%dma_wait3A_887 : memref<50x32xf32, #tpu.memory_space<vmem>>)
      %dma_wait3A_894 = arith.constant 23 : i32
      %dma_wait3A_895 = arith.constant 1150 : i32
      %dma_wait3A_896 = arith.constant 0 : i32
      %dma_wait3A_897 = tpu.memref_slice %arg7[%dma_wait3A_895, %dma_wait3A_896] : memref<1600x32xf32, #tpu.memory_space<vmem>> -> memref<50x32xf32, #tpu.memory_space<vmem>>
      %dma_wait3A_898 = arith.constant 0 : i32
      %dma_wait3A_899 = tpu.memref_slice %arg5[%dma_wait3A_894, %dma_wait3A_898] : memref<32x50xi32, #tpu.memory_space<vmem>> -> memref<1x50xi32, #tpu.memory_space<vmem>>
      %dma_wait3A_900 = tpu.memref_squeeze %dma_wait3A_899 : memref<1x50xi32, #tpu.memory_space<vmem>> -> memref<50xi32, #tpu.memory_space<vmem>>
      %dma_wait3A_901 = arith.constant 0 : i32
      %dma_wait3A_902 = arith.constant 0 : i32
      %dma_wait3A_903 = tpu.memref_slice %arg2[%dma_wait3A_901, %dma_wait3A_902] : memref<1000000x32xf32, #tpu.memory_space<hbm>> -> memref<1000000x32xf32, #tpu.memory_space<hbm>>
      tpu.wait_indirect_dma semaphore(%arg9 : memref<!tpu.dma_semaphore, #tpu.memory_space<semaphore_mem>>) src(%dma_wait3A_903 : memref<1000000x32xf32, #tpu.memory_space<hbm>>) dst(%dma_wait3A_897 : memref<50x32xf32, #tpu.memory_space<vmem>>)
      %dma_wait3A_904 = arith.constant 24 : i32
      %dma_wait3A_905 = arith.constant 1200 : i32
      %dma_wait3A_906 = arith.constant 0 : i32
      %dma_wait3A_907 = tpu.memref_slice %arg7[%dma_wait3A_905, %dma_wait3A_906] : memref<1600x32xf32, #tpu.memory_space<vmem>> -> memref<50x32xf32, #tpu.memory_space<vmem>>
      %dma_wait3A_908 = arith.constant 0 : i32
      %dma_wait3A_909 = tpu.memref_slice %arg5[%dma_wait3A_904, %dma_wait3A_908] : memref<32x50xi32, #tpu.memory_space<vmem>> -> memref<1x50xi32, #tpu.memory_space<vmem>>
      %dma_wait3A_910 = tpu.memref_squeeze %dma_wait3A_909 : memref<1x50xi32, #tpu.memory_space<vmem>> -> memref<50xi32, #tpu.memory_space<vmem>>
      %dma_wait3A_911 = arith.constant 0 : i32
      %dma_wait3A_912 = arith.constant 0 : i32
      %dma_wait3A_913 = tpu.memref_slice %arg2[%dma_wait3A_911, %dma_wait3A_912] : memref<1000000x32xf32, #tpu.memory_space<hbm>> -> memref<1000000x32xf32, #tpu.memory_space<hbm>>
      tpu.wait_indirect_dma semaphore(%arg9 : memref<!tpu.dma_semaphore, #tpu.memory_space<semaphore_mem>>) src(%dma_wait3A_913 : memref<1000000x32xf32, #tpu.memory_space<hbm>>) dst(%dma_wait3A_907 : memref<50x32xf32, #tpu.memory_space<vmem>>)
      %dma_wait3A_914 = arith.constant 25 : i32
      %dma_wait3A_915 = arith.constant 1250 : i32
      %dma_wait3A_916 = arith.constant 0 : i32
      %dma_wait3A_917 = tpu.memref_slice %arg7[%dma_wait3A_915, %dma_wait3A_916] : memref<1600x32xf32, #tpu.memory_space<vmem>> -> memref<50x32xf32, #tpu.memory_space<vmem>>
      %dma_wait3A_918 = arith.constant 0 : i32
      %dma_wait3A_919 = tpu.memref_slice %arg5[%dma_wait3A_914, %dma_wait3A_918] : memref<32x50xi32, #tpu.memory_space<vmem>> -> memref<1x50xi32, #tpu.memory_space<vmem>>
      %dma_wait3A_920 = tpu.memref_squeeze %dma_wait3A_919 : memref<1x50xi32, #tpu.memory_space<vmem>> -> memref<50xi32, #tpu.memory_space<vmem>>
      %dma_wait3A_921 = arith.constant 0 : i32
      %dma_wait3A_922 = arith.constant 0 : i32
      %dma_wait3A_923 = tpu.memref_slice %arg2[%dma_wait3A_921, %dma_wait3A_922] : memref<1000000x32xf32, #tpu.memory_space<hbm>> -> memref<1000000x32xf32, #tpu.memory_space<hbm>>
      tpu.wait_indirect_dma semaphore(%arg9 : memref<!tpu.dma_semaphore, #tpu.memory_space<semaphore_mem>>) src(%dma_wait3A_923 : memref<1000000x32xf32, #tpu.memory_space<hbm>>) dst(%dma_wait3A_917 : memref<50x32xf32, #tpu.memory_space<vmem>>)
      %dma_wait3A_924 = arith.constant 26 : i32
      %dma_wait3A_925 = arith.constant 1300 : i32
      %dma_wait3A_926 = arith.constant 0 : i32
      %dma_wait3A_927 = tpu.memref_slice %arg7[%dma_wait3A_925, %dma_wait3A_926] : memref<1600x32xf32, #tpu.memory_space<vmem>> -> memref<50x32xf32, #tpu.memory_space<vmem>>
      %dma_wait3A_928 = arith.constant 0 : i32
      %dma_wait3A_929 = tpu.memref_slice %arg5[%dma_wait3A_924, %dma_wait3A_928] : memref<32x50xi32, #tpu.memory_space<vmem>> -> memref<1x50xi32, #tpu.memory_space<vmem>>
      %dma_wait3A_930 = tpu.memref_squeeze %dma_wait3A_929 : memref<1x50xi32, #tpu.memory_space<vmem>> -> memref<50xi32, #tpu.memory_space<vmem>>
      %dma_wait3A_931 = arith.constant 0 : i32
      %dma_wait3A_932 = arith.constant 0 : i32
      %dma_wait3A_933 = tpu.memref_slice %arg2[%dma_wait3A_931, %dma_wait3A_932] : memref<1000000x32xf32, #tpu.memory_space<hbm>> -> memref<1000000x32xf32, #tpu.memory_space<hbm>>
      tpu.wait_indirect_dma semaphore(%arg9 : memref<!tpu.dma_semaphore, #tpu.memory_space<semaphore_mem>>) src(%dma_wait3A_933 : memref<1000000x32xf32, #tpu.memory_space<hbm>>) dst(%dma_wait3A_927 : memref<50x32xf32, #tpu.memory_space<vmem>>)
      %dma_wait3A_934 = arith.constant 27 : i32
      %dma_wait3A_935 = arith.constant 1350 : i32
      %dma_wait3A_936 = arith.constant 0 : i32
      %dma_wait3A_937 = tpu.memref_slice %arg7[%dma_wait3A_935, %dma_wait3A_936] : memref<1600x32xf32, #tpu.memory_space<vmem>> -> memref<50x32xf32, #tpu.memory_space<vmem>>
      %dma_wait3A_938 = arith.constant 0 : i32
      %dma_wait3A_939 = tpu.memref_slice %arg5[%dma_wait3A_934, %dma_wait3A_938] : memref<32x50xi32, #tpu.memory_space<vmem>> -> memref<1x50xi32, #tpu.memory_space<vmem>>
      %dma_wait3A_940 = tpu.memref_squeeze %dma_wait3A_939 : memref<1x50xi32, #tpu.memory_space<vmem>> -> memref<50xi32, #tpu.memory_space<vmem>>
      %dma_wait3A_941 = arith.constant 0 : i32
      %dma_wait3A_942 = arith.constant 0 : i32
      %dma_wait3A_943 = tpu.memref_slice %arg2[%dma_wait3A_941, %dma_wait3A_942] : memref<1000000x32xf32, #tpu.memory_space<hbm>> -> memref<1000000x32xf32, #tpu.memory_space<hbm>>
      tpu.wait_indirect_dma semaphore(%arg9 : memref<!tpu.dma_semaphore, #tpu.memory_space<semaphore_mem>>) src(%dma_wait3A_943 : memref<1000000x32xf32, #tpu.memory_space<hbm>>) dst(%dma_wait3A_937 : memref<50x32xf32, #tpu.memory_space<vmem>>)
      %dma_wait3A_944 = arith.constant 28 : i32
      %dma_wait3A_945 = arith.constant 1400 : i32
      %dma_wait3A_946 = arith.constant 0 : i32
      %dma_wait3A_947 = tpu.memref_slice %arg7[%dma_wait3A_945, %dma_wait3A_946] : memref<1600x32xf32, #tpu.memory_space<vmem>> -> memref<50x32xf32, #tpu.memory_space<vmem>>
      %dma_wait3A_948 = arith.constant 0 : i32
      %dma_wait3A_949 = tpu.memref_slice %arg5[%dma_wait3A_944, %dma_wait3A_948] : memref<32x50xi32, #tpu.memory_space<vmem>> -> memref<1x50xi32, #tpu.memory_space<vmem>>
      %dma_wait3A_950 = tpu.memref_squeeze %dma_wait3A_949 : memref<1x50xi32, #tpu.memory_space<vmem>> -> memref<50xi32, #tpu.memory_space<vmem>>
      %dma_wait3A_951 = arith.constant 0 : i32
      %dma_wait3A_952 = arith.constant 0 : i32
      %dma_wait3A_953 = tpu.memref_slice %arg2[%dma_wait3A_951, %dma_wait3A_952] : memref<1000000x32xf32, #tpu.memory_space<hbm>> -> memref<1000000x32xf32, #tpu.memory_space<hbm>>
      tpu.wait_indirect_dma semaphore(%arg9 : memref<!tpu.dma_semaphore, #tpu.memory_space<semaphore_mem>>) src(%dma_wait3A_953 : memref<1000000x32xf32, #tpu.memory_space<hbm>>) dst(%dma_wait3A_947 : memref<50x32xf32, #tpu.memory_space<vmem>>)
      %dma_wait3A_954 = arith.constant 29 : i32
      %dma_wait3A_955 = arith.constant 1450 : i32
      %dma_wait3A_956 = arith.constant 0 : i32
      %dma_wait3A_957 = tpu.memref_slice %arg7[%dma_wait3A_955, %dma_wait3A_956] : memref<1600x32xf32, #tpu.memory_space<vmem>> -> memref<50x32xf32, #tpu.memory_space<vmem>>
      %dma_wait3A_958 = arith.constant 0 : i32
      %dma_wait3A_959 = tpu.memref_slice %arg5[%dma_wait3A_954, %dma_wait3A_958] : memref<32x50xi32, #tpu.memory_space<vmem>> -> memref<1x50xi32, #tpu.memory_space<vmem>>
      %dma_wait3A_960 = tpu.memref_squeeze %dma_wait3A_959 : memref<1x50xi32, #tpu.memory_space<vmem>> -> memref<50xi32, #tpu.memory_space<vmem>>
      %dma_wait3A_961 = arith.constant 0 : i32
      %dma_wait3A_962 = arith.constant 0 : i32
      %dma_wait3A_963 = tpu.memref_slice %arg2[%dma_wait3A_961, %dma_wait3A_962] : memref<1000000x32xf32, #tpu.memory_space<hbm>> -> memref<1000000x32xf32, #tpu.memory_space<hbm>>
      tpu.wait_indirect_dma semaphore(%arg9 : memref<!tpu.dma_semaphore, #tpu.memory_space<semaphore_mem>>) src(%dma_wait3A_963 : memref<1000000x32xf32, #tpu.memory_space<hbm>>) dst(%dma_wait3A_957 : memref<50x32xf32, #tpu.memory_space<vmem>>)
      %dma_wait3A_964 = arith.constant 30 : i32
      %dma_wait3A_965 = arith.constant 1500 : i32
      %dma_wait3A_966 = arith.constant 0 : i32
      %dma_wait3A_967 = tpu.memref_slice %arg7[%dma_wait3A_965, %dma_wait3A_966] : memref<1600x32xf32, #tpu.memory_space<vmem>> -> memref<50x32xf32, #tpu.memory_space<vmem>>
      %dma_wait3A_968 = arith.constant 0 : i32
      %dma_wait3A_969 = tpu.memref_slice %arg5[%dma_wait3A_964, %dma_wait3A_968] : memref<32x50xi32, #tpu.memory_space<vmem>> -> memref<1x50xi32, #tpu.memory_space<vmem>>
      %dma_wait3A_970 = tpu.memref_squeeze %dma_wait3A_969 : memref<1x50xi32, #tpu.memory_space<vmem>> -> memref<50xi32, #tpu.memory_space<vmem>>
      %dma_wait3A_971 = arith.constant 0 : i32
      %dma_wait3A_972 = arith.constant 0 : i32
      %dma_wait3A_973 = tpu.memref_slice %arg2[%dma_wait3A_971, %dma_wait3A_972] : memref<1000000x32xf32, #tpu.memory_space<hbm>> -> memref<1000000x32xf32, #tpu.memory_space<hbm>>
      tpu.wait_indirect_dma semaphore(%arg9 : memref<!tpu.dma_semaphore, #tpu.memory_space<semaphore_mem>>) src(%dma_wait3A_973 : memref<1000000x32xf32, #tpu.memory_space<hbm>>) dst(%dma_wait3A_967 : memref<50x32xf32, #tpu.memory_space<vmem>>)
      %dma_wait3A_974 = arith.constant 31 : i32
      %dma_wait3A_975 = arith.constant 1550 : i32
      %dma_wait3A_976 = arith.constant 0 : i32
      %dma_wait3A_977 = tpu.memref_slice %arg7[%dma_wait3A_975, %dma_wait3A_976] : memref<1600x32xf32, #tpu.memory_space<vmem>> -> memref<50x32xf32, #tpu.memory_space<vmem>>
      %dma_wait3A_978 = arith.constant 0 : i32
      %dma_wait3A_979 = tpu.memref_slice %arg5[%dma_wait3A_974, %dma_wait3A_978] : memref<32x50xi32, #tpu.memory_space<vmem>> -> memref<1x50xi32, #tpu.memory_space<vmem>>
      %dma_wait3A_980 = tpu.memref_squeeze %dma_wait3A_979 : memref<1x50xi32, #tpu.memory_space<vmem>> -> memref<50xi32, #tpu.memory_space<vmem>>
      %dma_wait3A_981 = arith.constant 0 : i32
      %dma_wait3A_982 = arith.constant 0 : i32
      %dma_wait3A_983 = tpu.memref_slice %arg2[%dma_wait3A_981, %dma_wait3A_982] : memref<1000000x32xf32, #tpu.memory_space<hbm>> -> memref<1000000x32xf32, #tpu.memory_space<hbm>>
      tpu.wait_indirect_dma semaphore(%arg9 : memref<!tpu.dma_semaphore, #tpu.memory_space<semaphore_mem>>) src(%dma_wait3A_983 : memref<1000000x32xf32, #tpu.memory_space<hbm>>) dst(%dma_wait3A_977 : memref<50x32xf32, #tpu.memory_space<vmem>>)
      %mul3A_984 = arith.constant 1600 : i32
      %mul3A_985 = arith.muli %add3A_334, %mul3A_984 : i32
      %add3A_986 = arith.addi %mul3A_2, %mul3A_985 : i32
      "tpu.region"() ({
        %run_scoped3A = tpu.sem_alloc : memref<!tpu.dma_semaphore, #tpu.memory_space<semaphore_mem>>
        %dma_start3A_1311 = arith.constant 0 : i32
        %dma_start3A_1312 = tpu.memref_slice %arg4[%add3A_986, %dma_start3A_1311] : memref<819200x32xf32, #tpu.memory_space<hbm>> -> memref<1600x32xf32, #tpu.memory_space<hbm>>
        %dma_start3A_1313 = arith.constant 0 : i32
        %dma_start3A_1314 = tpu.memref_slice %arg4[%add3A_986, %dma_start3A_1313] : memref<819200x32xf32, #tpu.memory_space<hbm>> -> memref<1600x32xf32, #tpu.memory_space<hbm>>
        tpu.enqueue_dma source(%arg7 : memref<1600x32xf32, #tpu.memory_space<vmem>>) target(%dma_start3A_1314 : memref<1600x32xf32, #tpu.memory_space<hbm>>) target_semaphore(%run_scoped3A : memref<!tpu.dma_semaphore, #tpu.memory_space<semaphore_mem>>)
        %dma_wait3A_1315 = arith.constant 0 : i32
        %dma_wait3A_1316 = tpu.memref_slice %arg4[%add3A_986, %dma_wait3A_1315] : memref<819200x32xf32, #tpu.memory_space<hbm>> -> memref<1600x32xf32, #tpu.memory_space<hbm>>
        %dma_wait3A_1317 = arith.constant 0 : i32
        %dma_wait3A_1318 = tpu.memref_slice %arg4[%add3A_986, %dma_wait3A_1317] : memref<819200x32xf32, #tpu.memory_space<hbm>> -> memref<1600x32xf32, #tpu.memory_space<hbm>>
        tpu.wait_dma2 semaphore(%run_scoped3A : memref<!tpu.dma_semaphore, #tpu.memory_space<semaphore_mem>>) src(%arg7 : memref<1600x32xf32, #tpu.memory_space<vmem>>) dst(%dma_wait3A_1318 : memref<1600x32xf32, #tpu.memory_space<hbm>>)
        tpu.yield
      }) : () -> ()
      %add3A_987 = arith.constant 2 : i32
      %add3A_988 = arith.addi %add3A_334, %add3A_987 : i32
      %lt3A = arith.constant 16 : i32
      %lt3A_989 = arith.cmpi slt, %add3A_988, %lt3A : i32
      %convert_element_type3A = arith.extui %lt3A_989 : i1 to i32
      %cond3A = arith.constant 0 : i32
      %cond3A_990 = arith.cmpi ne, %convert_element_type3A, %cond3A : i32
      scf.if %cond3A_990 {
        %add3A_1311 = arith.constant 2 : i32
        %add3A_1312 = arith.addi %add3A_334, %add3A_1311 : i32
        %mul3A_1313 = arith.constant 32 : i32
        %mul3A_1314 = arith.muli %add3A_1312, %mul3A_1313 : i32
        %add3A_1315 = arith.addi %mul3A_4, %mul3A_1314 : i32
        "tpu.region"() ({
          %run_scoped3A = tpu.sem_alloc : memref<!tpu.dma_semaphore, #tpu.memory_space<semaphore_mem>>
          %dma_start3A_1636 = arith.constant 0 : i32
          %dma_start3A_1637 = tpu.memref_slice %arg3[%add3A_1315, %dma_start3A_1636] : memref<16384x50xi32, #tpu.memory_space<hbm>> -> memref<32x50xi32, #tpu.memory_space<hbm>>
          %dma_start3A_1638 = arith.constant 0 : i32
          %dma_start3A_1639 = tpu.memref_slice %arg3[%add3A_1315, %dma_start3A_1638] : memref<16384x50xi32, #tpu.memory_space<hbm>> -> memref<32x50xi32, #tpu.memory_space<hbm>>
          tpu.enqueue_dma source(%dma_start3A_1639 : memref<32x50xi32, #tpu.memory_space<hbm>>) target(%arg5 : memref<32x50xi32, #tpu.memory_space<vmem>>) target_semaphore(%run_scoped3A : memref<!tpu.dma_semaphore, #tpu.memory_space<semaphore_mem>>)
          %dma_wait3A_1640 = arith.constant 0 : i32
          %dma_wait3A_1641 = tpu.memref_slice %arg3[%add3A_1315, %dma_wait3A_1640] : memref<16384x50xi32, #tpu.memory_space<hbm>> -> memref<32x50xi32, #tpu.memory_space<hbm>>
          %dma_wait3A_1642 = arith.constant 0 : i32
          %dma_wait3A_1643 = tpu.memref_slice %arg3[%add3A_1315, %dma_wait3A_1642] : memref<16384x50xi32, #tpu.memory_space<hbm>> -> memref<32x50xi32, #tpu.memory_space<hbm>>
          tpu.wait_dma2 semaphore(%run_scoped3A : memref<!tpu.dma_semaphore, #tpu.memory_space<semaphore_mem>>) src(%dma_wait3A_1643 : memref<32x50xi32, #tpu.memory_space<hbm>>) dst(%arg5 : memref<32x50xi32, #tpu.memory_space<vmem>>)
          tpu.yield
        }) : () -> ()
        %dma_start3A_1316 = arith.constant 0 : i32
        %dma_start3A_1317 = arith.constant 0 : i32
        %dma_start3A_1318 = arith.constant 0 : i32
        %dma_start3A_1319 = tpu.memref_slice %arg7[%dma_start3A_1317, %dma_start3A_1318] : memref<1600x32xf32, #tpu.memory_space<vmem>> -> memref<50x32xf32, #tpu.memory_space<vmem>>
        %dma_start3A_1320 = arith.constant 0 : i32
        %dma_start3A_1321 = tpu.memref_slice %arg5[%dma_start3A_1316, %dma_start3A_1320] : memref<32x50xi32, #tpu.memory_space<vmem>> -> memref<1x50xi32, #tpu.memory_space<vmem>>
        %dma_start3A_1322 = tpu.memref_squeeze %dma_start3A_1321 : memref<1x50xi32, #tpu.memory_space<vmem>> -> memref<50xi32, #tpu.memory_space<vmem>>
        %dma_start3A_1323 = arith.constant 0 : i32
        %dma_start3A_1324 = arith.constant 0 : i32
        %dma_start3A_1325 = tpu.memref_slice %arg2[%dma_start3A_1323, %dma_start3A_1324] : memref<1000000x32xf32, #tpu.memory_space<hbm>> -> memref<1000000x32xf32, #tpu.memory_space<hbm>>
        tpu.enqueue_indirect_dma source(%dma_start3A_1325 : memref<1000000x32xf32, #tpu.memory_space<hbm>>) target(%dma_start3A_1319 : memref<50x32xf32, #tpu.memory_space<vmem>>) offsets(%dma_start3A_1322 : memref<50xi32, #tpu.memory_space<vmem>>) semaphore(%arg9 : memref<!tpu.dma_semaphore, #tpu.memory_space<semaphore_mem>>)
        %dma_start3A_1326 = arith.constant 1 : i32
        %dma_start3A_1327 = arith.constant 50 : i32
        %dma_start3A_1328 = arith.constant 0 : i32
        %dma_start3A_1329 = tpu.memref_slice %arg7[%dma_start3A_1327, %dma_start3A_1328] : memref<1600x32xf32, #tpu.memory_space<vmem>> -> memref<50x32xf32, #tpu.memory_space<vmem>>
        %dma_start3A_1330 = arith.constant 0 : i32
        %dma_start3A_1331 = tpu.memref_slice %arg5[%dma_start3A_1326, %dma_start3A_1330] : memref<32x50xi32, #tpu.memory_space<vmem>> -> memref<1x50xi32, #tpu.memory_space<vmem>>
        %dma_start3A_1332 = tpu.memref_squeeze %dma_start3A_1331 : memref<1x50xi32, #tpu.memory_space<vmem>> -> memref<50xi32, #tpu.memory_space<vmem>>
        %dma_start3A_1333 = arith.constant 0 : i32
        %dma_start3A_1334 = arith.constant 0 : i32
        %dma_start3A_1335 = tpu.memref_slice %arg2[%dma_start3A_1333, %dma_start3A_1334] : memref<1000000x32xf32, #tpu.memory_space<hbm>> -> memref<1000000x32xf32, #tpu.memory_space<hbm>>
        tpu.enqueue_indirect_dma source(%dma_start3A_1335 : memref<1000000x32xf32, #tpu.memory_space<hbm>>) target(%dma_start3A_1329 : memref<50x32xf32, #tpu.memory_space<vmem>>) offsets(%dma_start3A_1332 : memref<50xi32, #tpu.memory_space<vmem>>) semaphore(%arg9 : memref<!tpu.dma_semaphore, #tpu.memory_space<semaphore_mem>>)
        %dma_start3A_1336 = arith.constant 2 : i32
        %dma_start3A_1337 = arith.constant 100 : i32
        %dma_start3A_1338 = arith.constant 0 : i32
        %dma_start3A_1339 = tpu.memref_slice %arg7[%dma_start3A_1337, %dma_start3A_1338] : memref<1600x32xf32, #tpu.memory_space<vmem>> -> memref<50x32xf32, #tpu.memory_space<vmem>>
        %dma_start3A_1340 = arith.constant 0 : i32
        %dma_start3A_1341 = tpu.memref_slice %arg5[%dma_start3A_1336, %dma_start3A_1340] : memref<32x50xi32, #tpu.memory_space<vmem>> -> memref<1x50xi32, #tpu.memory_space<vmem>>
        %dma_start3A_1342 = tpu.memref_squeeze %dma_start3A_1341 : memref<1x50xi32, #tpu.memory_space<vmem>> -> memref<50xi32, #tpu.memory_space<vmem>>
        %dma_start3A_1343 = arith.constant 0 : i32
        %dma_start3A_1344 = arith.constant 0 : i32
        %dma_start3A_1345 = tpu.memref_slice %arg2[%dma_start3A_1343, %dma_start3A_1344] : memref<1000000x32xf32, #tpu.memory_space<hbm>> -> memref<1000000x32xf32, #tpu.memory_space<hbm>>
        tpu.enqueue_indirect_dma source(%dma_start3A_1345 : memref<1000000x32xf32, #tpu.memory_space<hbm>>) target(%dma_start3A_1339 : memref<50x32xf32, #tpu.memory_space<vmem>>) offsets(%dma_start3A_1342 : memref<50xi32, #tpu.memory_space<vmem>>) semaphore(%arg9 : memref<!tpu.dma_semaphore, #tpu.memory_space<semaphore_mem>>)
        %dma_start3A_1346 = arith.constant 3 : i32
        %dma_start3A_1347 = arith.constant 150 : i32
        %dma_start3A_1348 = arith.constant 0 : i32
        %dma_start3A_1349 = tpu.memref_slice %arg7[%dma_start3A_1347, %dma_start3A_1348] : memref<1600x32xf32, #tpu.memory_space<vmem>> -> memref<50x32xf32, #tpu.memory_space<vmem>>
        %dma_start3A_1350 = arith.constant 0 : i32
        %dma_start3A_1351 = tpu.memref_slice %arg5[%dma_start3A_1346, %dma_start3A_1350] : memref<32x50xi32, #tpu.memory_space<vmem>> -> memref<1x50xi32, #tpu.memory_space<vmem>>
        %dma_start3A_1352 = tpu.memref_squeeze %dma_start3A_1351 : memref<1x50xi32, #tpu.memory_space<vmem>> -> memref<50xi32, #tpu.memory_space<vmem>>
        %dma_start3A_1353 = arith.constant 0 : i32
        %dma_start3A_1354 = arith.constant 0 : i32
        %dma_start3A_1355 = tpu.memref_slice %arg2[%dma_start3A_1353, %dma_start3A_1354] : memref<1000000x32xf32, #tpu.memory_space<hbm>> -> memref<1000000x32xf32, #tpu.memory_space<hbm>>
        tpu.enqueue_indirect_dma source(%dma_start3A_1355 : memref<1000000x32xf32, #tpu.memory_space<hbm>>) target(%dma_start3A_1349 : memref<50x32xf32, #tpu.memory_space<vmem>>) offsets(%dma_start3A_1352 : memref<50xi32, #tpu.memory_space<vmem>>) semaphore(%arg9 : memref<!tpu.dma_semaphore, #tpu.memory_space<semaphore_mem>>)
        %dma_start3A_1356 = arith.constant 4 : i32
        %dma_start3A_1357 = arith.constant 200 : i32
        %dma_start3A_1358 = arith.constant 0 : i32
        %dma_start3A_1359 = tpu.memref_slice %arg7[%dma_start3A_1357, %dma_start3A_1358] : memref<1600x32xf32, #tpu.memory_space<vmem>> -> memref<50x32xf32, #tpu.memory_space<vmem>>
        %dma_start3A_1360 = arith.constant 0 : i32
        %dma_start3A_1361 = tpu.memref_slice %arg5[%dma_start3A_1356, %dma_start3A_1360] : memref<32x50xi32, #tpu.memory_space<vmem>> -> memref<1x50xi32, #tpu.memory_space<vmem>>
        %dma_start3A_1362 = tpu.memref_squeeze %dma_start3A_1361 : memref<1x50xi32, #tpu.memory_space<vmem>> -> memref<50xi32, #tpu.memory_space<vmem>>
        %dma_start3A_1363 = arith.constant 0 : i32
        %dma_start3A_1364 = arith.constant 0 : i32
        %dma_start3A_1365 = tpu.memref_slice %arg2[%dma_start3A_1363, %dma_start3A_1364] : memref<1000000x32xf32, #tpu.memory_space<hbm>> -> memref<1000000x32xf32, #tpu.memory_space<hbm>>
        tpu.enqueue_indirect_dma source(%dma_start3A_1365 : memref<1000000x32xf32, #tpu.memory_space<hbm>>) target(%dma_start3A_1359 : memref<50x32xf32, #tpu.memory_space<vmem>>) offsets(%dma_start3A_1362 : memref<50xi32, #tpu.memory_space<vmem>>) semaphore(%arg9 : memref<!tpu.dma_semaphore, #tpu.memory_space<semaphore_mem>>)
        %dma_start3A_1366 = arith.constant 5 : i32
        %dma_start3A_1367 = arith.constant 250 : i32
        %dma_start3A_1368 = arith.constant 0 : i32
        %dma_start3A_1369 = tpu.memref_slice %arg7[%dma_start3A_1367, %dma_start3A_1368] : memref<1600x32xf32, #tpu.memory_space<vmem>> -> memref<50x32xf32, #tpu.memory_space<vmem>>
        %dma_start3A_1370 = arith.constant 0 : i32
        %dma_start3A_1371 = tpu.memref_slice %arg5[%dma_start3A_1366, %dma_start3A_1370] : memref<32x50xi32, #tpu.memory_space<vmem>> -> memref<1x50xi32, #tpu.memory_space<vmem>>
        %dma_start3A_1372 = tpu.memref_squeeze %dma_start3A_1371 : memref<1x50xi32, #tpu.memory_space<vmem>> -> memref<50xi32, #tpu.memory_space<vmem>>
        %dma_start3A_1373 = arith.constant 0 : i32
        %dma_start3A_1374 = arith.constant 0 : i32
        %dma_start3A_1375 = tpu.memref_slice %arg2[%dma_start3A_1373, %dma_start3A_1374] : memref<1000000x32xf32, #tpu.memory_space<hbm>> -> memref<1000000x32xf32, #tpu.memory_space<hbm>>
        tpu.enqueue_indirect_dma source(%dma_start3A_1375 : memref<1000000x32xf32, #tpu.memory_space<hbm>>) target(%dma_start3A_1369 : memref<50x32xf32, #tpu.memory_space<vmem>>) offsets(%dma_start3A_1372 : memref<50xi32, #tpu.memory_space<vmem>>) semaphore(%arg9 : memref<!tpu.dma_semaphore, #tpu.memory_space<semaphore_mem>>)
        %dma_start3A_1376 = arith.constant 6 : i32
        %dma_start3A_1377 = arith.constant 300 : i32
        %dma_start3A_1378 = arith.constant 0 : i32
        %dma_start3A_1379 = tpu.memref_slice %arg7[%dma_start3A_1377, %dma_start3A_1378] : memref<1600x32xf32, #tpu.memory_space<vmem>> -> memref<50x32xf32, #tpu.memory_space<vmem>>
        %dma_start3A_1380 = arith.constant 0 : i32
        %dma_start3A_1381 = tpu.memref_slice %arg5[%dma_start3A_1376, %dma_start3A_1380] : memref<32x50xi32, #tpu.memory_space<vmem>> -> memref<1x50xi32, #tpu.memory_space<vmem>>
        %dma_start3A_1382 = tpu.memref_squeeze %dma_start3A_1381 : memref<1x50xi32, #tpu.memory_space<vmem>> -> memref<50xi32, #tpu.memory_space<vmem>>
        %dma_start3A_1383 = arith.constant 0 : i32
        %dma_start3A_1384 = arith.constant 0 : i32
        %dma_start3A_1385 = tpu.memref_slice %arg2[%dma_start3A_1383, %dma_start3A_1384] : memref<1000000x32xf32, #tpu.memory_space<hbm>> -> memref<1000000x32xf32, #tpu.memory_space<hbm>>
        tpu.enqueue_indirect_dma source(%dma_start3A_1385 : memref<1000000x32xf32, #tpu.memory_space<hbm>>) target(%dma_start3A_1379 : memref<50x32xf32, #tpu.memory_space<vmem>>) offsets(%dma_start3A_1382 : memref<50xi32, #tpu.memory_space<vmem>>) semaphore(%arg9 : memref<!tpu.dma_semaphore, #tpu.memory_space<semaphore_mem>>)
        %dma_start3A_1386 = arith.constant 7 : i32
        %dma_start3A_1387 = arith.constant 350 : i32
        %dma_start3A_1388 = arith.constant 0 : i32
        %dma_start3A_1389 = tpu.memref_slice %arg7[%dma_start3A_1387, %dma_start3A_1388] : memref<1600x32xf32, #tpu.memory_space<vmem>> -> memref<50x32xf32, #tpu.memory_space<vmem>>
        %dma_start3A_1390 = arith.constant 0 : i32
        %dma_start3A_1391 = tpu.memref_slice %arg5[%dma_start3A_1386, %dma_start3A_1390] : memref<32x50xi32, #tpu.memory_space<vmem>> -> memref<1x50xi32, #tpu.memory_space<vmem>>
        %dma_start3A_1392 = tpu.memref_squeeze %dma_start3A_1391 : memref<1x50xi32, #tpu.memory_space<vmem>> -> memref<50xi32, #tpu.memory_space<vmem>>
        %dma_start3A_1393 = arith.constant 0 : i32
        %dma_start3A_1394 = arith.constant 0 : i32
        %dma_start3A_1395 = tpu.memref_slice %arg2[%dma_start3A_1393, %dma_start3A_1394] : memref<1000000x32xf32, #tpu.memory_space<hbm>> -> memref<1000000x32xf32, #tpu.memory_space<hbm>>
        tpu.enqueue_indirect_dma source(%dma_start3A_1395 : memref<1000000x32xf32, #tpu.memory_space<hbm>>) target(%dma_start3A_1389 : memref<50x32xf32, #tpu.memory_space<vmem>>) offsets(%dma_start3A_1392 : memref<50xi32, #tpu.memory_space<vmem>>) semaphore(%arg9 : memref<!tpu.dma_semaphore, #tpu.memory_space<semaphore_mem>>)
        %dma_start3A_1396 = arith.constant 8 : i32
        %dma_start3A_1397 = arith.constant 400 : i32
        %dma_start3A_1398 = arith.constant 0 : i32
        %dma_start3A_1399 = tpu.memref_slice %arg7[%dma_start3A_1397, %dma_start3A_1398] : memref<1600x32xf32, #tpu.memory_space<vmem>> -> memref<50x32xf32, #tpu.memory_space<vmem>>
        %dma_start3A_1400 = arith.constant 0 : i32
        %dma_start3A_1401 = tpu.memref_slice %arg5[%dma_start3A_1396, %dma_start3A_1400] : memref<32x50xi32, #tpu.memory_space<vmem>> -> memref<1x50xi32, #tpu.memory_space<vmem>>
        %dma_start3A_1402 = tpu.memref_squeeze %dma_start3A_1401 : memref<1x50xi32, #tpu.memory_space<vmem>> -> memref<50xi32, #tpu.memory_space<vmem>>
        %dma_start3A_1403 = arith.constant 0 : i32
        %dma_start3A_1404 = arith.constant 0 : i32
        %dma_start3A_1405 = tpu.memref_slice %arg2[%dma_start3A_1403, %dma_start3A_1404] : memref<1000000x32xf32, #tpu.memory_space<hbm>> -> memref<1000000x32xf32, #tpu.memory_space<hbm>>
        tpu.enqueue_indirect_dma source(%dma_start3A_1405 : memref<1000000x32xf32, #tpu.memory_space<hbm>>) target(%dma_start3A_1399 : memref<50x32xf32, #tpu.memory_space<vmem>>) offsets(%dma_start3A_1402 : memref<50xi32, #tpu.memory_space<vmem>>) semaphore(%arg9 : memref<!tpu.dma_semaphore, #tpu.memory_space<semaphore_mem>>)
        %dma_start3A_1406 = arith.constant 9 : i32
        %dma_start3A_1407 = arith.constant 450 : i32
        %dma_start3A_1408 = arith.constant 0 : i32
        %dma_start3A_1409 = tpu.memref_slice %arg7[%dma_start3A_1407, %dma_start3A_1408] : memref<1600x32xf32, #tpu.memory_space<vmem>> -> memref<50x32xf32, #tpu.memory_space<vmem>>
        %dma_start3A_1410 = arith.constant 0 : i32
        %dma_start3A_1411 = tpu.memref_slice %arg5[%dma_start3A_1406, %dma_start3A_1410] : memref<32x50xi32, #tpu.memory_space<vmem>> -> memref<1x50xi32, #tpu.memory_space<vmem>>
        %dma_start3A_1412 = tpu.memref_squeeze %dma_start3A_1411 : memref<1x50xi32, #tpu.memory_space<vmem>> -> memref<50xi32, #tpu.memory_space<vmem>>
        %dma_start3A_1413 = arith.constant 0 : i32
        %dma_start3A_1414 = arith.constant 0 : i32
        %dma_start3A_1415 = tpu.memref_slice %arg2[%dma_start3A_1413, %dma_start3A_1414] : memref<1000000x32xf32, #tpu.memory_space<hbm>> -> memref<1000000x32xf32, #tpu.memory_space<hbm>>
        tpu.enqueue_indirect_dma source(%dma_start3A_1415 : memref<1000000x32xf32, #tpu.memory_space<hbm>>) target(%dma_start3A_1409 : memref<50x32xf32, #tpu.memory_space<vmem>>) offsets(%dma_start3A_1412 : memref<50xi32, #tpu.memory_space<vmem>>) semaphore(%arg9 : memref<!tpu.dma_semaphore, #tpu.memory_space<semaphore_mem>>)
        %dma_start3A_1416 = arith.constant 10 : i32
        %dma_start3A_1417 = arith.constant 500 : i32
        %dma_start3A_1418 = arith.constant 0 : i32
        %dma_start3A_1419 = tpu.memref_slice %arg7[%dma_start3A_1417, %dma_start3A_1418] : memref<1600x32xf32, #tpu.memory_space<vmem>> -> memref<50x32xf32, #tpu.memory_space<vmem>>
        %dma_start3A_1420 = arith.constant 0 : i32
        %dma_start3A_1421 = tpu.memref_slice %arg5[%dma_start3A_1416, %dma_start3A_1420] : memref<32x50xi32, #tpu.memory_space<vmem>> -> memref<1x50xi32, #tpu.memory_space<vmem>>
        %dma_start3A_1422 = tpu.memref_squeeze %dma_start3A_1421 : memref<1x50xi32, #tpu.memory_space<vmem>> -> memref<50xi32, #tpu.memory_space<vmem>>
        %dma_start3A_1423 = arith.constant 0 : i32
        %dma_start3A_1424 = arith.constant 0 : i32
        %dma_start3A_1425 = tpu.memref_slice %arg2[%dma_start3A_1423, %dma_start3A_1424] : memref<1000000x32xf32, #tpu.memory_space<hbm>> -> memref<1000000x32xf32, #tpu.memory_space<hbm>>
        tpu.enqueue_indirect_dma source(%dma_start3A_1425 : memref<1000000x32xf32, #tpu.memory_space<hbm>>) target(%dma_start3A_1419 : memref<50x32xf32, #tpu.memory_space<vmem>>) offsets(%dma_start3A_1422 : memref<50xi32, #tpu.memory_space<vmem>>) semaphore(%arg9 : memref<!tpu.dma_semaphore, #tpu.memory_space<semaphore_mem>>)
        %dma_start3A_1426 = arith.constant 11 : i32
        %dma_start3A_1427 = arith.constant 550 : i32
        %dma_start3A_1428 = arith.constant 0 : i32
        %dma_start3A_1429 = tpu.memref_slice %arg7[%dma_start3A_1427, %dma_start3A_1428] : memref<1600x32xf32, #tpu.memory_space<vmem>> -> memref<50x32xf32, #tpu.memory_space<vmem>>
        %dma_start3A_1430 = arith.constant 0 : i32
        %dma_start3A_1431 = tpu.memref_slice %arg5[%dma_start3A_1426, %dma_start3A_1430] : memref<32x50xi32, #tpu.memory_space<vmem>> -> memref<1x50xi32, #tpu.memory_space<vmem>>
        %dma_start3A_1432 = tpu.memref_squeeze %dma_start3A_1431 : memref<1x50xi32, #tpu.memory_space<vmem>> -> memref<50xi32, #tpu.memory_space<vmem>>
        %dma_start3A_1433 = arith.constant 0 : i32
        %dma_start3A_1434 = arith.constant 0 : i32
        %dma_start3A_1435 = tpu.memref_slice %arg2[%dma_start3A_1433, %dma_start3A_1434] : memref<1000000x32xf32, #tpu.memory_space<hbm>> -> memref<1000000x32xf32, #tpu.memory_space<hbm>>
        tpu.enqueue_indirect_dma source(%dma_start3A_1435 : memref<1000000x32xf32, #tpu.memory_space<hbm>>) target(%dma_start3A_1429 : memref<50x32xf32, #tpu.memory_space<vmem>>) offsets(%dma_start3A_1432 : memref<50xi32, #tpu.memory_space<vmem>>) semaphore(%arg9 : memref<!tpu.dma_semaphore, #tpu.memory_space<semaphore_mem>>)
        %dma_start3A_1436 = arith.constant 12 : i32
        %dma_start3A_1437 = arith.constant 600 : i32
        %dma_start3A_1438 = arith.constant 0 : i32
        %dma_start3A_1439 = tpu.memref_slice %arg7[%dma_start3A_1437, %dma_start3A_1438] : memref<1600x32xf32, #tpu.memory_space<vmem>> -> memref<50x32xf32, #tpu.memory_space<vmem>>
        %dma_start3A_1440 = arith.constant 0 : i32
        %dma_start3A_1441 = tpu.memref_slice %arg5[%dma_start3A_1436, %dma_start3A_1440] : memref<32x50xi32, #tpu.memory_space<vmem>> -> memref<1x50xi32, #tpu.memory_space<vmem>>
        %dma_start3A_1442 = tpu.memref_squeeze %dma_start3A_1441 : memref<1x50xi32, #tpu.memory_space<vmem>> -> memref<50xi32, #tpu.memory_space<vmem>>
        %dma_start3A_1443 = arith.constant 0 : i32
        %dma_start3A_1444 = arith.constant 0 : i32
        %dma_start3A_1445 = tpu.memref_slice %arg2[%dma_start3A_1443, %dma_start3A_1444] : memref<1000000x32xf32, #tpu.memory_space<hbm>> -> memref<1000000x32xf32, #tpu.memory_space<hbm>>
        tpu.enqueue_indirect_dma source(%dma_start3A_1445 : memref<1000000x32xf32, #tpu.memory_space<hbm>>) target(%dma_start3A_1439 : memref<50x32xf32, #tpu.memory_space<vmem>>) offsets(%dma_start3A_1442 : memref<50xi32, #tpu.memory_space<vmem>>) semaphore(%arg9 : memref<!tpu.dma_semaphore, #tpu.memory_space<semaphore_mem>>)
        %dma_start3A_1446 = arith.constant 13 : i32
        %dma_start3A_1447 = arith.constant 650 : i32
        %dma_start3A_1448 = arith.constant 0 : i32
        %dma_start3A_1449 = tpu.memref_slice %arg7[%dma_start3A_1447, %dma_start3A_1448] : memref<1600x32xf32, #tpu.memory_space<vmem>> -> memref<50x32xf32, #tpu.memory_space<vmem>>
        %dma_start3A_1450 = arith.constant 0 : i32
        %dma_start3A_1451 = tpu.memref_slice %arg5[%dma_start3A_1446, %dma_start3A_1450] : memref<32x50xi32, #tpu.memory_space<vmem>> -> memref<1x50xi32, #tpu.memory_space<vmem>>
        %dma_start3A_1452 = tpu.memref_squeeze %dma_start3A_1451 : memref<1x50xi32, #tpu.memory_space<vmem>> -> memref<50xi32, #tpu.memory_space<vmem>>
        %dma_start3A_1453 = arith.constant 0 : i32
        %dma_start3A_1454 = arith.constant 0 : i32
        %dma_start3A_1455 = tpu.memref_slice %arg2[%dma_start3A_1453, %dma_start3A_1454] : memref<1000000x32xf32, #tpu.memory_space<hbm>> -> memref<1000000x32xf32, #tpu.memory_space<hbm>>
        tpu.enqueue_indirect_dma source(%dma_start3A_1455 : memref<1000000x32xf32, #tpu.memory_space<hbm>>) target(%dma_start3A_1449 : memref<50x32xf32, #tpu.memory_space<vmem>>) offsets(%dma_start3A_1452 : memref<50xi32, #tpu.memory_space<vmem>>) semaphore(%arg9 : memref<!tpu.dma_semaphore, #tpu.memory_space<semaphore_mem>>)
        %dma_start3A_1456 = arith.constant 14 : i32
        %dma_start3A_1457 = arith.constant 700 : i32
        %dma_start3A_1458 = arith.constant 0 : i32
        %dma_start3A_1459 = tpu.memref_slice %arg7[%dma_start3A_1457, %dma_start3A_1458] : memref<1600x32xf32, #tpu.memory_space<vmem>> -> memref<50x32xf32, #tpu.memory_space<vmem>>
        %dma_start3A_1460 = arith.constant 0 : i32
        %dma_start3A_1461 = tpu.memref_slice %arg5[%dma_start3A_1456, %dma_start3A_1460] : memref<32x50xi32, #tpu.memory_space<vmem>> -> memref<1x50xi32, #tpu.memory_space<vmem>>
        %dma_start3A_1462 = tpu.memref_squeeze %dma_start3A_1461 : memref<1x50xi32, #tpu.memory_space<vmem>> -> memref<50xi32, #tpu.memory_space<vmem>>
        %dma_start3A_1463 = arith.constant 0 : i32
        %dma_start3A_1464 = arith.constant 0 : i32
        %dma_start3A_1465 = tpu.memref_slice %arg2[%dma_start3A_1463, %dma_start3A_1464] : memref<1000000x32xf32, #tpu.memory_space<hbm>> -> memref<1000000x32xf32, #tpu.memory_space<hbm>>
        tpu.enqueue_indirect_dma source(%dma_start3A_1465 : memref<1000000x32xf32, #tpu.memory_space<hbm>>) target(%dma_start3A_1459 : memref<50x32xf32, #tpu.memory_space<vmem>>) offsets(%dma_start3A_1462 : memref<50xi32, #tpu.memory_space<vmem>>) semaphore(%arg9 : memref<!tpu.dma_semaphore, #tpu.memory_space<semaphore_mem>>)
        %dma_start3A_1466 = arith.constant 15 : i32
        %dma_start3A_1467 = arith.constant 750 : i32
        %dma_start3A_1468 = arith.constant 0 : i32
        %dma_start3A_1469 = tpu.memref_slice %arg7[%dma_start3A_1467, %dma_start3A_1468] : memref<1600x32xf32, #tpu.memory_space<vmem>> -> memref<50x32xf32, #tpu.memory_space<vmem>>
        %dma_start3A_1470 = arith.constant 0 : i32
        %dma_start3A_1471 = tpu.memref_slice %arg5[%dma_start3A_1466, %dma_start3A_1470] : memref<32x50xi32, #tpu.memory_space<vmem>> -> memref<1x50xi32, #tpu.memory_space<vmem>>
        %dma_start3A_1472 = tpu.memref_squeeze %dma_start3A_1471 : memref<1x50xi32, #tpu.memory_space<vmem>> -> memref<50xi32, #tpu.memory_space<vmem>>
        %dma_start3A_1473 = arith.constant 0 : i32
        %dma_start3A_1474 = arith.constant 0 : i32
        %dma_start3A_1475 = tpu.memref_slice %arg2[%dma_start3A_1473, %dma_start3A_1474] : memref<1000000x32xf32, #tpu.memory_space<hbm>> -> memref<1000000x32xf32, #tpu.memory_space<hbm>>
        tpu.enqueue_indirect_dma source(%dma_start3A_1475 : memref<1000000x32xf32, #tpu.memory_space<hbm>>) target(%dma_start3A_1469 : memref<50x32xf32, #tpu.memory_space<vmem>>) offsets(%dma_start3A_1472 : memref<50xi32, #tpu.memory_space<vmem>>) semaphore(%arg9 : memref<!tpu.dma_semaphore, #tpu.memory_space<semaphore_mem>>)
        %dma_start3A_1476 = arith.constant 16 : i32
        %dma_start3A_1477 = arith.constant 800 : i32
        %dma_start3A_1478 = arith.constant 0 : i32
        %dma_start3A_1479 = tpu.memref_slice %arg7[%dma_start3A_1477, %dma_start3A_1478] : memref<1600x32xf32, #tpu.memory_space<vmem>> -> memref<50x32xf32, #tpu.memory_space<vmem>>
        %dma_start3A_1480 = arith.constant 0 : i32
        %dma_start3A_1481 = tpu.memref_slice %arg5[%dma_start3A_1476, %dma_start3A_1480] : memref<32x50xi32, #tpu.memory_space<vmem>> -> memref<1x50xi32, #tpu.memory_space<vmem>>
        %dma_start3A_1482 = tpu.memref_squeeze %dma_start3A_1481 : memref<1x50xi32, #tpu.memory_space<vmem>> -> memref<50xi32, #tpu.memory_space<vmem>>
        %dma_start3A_1483 = arith.constant 0 : i32
        %dma_start3A_1484 = arith.constant 0 : i32
        %dma_start3A_1485 = tpu.memref_slice %arg2[%dma_start3A_1483, %dma_start3A_1484] : memref<1000000x32xf32, #tpu.memory_space<hbm>> -> memref<1000000x32xf32, #tpu.memory_space<hbm>>
        tpu.enqueue_indirect_dma source(%dma_start3A_1485 : memref<1000000x32xf32, #tpu.memory_space<hbm>>) target(%dma_start3A_1479 : memref<50x32xf32, #tpu.memory_space<vmem>>) offsets(%dma_start3A_1482 : memref<50xi32, #tpu.memory_space<vmem>>) semaphore(%arg9 : memref<!tpu.dma_semaphore, #tpu.memory_space<semaphore_mem>>)
        %dma_start3A_1486 = arith.constant 17 : i32
        %dma_start3A_1487 = arith.constant 850 : i32
        %dma_start3A_1488 = arith.constant 0 : i32
        %dma_start3A_1489 = tpu.memref_slice %arg7[%dma_start3A_1487, %dma_start3A_1488] : memref<1600x32xf32, #tpu.memory_space<vmem>> -> memref<50x32xf32, #tpu.memory_space<vmem>>
        %dma_start3A_1490 = arith.constant 0 : i32
        %dma_start3A_1491 = tpu.memref_slice %arg5[%dma_start3A_1486, %dma_start3A_1490] : memref<32x50xi32, #tpu.memory_space<vmem>> -> memref<1x50xi32, #tpu.memory_space<vmem>>
        %dma_start3A_1492 = tpu.memref_squeeze %dma_start3A_1491 : memref<1x50xi32, #tpu.memory_space<vmem>> -> memref<50xi32, #tpu.memory_space<vmem>>
        %dma_start3A_1493 = arith.constant 0 : i32
        %dma_start3A_1494 = arith.constant 0 : i32
        %dma_start3A_1495 = tpu.memref_slice %arg2[%dma_start3A_1493, %dma_start3A_1494] : memref<1000000x32xf32, #tpu.memory_space<hbm>> -> memref<1000000x32xf32, #tpu.memory_space<hbm>>
        tpu.enqueue_indirect_dma source(%dma_start3A_1495 : memref<1000000x32xf32, #tpu.memory_space<hbm>>) target(%dma_start3A_1489 : memref<50x32xf32, #tpu.memory_space<vmem>>) offsets(%dma_start3A_1492 : memref<50xi32, #tpu.memory_space<vmem>>) semaphore(%arg9 : memref<!tpu.dma_semaphore, #tpu.memory_space<semaphore_mem>>)
        %dma_start3A_1496 = arith.constant 18 : i32
        %dma_start3A_1497 = arith.constant 900 : i32
        %dma_start3A_1498 = arith.constant 0 : i32
        %dma_start3A_1499 = tpu.memref_slice %arg7[%dma_start3A_1497, %dma_start3A_1498] : memref<1600x32xf32, #tpu.memory_space<vmem>> -> memref<50x32xf32, #tpu.memory_space<vmem>>
        %dma_start3A_1500 = arith.constant 0 : i32
        %dma_start3A_1501 = tpu.memref_slice %arg5[%dma_start3A_1496, %dma_start3A_1500] : memref<32x50xi32, #tpu.memory_space<vmem>> -> memref<1x50xi32, #tpu.memory_space<vmem>>
        %dma_start3A_1502 = tpu.memref_squeeze %dma_start3A_1501 : memref<1x50xi32, #tpu.memory_space<vmem>> -> memref<50xi32, #tpu.memory_space<vmem>>
        %dma_start3A_1503 = arith.constant 0 : i32
        %dma_start3A_1504 = arith.constant 0 : i32
        %dma_start3A_1505 = tpu.memref_slice %arg2[%dma_start3A_1503, %dma_start3A_1504] : memref<1000000x32xf32, #tpu.memory_space<hbm>> -> memref<1000000x32xf32, #tpu.memory_space<hbm>>
        tpu.enqueue_indirect_dma source(%dma_start3A_1505 : memref<1000000x32xf32, #tpu.memory_space<hbm>>) target(%dma_start3A_1499 : memref<50x32xf32, #tpu.memory_space<vmem>>) offsets(%dma_start3A_1502 : memref<50xi32, #tpu.memory_space<vmem>>) semaphore(%arg9 : memref<!tpu.dma_semaphore, #tpu.memory_space<semaphore_mem>>)
        %dma_start3A_1506 = arith.constant 19 : i32
        %dma_start3A_1507 = arith.constant 950 : i32
        %dma_start3A_1508 = arith.constant 0 : i32
        %dma_start3A_1509 = tpu.memref_slice %arg7[%dma_start3A_1507, %dma_start3A_1508] : memref<1600x32xf32, #tpu.memory_space<vmem>> -> memref<50x32xf32, #tpu.memory_space<vmem>>
        %dma_start3A_1510 = arith.constant 0 : i32
        %dma_start3A_1511 = tpu.memref_slice %arg5[%dma_start3A_1506, %dma_start3A_1510] : memref<32x50xi32, #tpu.memory_space<vmem>> -> memref<1x50xi32, #tpu.memory_space<vmem>>
        %dma_start3A_1512 = tpu.memref_squeeze %dma_start3A_1511 : memref<1x50xi32, #tpu.memory_space<vmem>> -> memref<50xi32, #tpu.memory_space<vmem>>
        %dma_start3A_1513 = arith.constant 0 : i32
        %dma_start3A_1514 = arith.constant 0 : i32
        %dma_start3A_1515 = tpu.memref_slice %arg2[%dma_start3A_1513, %dma_start3A_1514] : memref<1000000x32xf32, #tpu.memory_space<hbm>> -> memref<1000000x32xf32, #tpu.memory_space<hbm>>
        tpu.enqueue_indirect_dma source(%dma_start3A_1515 : memref<1000000x32xf32, #tpu.memory_space<hbm>>) target(%dma_start3A_1509 : memref<50x32xf32, #tpu.memory_space<vmem>>) offsets(%dma_start3A_1512 : memref<50xi32, #tpu.memory_space<vmem>>) semaphore(%arg9 : memref<!tpu.dma_semaphore, #tpu.memory_space<semaphore_mem>>)
        %dma_start3A_1516 = arith.constant 20 : i32
        %dma_start3A_1517 = arith.constant 1000 : i32
        %dma_start3A_1518 = arith.constant 0 : i32
        %dma_start3A_1519 = tpu.memref_slice %arg7[%dma_start3A_1517, %dma_start3A_1518] : memref<1600x32xf32, #tpu.memory_space<vmem>> -> memref<50x32xf32, #tpu.memory_space<vmem>>
        %dma_start3A_1520 = arith.constant 0 : i32
        %dma_start3A_1521 = tpu.memref_slice %arg5[%dma_start3A_1516, %dma_start3A_1520] : memref<32x50xi32, #tpu.memory_space<vmem>> -> memref<1x50xi32, #tpu.memory_space<vmem>>
        %dma_start3A_1522 = tpu.memref_squeeze %dma_start3A_1521 : memref<1x50xi32, #tpu.memory_space<vmem>> -> memref<50xi32, #tpu.memory_space<vmem>>
        %dma_start3A_1523 = arith.constant 0 : i32
        %dma_start3A_1524 = arith.constant 0 : i32
        %dma_start3A_1525 = tpu.memref_slice %arg2[%dma_start3A_1523, %dma_start3A_1524] : memref<1000000x32xf32, #tpu.memory_space<hbm>> -> memref<1000000x32xf32, #tpu.memory_space<hbm>>
        tpu.enqueue_indirect_dma source(%dma_start3A_1525 : memref<1000000x32xf32, #tpu.memory_space<hbm>>) target(%dma_start3A_1519 : memref<50x32xf32, #tpu.memory_space<vmem>>) offsets(%dma_start3A_1522 : memref<50xi32, #tpu.memory_space<vmem>>) semaphore(%arg9 : memref<!tpu.dma_semaphore, #tpu.memory_space<semaphore_mem>>)
        %dma_start3A_1526 = arith.constant 21 : i32
        %dma_start3A_1527 = arith.constant 1050 : i32
        %dma_start3A_1528 = arith.constant 0 : i32
        %dma_start3A_1529 = tpu.memref_slice %arg7[%dma_start3A_1527, %dma_start3A_1528] : memref<1600x32xf32, #tpu.memory_space<vmem>> -> memref<50x32xf32, #tpu.memory_space<vmem>>
        %dma_start3A_1530 = arith.constant 0 : i32
        %dma_start3A_1531 = tpu.memref_slice %arg5[%dma_start3A_1526, %dma_start3A_1530] : memref<32x50xi32, #tpu.memory_space<vmem>> -> memref<1x50xi32, #tpu.memory_space<vmem>>
        %dma_start3A_1532 = tpu.memref_squeeze %dma_start3A_1531 : memref<1x50xi32, #tpu.memory_space<vmem>> -> memref<50xi32, #tpu.memory_space<vmem>>
        %dma_start3A_1533 = arith.constant 0 : i32
        %dma_start3A_1534 = arith.constant 0 : i32
        %dma_start3A_1535 = tpu.memref_slice %arg2[%dma_start3A_1533, %dma_start3A_1534] : memref<1000000x32xf32, #tpu.memory_space<hbm>> -> memref<1000000x32xf32, #tpu.memory_space<hbm>>
        tpu.enqueue_indirect_dma source(%dma_start3A_1535 : memref<1000000x32xf32, #tpu.memory_space<hbm>>) target(%dma_start3A_1529 : memref<50x32xf32, #tpu.memory_space<vmem>>) offsets(%dma_start3A_1532 : memref<50xi32, #tpu.memory_space<vmem>>) semaphore(%arg9 : memref<!tpu.dma_semaphore, #tpu.memory_space<semaphore_mem>>)
        %dma_start3A_1536 = arith.constant 22 : i32
        %dma_start3A_1537 = arith.constant 1100 : i32
        %dma_start3A_1538 = arith.constant 0 : i32
        %dma_start3A_1539 = tpu.memref_slice %arg7[%dma_start3A_1537, %dma_start3A_1538] : memref<1600x32xf32, #tpu.memory_space<vmem>> -> memref<50x32xf32, #tpu.memory_space<vmem>>
        %dma_start3A_1540 = arith.constant 0 : i32
        %dma_start3A_1541 = tpu.memref_slice %arg5[%dma_start3A_1536, %dma_start3A_1540] : memref<32x50xi32, #tpu.memory_space<vmem>> -> memref<1x50xi32, #tpu.memory_space<vmem>>
        %dma_start3A_1542 = tpu.memref_squeeze %dma_start3A_1541 : memref<1x50xi32, #tpu.memory_space<vmem>> -> memref<50xi32, #tpu.memory_space<vmem>>
        %dma_start3A_1543 = arith.constant 0 : i32
        %dma_start3A_1544 = arith.constant 0 : i32
        %dma_start3A_1545 = tpu.memref_slice %arg2[%dma_start3A_1543, %dma_start3A_1544] : memref<1000000x32xf32, #tpu.memory_space<hbm>> -> memref<1000000x32xf32, #tpu.memory_space<hbm>>
        tpu.enqueue_indirect_dma source(%dma_start3A_1545 : memref<1000000x32xf32, #tpu.memory_space<hbm>>) target(%dma_start3A_1539 : memref<50x32xf32, #tpu.memory_space<vmem>>) offsets(%dma_start3A_1542 : memref<50xi32, #tpu.memory_space<vmem>>) semaphore(%arg9 : memref<!tpu.dma_semaphore, #tpu.memory_space<semaphore_mem>>)
        %dma_start3A_1546 = arith.constant 23 : i32
        %dma_start3A_1547 = arith.constant 1150 : i32
        %dma_start3A_1548 = arith.constant 0 : i32
        %dma_start3A_1549 = tpu.memref_slice %arg7[%dma_start3A_1547, %dma_start3A_1548] : memref<1600x32xf32, #tpu.memory_space<vmem>> -> memref<50x32xf32, #tpu.memory_space<vmem>>
        %dma_start3A_1550 = arith.constant 0 : i32
        %dma_start3A_1551 = tpu.memref_slice %arg5[%dma_start3A_1546, %dma_start3A_1550] : memref<32x50xi32, #tpu.memory_space<vmem>> -> memref<1x50xi32, #tpu.memory_space<vmem>>
        %dma_start3A_1552 = tpu.memref_squeeze %dma_start3A_1551 : memref<1x50xi32, #tpu.memory_space<vmem>> -> memref<50xi32, #tpu.memory_space<vmem>>
        %dma_start3A_1553 = arith.constant 0 : i32
        %dma_start3A_1554 = arith.constant 0 : i32
        %dma_start3A_1555 = tpu.memref_slice %arg2[%dma_start3A_1553, %dma_start3A_1554] : memref<1000000x32xf32, #tpu.memory_space<hbm>> -> memref<1000000x32xf32, #tpu.memory_space<hbm>>
        tpu.enqueue_indirect_dma source(%dma_start3A_1555 : memref<1000000x32xf32, #tpu.memory_space<hbm>>) target(%dma_start3A_1549 : memref<50x32xf32, #tpu.memory_space<vmem>>) offsets(%dma_start3A_1552 : memref<50xi32, #tpu.memory_space<vmem>>) semaphore(%arg9 : memref<!tpu.dma_semaphore, #tpu.memory_space<semaphore_mem>>)
        %dma_start3A_1556 = arith.constant 24 : i32
        %dma_start3A_1557 = arith.constant 1200 : i32
        %dma_start3A_1558 = arith.constant 0 : i32
        %dma_start3A_1559 = tpu.memref_slice %arg7[%dma_start3A_1557, %dma_start3A_1558] : memref<1600x32xf32, #tpu.memory_space<vmem>> -> memref<50x32xf32, #tpu.memory_space<vmem>>
        %dma_start3A_1560 = arith.constant 0 : i32
        %dma_start3A_1561 = tpu.memref_slice %arg5[%dma_start3A_1556, %dma_start3A_1560] : memref<32x50xi32, #tpu.memory_space<vmem>> -> memref<1x50xi32, #tpu.memory_space<vmem>>
        %dma_start3A_1562 = tpu.memref_squeeze %dma_start3A_1561 : memref<1x50xi32, #tpu.memory_space<vmem>> -> memref<50xi32, #tpu.memory_space<vmem>>
        %dma_start3A_1563 = arith.constant 0 : i32
        %dma_start3A_1564 = arith.constant 0 : i32
        %dma_start3A_1565 = tpu.memref_slice %arg2[%dma_start3A_1563, %dma_start3A_1564] : memref<1000000x32xf32, #tpu.memory_space<hbm>> -> memref<1000000x32xf32, #tpu.memory_space<hbm>>
        tpu.enqueue_indirect_dma source(%dma_start3A_1565 : memref<1000000x32xf32, #tpu.memory_space<hbm>>) target(%dma_start3A_1559 : memref<50x32xf32, #tpu.memory_space<vmem>>) offsets(%dma_start3A_1562 : memref<50xi32, #tpu.memory_space<vmem>>) semaphore(%arg9 : memref<!tpu.dma_semaphore, #tpu.memory_space<semaphore_mem>>)
        %dma_start3A_1566 = arith.constant 25 : i32
        %dma_start3A_1567 = arith.constant 1250 : i32
        %dma_start3A_1568 = arith.constant 0 : i32
        %dma_start3A_1569 = tpu.memref_slice %arg7[%dma_start3A_1567, %dma_start3A_1568] : memref<1600x32xf32, #tpu.memory_space<vmem>> -> memref<50x32xf32, #tpu.memory_space<vmem>>
        %dma_start3A_1570 = arith.constant 0 : i32
        %dma_start3A_1571 = tpu.memref_slice %arg5[%dma_start3A_1566, %dma_start3A_1570] : memref<32x50xi32, #tpu.memory_space<vmem>> -> memref<1x50xi32, #tpu.memory_space<vmem>>
        %dma_start3A_1572 = tpu.memref_squeeze %dma_start3A_1571 : memref<1x50xi32, #tpu.memory_space<vmem>> -> memref<50xi32, #tpu.memory_space<vmem>>
        %dma_start3A_1573 = arith.constant 0 : i32
        %dma_start3A_1574 = arith.constant 0 : i32
        %dma_start3A_1575 = tpu.memref_slice %arg2[%dma_start3A_1573, %dma_start3A_1574] : memref<1000000x32xf32, #tpu.memory_space<hbm>> -> memref<1000000x32xf32, #tpu.memory_space<hbm>>
        tpu.enqueue_indirect_dma source(%dma_start3A_1575 : memref<1000000x32xf32, #tpu.memory_space<hbm>>) target(%dma_start3A_1569 : memref<50x32xf32, #tpu.memory_space<vmem>>) offsets(%dma_start3A_1572 : memref<50xi32, #tpu.memory_space<vmem>>) semaphore(%arg9 : memref<!tpu.dma_semaphore, #tpu.memory_space<semaphore_mem>>)
        %dma_start3A_1576 = arith.constant 26 : i32
        %dma_start3A_1577 = arith.constant 1300 : i32
        %dma_start3A_1578 = arith.constant 0 : i32
        %dma_start3A_1579 = tpu.memref_slice %arg7[%dma_start3A_1577, %dma_start3A_1578] : memref<1600x32xf32, #tpu.memory_space<vmem>> -> memref<50x32xf32, #tpu.memory_space<vmem>>
        %dma_start3A_1580 = arith.constant 0 : i32
        %dma_start3A_1581 = tpu.memref_slice %arg5[%dma_start3A_1576, %dma_start3A_1580] : memref<32x50xi32, #tpu.memory_space<vmem>> -> memref<1x50xi32, #tpu.memory_space<vmem>>
        %dma_start3A_1582 = tpu.memref_squeeze %dma_start3A_1581 : memref<1x50xi32, #tpu.memory_space<vmem>> -> memref<50xi32, #tpu.memory_space<vmem>>
        %dma_start3A_1583 = arith.constant 0 : i32
        %dma_start3A_1584 = arith.constant 0 : i32
        %dma_start3A_1585 = tpu.memref_slice %arg2[%dma_start3A_1583, %dma_start3A_1584] : memref<1000000x32xf32, #tpu.memory_space<hbm>> -> memref<1000000x32xf32, #tpu.memory_space<hbm>>
        tpu.enqueue_indirect_dma source(%dma_start3A_1585 : memref<1000000x32xf32, #tpu.memory_space<hbm>>) target(%dma_start3A_1579 : memref<50x32xf32, #tpu.memory_space<vmem>>) offsets(%dma_start3A_1582 : memref<50xi32, #tpu.memory_space<vmem>>) semaphore(%arg9 : memref<!tpu.dma_semaphore, #tpu.memory_space<semaphore_mem>>)
        %dma_start3A_1586 = arith.constant 27 : i32
        %dma_start3A_1587 = arith.constant 1350 : i32
        %dma_start3A_1588 = arith.constant 0 : i32
        %dma_start3A_1589 = tpu.memref_slice %arg7[%dma_start3A_1587, %dma_start3A_1588] : memref<1600x32xf32, #tpu.memory_space<vmem>> -> memref<50x32xf32, #tpu.memory_space<vmem>>
        %dma_start3A_1590 = arith.constant 0 : i32
        %dma_start3A_1591 = tpu.memref_slice %arg5[%dma_start3A_1586, %dma_start3A_1590] : memref<32x50xi32, #tpu.memory_space<vmem>> -> memref<1x50xi32, #tpu.memory_space<vmem>>
        %dma_start3A_1592 = tpu.memref_squeeze %dma_start3A_1591 : memref<1x50xi32, #tpu.memory_space<vmem>> -> memref<50xi32, #tpu.memory_space<vmem>>
        %dma_start3A_1593 = arith.constant 0 : i32
        %dma_start3A_1594 = arith.constant 0 : i32
        %dma_start3A_1595 = tpu.memref_slice %arg2[%dma_start3A_1593, %dma_start3A_1594] : memref<1000000x32xf32, #tpu.memory_space<hbm>> -> memref<1000000x32xf32, #tpu.memory_space<hbm>>
        tpu.enqueue_indirect_dma source(%dma_start3A_1595 : memref<1000000x32xf32, #tpu.memory_space<hbm>>) target(%dma_start3A_1589 : memref<50x32xf32, #tpu.memory_space<vmem>>) offsets(%dma_start3A_1592 : memref<50xi32, #tpu.memory_space<vmem>>) semaphore(%arg9 : memref<!tpu.dma_semaphore, #tpu.memory_space<semaphore_mem>>)
        %dma_start3A_1596 = arith.constant 28 : i32
        %dma_start3A_1597 = arith.constant 1400 : i32
        %dma_start3A_1598 = arith.constant 0 : i32
        %dma_start3A_1599 = tpu.memref_slice %arg7[%dma_start3A_1597, %dma_start3A_1598] : memref<1600x32xf32, #tpu.memory_space<vmem>> -> memref<50x32xf32, #tpu.memory_space<vmem>>
        %dma_start3A_1600 = arith.constant 0 : i32
        %dma_start3A_1601 = tpu.memref_slice %arg5[%dma_start3A_1596, %dma_start3A_1600] : memref<32x50xi32, #tpu.memory_space<vmem>> -> memref<1x50xi32, #tpu.memory_space<vmem>>
        %dma_start3A_1602 = tpu.memref_squeeze %dma_start3A_1601 : memref<1x50xi32, #tpu.memory_space<vmem>> -> memref<50xi32, #tpu.memory_space<vmem>>
        %dma_start3A_1603 = arith.constant 0 : i32
        %dma_start3A_1604 = arith.constant 0 : i32
        %dma_start3A_1605 = tpu.memref_slice %arg2[%dma_start3A_1603, %dma_start3A_1604] : memref<1000000x32xf32, #tpu.memory_space<hbm>> -> memref<1000000x32xf32, #tpu.memory_space<hbm>>
        tpu.enqueue_indirect_dma source(%dma_start3A_1605 : memref<1000000x32xf32, #tpu.memory_space<hbm>>) target(%dma_start3A_1599 : memref<50x32xf32, #tpu.memory_space<vmem>>) offsets(%dma_start3A_1602 : memref<50xi32, #tpu.memory_space<vmem>>) semaphore(%arg9 : memref<!tpu.dma_semaphore, #tpu.memory_space<semaphore_mem>>)
        %dma_start3A_1606 = arith.constant 29 : i32
        %dma_start3A_1607 = arith.constant 1450 : i32
        %dma_start3A_1608 = arith.constant 0 : i32
        %dma_start3A_1609 = tpu.memref_slice %arg7[%dma_start3A_1607, %dma_start3A_1608] : memref<1600x32xf32, #tpu.memory_space<vmem>> -> memref<50x32xf32, #tpu.memory_space<vmem>>
        %dma_start3A_1610 = arith.constant 0 : i32
        %dma_start3A_1611 = tpu.memref_slice %arg5[%dma_start3A_1606, %dma_start3A_1610] : memref<32x50xi32, #tpu.memory_space<vmem>> -> memref<1x50xi32, #tpu.memory_space<vmem>>
        %dma_start3A_1612 = tpu.memref_squeeze %dma_start3A_1611 : memref<1x50xi32, #tpu.memory_space<vmem>> -> memref<50xi32, #tpu.memory_space<vmem>>
        %dma_start3A_1613 = arith.constant 0 : i32
        %dma_start3A_1614 = arith.constant 0 : i32
        %dma_start3A_1615 = tpu.memref_slice %arg2[%dma_start3A_1613, %dma_start3A_1614] : memref<1000000x32xf32, #tpu.memory_space<hbm>> -> memref<1000000x32xf32, #tpu.memory_space<hbm>>
        tpu.enqueue_indirect_dma source(%dma_start3A_1615 : memref<1000000x32xf32, #tpu.memory_space<hbm>>) target(%dma_start3A_1609 : memref<50x32xf32, #tpu.memory_space<vmem>>) offsets(%dma_start3A_1612 : memref<50xi32, #tpu.memory_space<vmem>>) semaphore(%arg9 : memref<!tpu.dma_semaphore, #tpu.memory_space<semaphore_mem>>)
        %dma_start3A_1616 = arith.constant 30 : i32
        %dma_start3A_1617 = arith.constant 1500 : i32
        %dma_start3A_1618 = arith.constant 0 : i32
        %dma_start3A_1619 = tpu.memref_slice %arg7[%dma_start3A_1617, %dma_start3A_1618] : memref<1600x32xf32, #tpu.memory_space<vmem>> -> memref<50x32xf32, #tpu.memory_space<vmem>>
        %dma_start3A_1620 = arith.constant 0 : i32
        %dma_start3A_1621 = tpu.memref_slice %arg5[%dma_start3A_1616, %dma_start3A_1620] : memref<32x50xi32, #tpu.memory_space<vmem>> -> memref<1x50xi32, #tpu.memory_space<vmem>>
        %dma_start3A_1622 = tpu.memref_squeeze %dma_start3A_1621 : memref<1x50xi32, #tpu.memory_space<vmem>> -> memref<50xi32, #tpu.memory_space<vmem>>
        %dma_start3A_1623 = arith.constant 0 : i32
        %dma_start3A_1624 = arith.constant 0 : i32
        %dma_start3A_1625 = tpu.memref_slice %arg2[%dma_start3A_1623, %dma_start3A_1624] : memref<1000000x32xf32, #tpu.memory_space<hbm>> -> memref<1000000x32xf32, #tpu.memory_space<hbm>>
        tpu.enqueue_indirect_dma source(%dma_start3A_1625 : memref<1000000x32xf32, #tpu.memory_space<hbm>>) target(%dma_start3A_1619 : memref<50x32xf32, #tpu.memory_space<vmem>>) offsets(%dma_start3A_1622 : memref<50xi32, #tpu.memory_space<vmem>>) semaphore(%arg9 : memref<!tpu.dma_semaphore, #tpu.memory_space<semaphore_mem>>)
        %dma_start3A_1626 = arith.constant 31 : i32
        %dma_start3A_1627 = arith.constant 1550 : i32
        %dma_start3A_1628 = arith.constant 0 : i32
        %dma_start3A_1629 = tpu.memref_slice %arg7[%dma_start3A_1627, %dma_start3A_1628] : memref<1600x32xf32, #tpu.memory_space<vmem>> -> memref<50x32xf32, #tpu.memory_space<vmem>>
        %dma_start3A_1630 = arith.constant 0 : i32
        %dma_start3A_1631 = tpu.memref_slice %arg5[%dma_start3A_1626, %dma_start3A_1630] : memref<32x50xi32, #tpu.memory_space<vmem>> -> memref<1x50xi32, #tpu.memory_space<vmem>>
        %dma_start3A_1632 = tpu.memref_squeeze %dma_start3A_1631 : memref<1x50xi32, #tpu.memory_space<vmem>> -> memref<50xi32, #tpu.memory_space<vmem>>
        %dma_start3A_1633 = arith.constant 0 : i32
        %dma_start3A_1634 = arith.constant 0 : i32
        %dma_start3A_1635 = tpu.memref_slice %arg2[%dma_start3A_1633, %dma_start3A_1634] : memref<1000000x32xf32, #tpu.memory_space<hbm>> -> memref<1000000x32xf32, #tpu.memory_space<hbm>>
        tpu.enqueue_indirect_dma source(%dma_start3A_1635 : memref<1000000x32xf32, #tpu.memory_space<hbm>>) target(%dma_start3A_1629 : memref<50x32xf32, #tpu.memory_space<vmem>>) offsets(%dma_start3A_1632 : memref<50xi32, #tpu.memory_space<vmem>>) semaphore(%arg9 : memref<!tpu.dma_semaphore, #tpu.memory_space<semaphore_mem>>)
      } else {
      }
      %dma_wait3A_991 = arith.constant 0 : i32
      %dma_wait3A_992 = arith.constant 0 : i32
      %dma_wait3A_993 = arith.constant 0 : i32
      %dma_wait3A_994 = tpu.memref_slice %arg8[%dma_wait3A_992, %dma_wait3A_993] : memref<1600x32xf32, #tpu.memory_space<vmem>> -> memref<50x32xf32, #tpu.memory_space<vmem>>
      %dma_wait3A_995 = arith.constant 0 : i32
      %dma_wait3A_996 = tpu.memref_slice %arg6[%dma_wait3A_991, %dma_wait3A_995] : memref<32x50xi32, #tpu.memory_space<vmem>> -> memref<1x50xi32, #tpu.memory_space<vmem>>
      %dma_wait3A_997 = tpu.memref_squeeze %dma_wait3A_996 : memref<1x50xi32, #tpu.memory_space<vmem>> -> memref<50xi32, #tpu.memory_space<vmem>>
      %dma_wait3A_998 = arith.constant 0 : i32
      %dma_wait3A_999 = arith.constant 0 : i32
      %dma_wait3A_1000 = tpu.memref_slice %arg2[%dma_wait3A_998, %dma_wait3A_999] : memref<1000000x32xf32, #tpu.memory_space<hbm>> -> memref<1000000x32xf32, #tpu.memory_space<hbm>>
      tpu.wait_indirect_dma semaphore(%arg10 : memref<!tpu.dma_semaphore, #tpu.memory_space<semaphore_mem>>) src(%dma_wait3A_1000 : memref<1000000x32xf32, #tpu.memory_space<hbm>>) dst(%dma_wait3A_994 : memref<50x32xf32, #tpu.memory_space<vmem>>)
      %dma_wait3A_1001 = arith.constant 1 : i32
      %dma_wait3A_1002 = arith.constant 50 : i32
      %dma_wait3A_1003 = arith.constant 0 : i32
      %dma_wait3A_1004 = tpu.memref_slice %arg8[%dma_wait3A_1002, %dma_wait3A_1003] : memref<1600x32xf32, #tpu.memory_space<vmem>> -> memref<50x32xf32, #tpu.memory_space<vmem>>
      %dma_wait3A_1005 = arith.constant 0 : i32
      %dma_wait3A_1006 = tpu.memref_slice %arg6[%dma_wait3A_1001, %dma_wait3A_1005] : memref<32x50xi32, #tpu.memory_space<vmem>> -> memref<1x50xi32, #tpu.memory_space<vmem>>
      %dma_wait3A_1007 = tpu.memref_squeeze %dma_wait3A_1006 : memref<1x50xi32, #tpu.memory_space<vmem>> -> memref<50xi32, #tpu.memory_space<vmem>>
      %dma_wait3A_1008 = arith.constant 0 : i32
      %dma_wait3A_1009 = arith.constant 0 : i32
      %dma_wait3A_1010 = tpu.memref_slice %arg2[%dma_wait3A_1008, %dma_wait3A_1009] : memref<1000000x32xf32, #tpu.memory_space<hbm>> -> memref<1000000x32xf32, #tpu.memory_space<hbm>>
      tpu.wait_indirect_dma semaphore(%arg10 : memref<!tpu.dma_semaphore, #tpu.memory_space<semaphore_mem>>) src(%dma_wait3A_1010 : memref<1000000x32xf32, #tpu.memory_space<hbm>>) dst(%dma_wait3A_1004 : memref<50x32xf32, #tpu.memory_space<vmem>>)
      %dma_wait3A_1011 = arith.constant 2 : i32
      %dma_wait3A_1012 = arith.constant 100 : i32
      %dma_wait3A_1013 = arith.constant 0 : i32
      %dma_wait3A_1014 = tpu.memref_slice %arg8[%dma_wait3A_1012, %dma_wait3A_1013] : memref<1600x32xf32, #tpu.memory_space<vmem>> -> memref<50x32xf32, #tpu.memory_space<vmem>>
      %dma_wait3A_1015 = arith.constant 0 : i32
      %dma_wait3A_1016 = tpu.memref_slice %arg6[%dma_wait3A_1011, %dma_wait3A_1015] : memref<32x50xi32, #tpu.memory_space<vmem>> -> memref<1x50xi32, #tpu.memory_space<vmem>>
      %dma_wait3A_1017 = tpu.memref_squeeze %dma_wait3A_1016 : memref<1x50xi32, #tpu.memory_space<vmem>> -> memref<50xi32, #tpu.memory_space<vmem>>
      %dma_wait3A_1018 = arith.constant 0 : i32
      %dma_wait3A_1019 = arith.constant 0 : i32
      %dma_wait3A_1020 = tpu.memref_slice %arg2[%dma_wait3A_1018, %dma_wait3A_1019] : memref<1000000x32xf32, #tpu.memory_space<hbm>> -> memref<1000000x32xf32, #tpu.memory_space<hbm>>
      tpu.wait_indirect_dma semaphore(%arg10 : memref<!tpu.dma_semaphore, #tpu.memory_space<semaphore_mem>>) src(%dma_wait3A_1020 : memref<1000000x32xf32, #tpu.memory_space<hbm>>) dst(%dma_wait3A_1014 : memref<50x32xf32, #tpu.memory_space<vmem>>)
      %dma_wait3A_1021 = arith.constant 3 : i32
      %dma_wait3A_1022 = arith.constant 150 : i32
      %dma_wait3A_1023 = arith.constant 0 : i32
      %dma_wait3A_1024 = tpu.memref_slice %arg8[%dma_wait3A_1022, %dma_wait3A_1023] : memref<1600x32xf32, #tpu.memory_space<vmem>> -> memref<50x32xf32, #tpu.memory_space<vmem>>
      %dma_wait3A_1025 = arith.constant 0 : i32
      %dma_wait3A_1026 = tpu.memref_slice %arg6[%dma_wait3A_1021, %dma_wait3A_1025] : memref<32x50xi32, #tpu.memory_space<vmem>> -> memref<1x50xi32, #tpu.memory_space<vmem>>
      %dma_wait3A_1027 = tpu.memref_squeeze %dma_wait3A_1026 : memref<1x50xi32, #tpu.memory_space<vmem>> -> memref<50xi32, #tpu.memory_space<vmem>>
      %dma_wait3A_1028 = arith.constant 0 : i32
      %dma_wait3A_1029 = arith.constant 0 : i32
      %dma_wait3A_1030 = tpu.memref_slice %arg2[%dma_wait3A_1028, %dma_wait3A_1029] : memref<1000000x32xf32, #tpu.memory_space<hbm>> -> memref<1000000x32xf32, #tpu.memory_space<hbm>>
      tpu.wait_indirect_dma semaphore(%arg10 : memref<!tpu.dma_semaphore, #tpu.memory_space<semaphore_mem>>) src(%dma_wait3A_1030 : memref<1000000x32xf32, #tpu.memory_space<hbm>>) dst(%dma_wait3A_1024 : memref<50x32xf32, #tpu.memory_space<vmem>>)
      %dma_wait3A_1031 = arith.constant 4 : i32
      %dma_wait3A_1032 = arith.constant 200 : i32
      %dma_wait3A_1033 = arith.constant 0 : i32
      %dma_wait3A_1034 = tpu.memref_slice %arg8[%dma_wait3A_1032, %dma_wait3A_1033] : memref<1600x32xf32, #tpu.memory_space<vmem>> -> memref<50x32xf32, #tpu.memory_space<vmem>>
      %dma_wait3A_1035 = arith.constant 0 : i32
      %dma_wait3A_1036 = tpu.memref_slice %arg6[%dma_wait3A_1031, %dma_wait3A_1035] : memref<32x50xi32, #tpu.memory_space<vmem>> -> memref<1x50xi32, #tpu.memory_space<vmem>>
      %dma_wait3A_1037 = tpu.memref_squeeze %dma_wait3A_1036 : memref<1x50xi32, #tpu.memory_space<vmem>> -> memref<50xi32, #tpu.memory_space<vmem>>
      %dma_wait3A_1038 = arith.constant 0 : i32
      %dma_wait3A_1039 = arith.constant 0 : i32
      %dma_wait3A_1040 = tpu.memref_slice %arg2[%dma_wait3A_1038, %dma_wait3A_1039] : memref<1000000x32xf32, #tpu.memory_space<hbm>> -> memref<1000000x32xf32, #tpu.memory_space<hbm>>
      tpu.wait_indirect_dma semaphore(%arg10 : memref<!tpu.dma_semaphore, #tpu.memory_space<semaphore_mem>>) src(%dma_wait3A_1040 : memref<1000000x32xf32, #tpu.memory_space<hbm>>) dst(%dma_wait3A_1034 : memref<50x32xf32, #tpu.memory_space<vmem>>)
      %dma_wait3A_1041 = arith.constant 5 : i32
      %dma_wait3A_1042 = arith.constant 250 : i32
      %dma_wait3A_1043 = arith.constant 0 : i32
      %dma_wait3A_1044 = tpu.memref_slice %arg8[%dma_wait3A_1042, %dma_wait3A_1043] : memref<1600x32xf32, #tpu.memory_space<vmem>> -> memref<50x32xf32, #tpu.memory_space<vmem>>
      %dma_wait3A_1045 = arith.constant 0 : i32
      %dma_wait3A_1046 = tpu.memref_slice %arg6[%dma_wait3A_1041, %dma_wait3A_1045] : memref<32x50xi32, #tpu.memory_space<vmem>> -> memref<1x50xi32, #tpu.memory_space<vmem>>
      %dma_wait3A_1047 = tpu.memref_squeeze %dma_wait3A_1046 : memref<1x50xi32, #tpu.memory_space<vmem>> -> memref<50xi32, #tpu.memory_space<vmem>>
      %dma_wait3A_1048 = arith.constant 0 : i32
      %dma_wait3A_1049 = arith.constant 0 : i32
      %dma_wait3A_1050 = tpu.memref_slice %arg2[%dma_wait3A_1048, %dma_wait3A_1049] : memref<1000000x32xf32, #tpu.memory_space<hbm>> -> memref<1000000x32xf32, #tpu.memory_space<hbm>>
      tpu.wait_indirect_dma semaphore(%arg10 : memref<!tpu.dma_semaphore, #tpu.memory_space<semaphore_mem>>) src(%dma_wait3A_1050 : memref<1000000x32xf32, #tpu.memory_space<hbm>>) dst(%dma_wait3A_1044 : memref<50x32xf32, #tpu.memory_space<vmem>>)
      %dma_wait3A_1051 = arith.constant 6 : i32
      %dma_wait3A_1052 = arith.constant 300 : i32
      %dma_wait3A_1053 = arith.constant 0 : i32
      %dma_wait3A_1054 = tpu.memref_slice %arg8[%dma_wait3A_1052, %dma_wait3A_1053] : memref<1600x32xf32, #tpu.memory_space<vmem>> -> memref<50x32xf32, #tpu.memory_space<vmem>>
      %dma_wait3A_1055 = arith.constant 0 : i32
      %dma_wait3A_1056 = tpu.memref_slice %arg6[%dma_wait3A_1051, %dma_wait3A_1055] : memref<32x50xi32, #tpu.memory_space<vmem>> -> memref<1x50xi32, #tpu.memory_space<vmem>>
      %dma_wait3A_1057 = tpu.memref_squeeze %dma_wait3A_1056 : memref<1x50xi32, #tpu.memory_space<vmem>> -> memref<50xi32, #tpu.memory_space<vmem>>
      %dma_wait3A_1058 = arith.constant 0 : i32
      %dma_wait3A_1059 = arith.constant 0 : i32
      %dma_wait3A_1060 = tpu.memref_slice %arg2[%dma_wait3A_1058, %dma_wait3A_1059] : memref<1000000x32xf32, #tpu.memory_space<hbm>> -> memref<1000000x32xf32, #tpu.memory_space<hbm>>
      tpu.wait_indirect_dma semaphore(%arg10 : memref<!tpu.dma_semaphore, #tpu.memory_space<semaphore_mem>>) src(%dma_wait3A_1060 : memref<1000000x32xf32, #tpu.memory_space<hbm>>) dst(%dma_wait3A_1054 : memref<50x32xf32, #tpu.memory_space<vmem>>)
      %dma_wait3A_1061 = arith.constant 7 : i32
      %dma_wait3A_1062 = arith.constant 350 : i32
      %dma_wait3A_1063 = arith.constant 0 : i32
      %dma_wait3A_1064 = tpu.memref_slice %arg8[%dma_wait3A_1062, %dma_wait3A_1063] : memref<1600x32xf32, #tpu.memory_space<vmem>> -> memref<50x32xf32, #tpu.memory_space<vmem>>
      %dma_wait3A_1065 = arith.constant 0 : i32
      %dma_wait3A_1066 = tpu.memref_slice %arg6[%dma_wait3A_1061, %dma_wait3A_1065] : memref<32x50xi32, #tpu.memory_space<vmem>> -> memref<1x50xi32, #tpu.memory_space<vmem>>
      %dma_wait3A_1067 = tpu.memref_squeeze %dma_wait3A_1066 : memref<1x50xi32, #tpu.memory_space<vmem>> -> memref<50xi32, #tpu.memory_space<vmem>>
      %dma_wait3A_1068 = arith.constant 0 : i32
      %dma_wait3A_1069 = arith.constant 0 : i32
      %dma_wait3A_1070 = tpu.memref_slice %arg2[%dma_wait3A_1068, %dma_wait3A_1069] : memref<1000000x32xf32, #tpu.memory_space<hbm>> -> memref<1000000x32xf32, #tpu.memory_space<hbm>>
      tpu.wait_indirect_dma semaphore(%arg10 : memref<!tpu.dma_semaphore, #tpu.memory_space<semaphore_mem>>) src(%dma_wait3A_1070 : memref<1000000x32xf32, #tpu.memory_space<hbm>>) dst(%dma_wait3A_1064 : memref<50x32xf32, #tpu.memory_space<vmem>>)
      %dma_wait3A_1071 = arith.constant 8 : i32
      %dma_wait3A_1072 = arith.constant 400 : i32
      %dma_wait3A_1073 = arith.constant 0 : i32
      %dma_wait3A_1074 = tpu.memref_slice %arg8[%dma_wait3A_1072, %dma_wait3A_1073] : memref<1600x32xf32, #tpu.memory_space<vmem>> -> memref<50x32xf32, #tpu.memory_space<vmem>>
      %dma_wait3A_1075 = arith.constant 0 : i32
      %dma_wait3A_1076 = tpu.memref_slice %arg6[%dma_wait3A_1071, %dma_wait3A_1075] : memref<32x50xi32, #tpu.memory_space<vmem>> -> memref<1x50xi32, #tpu.memory_space<vmem>>
      %dma_wait3A_1077 = tpu.memref_squeeze %dma_wait3A_1076 : memref<1x50xi32, #tpu.memory_space<vmem>> -> memref<50xi32, #tpu.memory_space<vmem>>
      %dma_wait3A_1078 = arith.constant 0 : i32
      %dma_wait3A_1079 = arith.constant 0 : i32
      %dma_wait3A_1080 = tpu.memref_slice %arg2[%dma_wait3A_1078, %dma_wait3A_1079] : memref<1000000x32xf32, #tpu.memory_space<hbm>> -> memref<1000000x32xf32, #tpu.memory_space<hbm>>
      tpu.wait_indirect_dma semaphore(%arg10 : memref<!tpu.dma_semaphore, #tpu.memory_space<semaphore_mem>>) src(%dma_wait3A_1080 : memref<1000000x32xf32, #tpu.memory_space<hbm>>) dst(%dma_wait3A_1074 : memref<50x32xf32, #tpu.memory_space<vmem>>)
      %dma_wait3A_1081 = arith.constant 9 : i32
      %dma_wait3A_1082 = arith.constant 450 : i32
      %dma_wait3A_1083 = arith.constant 0 : i32
      %dma_wait3A_1084 = tpu.memref_slice %arg8[%dma_wait3A_1082, %dma_wait3A_1083] : memref<1600x32xf32, #tpu.memory_space<vmem>> -> memref<50x32xf32, #tpu.memory_space<vmem>>
      %dma_wait3A_1085 = arith.constant 0 : i32
      %dma_wait3A_1086 = tpu.memref_slice %arg6[%dma_wait3A_1081, %dma_wait3A_1085] : memref<32x50xi32, #tpu.memory_space<vmem>> -> memref<1x50xi32, #tpu.memory_space<vmem>>
      %dma_wait3A_1087 = tpu.memref_squeeze %dma_wait3A_1086 : memref<1x50xi32, #tpu.memory_space<vmem>> -> memref<50xi32, #tpu.memory_space<vmem>>
      %dma_wait3A_1088 = arith.constant 0 : i32
      %dma_wait3A_1089 = arith.constant 0 : i32
      %dma_wait3A_1090 = tpu.memref_slice %arg2[%dma_wait3A_1088, %dma_wait3A_1089] : memref<1000000x32xf32, #tpu.memory_space<hbm>> -> memref<1000000x32xf32, #tpu.memory_space<hbm>>
      tpu.wait_indirect_dma semaphore(%arg10 : memref<!tpu.dma_semaphore, #tpu.memory_space<semaphore_mem>>) src(%dma_wait3A_1090 : memref<1000000x32xf32, #tpu.memory_space<hbm>>) dst(%dma_wait3A_1084 : memref<50x32xf32, #tpu.memory_space<vmem>>)
      %dma_wait3A_1091 = arith.constant 10 : i32
      %dma_wait3A_1092 = arith.constant 500 : i32
      %dma_wait3A_1093 = arith.constant 0 : i32
      %dma_wait3A_1094 = tpu.memref_slice %arg8[%dma_wait3A_1092, %dma_wait3A_1093] : memref<1600x32xf32, #tpu.memory_space<vmem>> -> memref<50x32xf32, #tpu.memory_space<vmem>>
      %dma_wait3A_1095 = arith.constant 0 : i32
      %dma_wait3A_1096 = tpu.memref_slice %arg6[%dma_wait3A_1091, %dma_wait3A_1095] : memref<32x50xi32, #tpu.memory_space<vmem>> -> memref<1x50xi32, #tpu.memory_space<vmem>>
      %dma_wait3A_1097 = tpu.memref_squeeze %dma_wait3A_1096 : memref<1x50xi32, #tpu.memory_space<vmem>> -> memref<50xi32, #tpu.memory_space<vmem>>
      %dma_wait3A_1098 = arith.constant 0 : i32
      %dma_wait3A_1099 = arith.constant 0 : i32
      %dma_wait3A_1100 = tpu.memref_slice %arg2[%dma_wait3A_1098, %dma_wait3A_1099] : memref<1000000x32xf32, #tpu.memory_space<hbm>> -> memref<1000000x32xf32, #tpu.memory_space<hbm>>
      tpu.wait_indirect_dma semaphore(%arg10 : memref<!tpu.dma_semaphore, #tpu.memory_space<semaphore_mem>>) src(%dma_wait3A_1100 : memref<1000000x32xf32, #tpu.memory_space<hbm>>) dst(%dma_wait3A_1094 : memref<50x32xf32, #tpu.memory_space<vmem>>)
      %dma_wait3A_1101 = arith.constant 11 : i32
      %dma_wait3A_1102 = arith.constant 550 : i32
      %dma_wait3A_1103 = arith.constant 0 : i32
      %dma_wait3A_1104 = tpu.memref_slice %arg8[%dma_wait3A_1102, %dma_wait3A_1103] : memref<1600x32xf32, #tpu.memory_space<vmem>> -> memref<50x32xf32, #tpu.memory_space<vmem>>
      %dma_wait3A_1105 = arith.constant 0 : i32
      %dma_wait3A_1106 = tpu.memref_slice %arg6[%dma_wait3A_1101, %dma_wait3A_1105] : memref<32x50xi32, #tpu.memory_space<vmem>> -> memref<1x50xi32, #tpu.memory_space<vmem>>
      %dma_wait3A_1107 = tpu.memref_squeeze %dma_wait3A_1106 : memref<1x50xi32, #tpu.memory_space<vmem>> -> memref<50xi32, #tpu.memory_space<vmem>>
      %dma_wait3A_1108 = arith.constant 0 : i32
      %dma_wait3A_1109 = arith.constant 0 : i32
      %dma_wait3A_1110 = tpu.memref_slice %arg2[%dma_wait3A_1108, %dma_wait3A_1109] : memref<1000000x32xf32, #tpu.memory_space<hbm>> -> memref<1000000x32xf32, #tpu.memory_space<hbm>>
      tpu.wait_indirect_dma semaphore(%arg10 : memref<!tpu.dma_semaphore, #tpu.memory_space<semaphore_mem>>) src(%dma_wait3A_1110 : memref<1000000x32xf32, #tpu.memory_space<hbm>>) dst(%dma_wait3A_1104 : memref<50x32xf32, #tpu.memory_space<vmem>>)
      %dma_wait3A_1111 = arith.constant 12 : i32
      %dma_wait3A_1112 = arith.constant 600 : i32
      %dma_wait3A_1113 = arith.constant 0 : i32
      %dma_wait3A_1114 = tpu.memref_slice %arg8[%dma_wait3A_1112, %dma_wait3A_1113] : memref<1600x32xf32, #tpu.memory_space<vmem>> -> memref<50x32xf32, #tpu.memory_space<vmem>>
      %dma_wait3A_1115 = arith.constant 0 : i32
      %dma_wait3A_1116 = tpu.memref_slice %arg6[%dma_wait3A_1111, %dma_wait3A_1115] : memref<32x50xi32, #tpu.memory_space<vmem>> -> memref<1x50xi32, #tpu.memory_space<vmem>>
      %dma_wait3A_1117 = tpu.memref_squeeze %dma_wait3A_1116 : memref<1x50xi32, #tpu.memory_space<vmem>> -> memref<50xi32, #tpu.memory_space<vmem>>
      %dma_wait3A_1118 = arith.constant 0 : i32
      %dma_wait3A_1119 = arith.constant 0 : i32
      %dma_wait3A_1120 = tpu.memref_slice %arg2[%dma_wait3A_1118, %dma_wait3A_1119] : memref<1000000x32xf32, #tpu.memory_space<hbm>> -> memref<1000000x32xf32, #tpu.memory_space<hbm>>
      tpu.wait_indirect_dma semaphore(%arg10 : memref<!tpu.dma_semaphore, #tpu.memory_space<semaphore_mem>>) src(%dma_wait3A_1120 : memref<1000000x32xf32, #tpu.memory_space<hbm>>) dst(%dma_wait3A_1114 : memref<50x32xf32, #tpu.memory_space<vmem>>)
      %dma_wait3A_1121 = arith.constant 13 : i32
      %dma_wait3A_1122 = arith.constant 650 : i32
      %dma_wait3A_1123 = arith.constant 0 : i32
      %dma_wait3A_1124 = tpu.memref_slice %arg8[%dma_wait3A_1122, %dma_wait3A_1123] : memref<1600x32xf32, #tpu.memory_space<vmem>> -> memref<50x32xf32, #tpu.memory_space<vmem>>
      %dma_wait3A_1125 = arith.constant 0 : i32
      %dma_wait3A_1126 = tpu.memref_slice %arg6[%dma_wait3A_1121, %dma_wait3A_1125] : memref<32x50xi32, #tpu.memory_space<vmem>> -> memref<1x50xi32, #tpu.memory_space<vmem>>
      %dma_wait3A_1127 = tpu.memref_squeeze %dma_wait3A_1126 : memref<1x50xi32, #tpu.memory_space<vmem>> -> memref<50xi32, #tpu.memory_space<vmem>>
      %dma_wait3A_1128 = arith.constant 0 : i32
      %dma_wait3A_1129 = arith.constant 0 : i32
      %dma_wait3A_1130 = tpu.memref_slice %arg2[%dma_wait3A_1128, %dma_wait3A_1129] : memref<1000000x32xf32, #tpu.memory_space<hbm>> -> memref<1000000x32xf32, #tpu.memory_space<hbm>>
      tpu.wait_indirect_dma semaphore(%arg10 : memref<!tpu.dma_semaphore, #tpu.memory_space<semaphore_mem>>) src(%dma_wait3A_1130 : memref<1000000x32xf32, #tpu.memory_space<hbm>>) dst(%dma_wait3A_1124 : memref<50x32xf32, #tpu.memory_space<vmem>>)
      %dma_wait3A_1131 = arith.constant 14 : i32
      %dma_wait3A_1132 = arith.constant 700 : i32
      %dma_wait3A_1133 = arith.constant 0 : i32
      %dma_wait3A_1134 = tpu.memref_slice %arg8[%dma_wait3A_1132, %dma_wait3A_1133] : memref<1600x32xf32, #tpu.memory_space<vmem>> -> memref<50x32xf32, #tpu.memory_space<vmem>>
      %dma_wait3A_1135 = arith.constant 0 : i32
      %dma_wait3A_1136 = tpu.memref_slice %arg6[%dma_wait3A_1131, %dma_wait3A_1135] : memref<32x50xi32, #tpu.memory_space<vmem>> -> memref<1x50xi32, #tpu.memory_space<vmem>>
      %dma_wait3A_1137 = tpu.memref_squeeze %dma_wait3A_1136 : memref<1x50xi32, #tpu.memory_space<vmem>> -> memref<50xi32, #tpu.memory_space<vmem>>
      %dma_wait3A_1138 = arith.constant 0 : i32
      %dma_wait3A_1139 = arith.constant 0 : i32
      %dma_wait3A_1140 = tpu.memref_slice %arg2[%dma_wait3A_1138, %dma_wait3A_1139] : memref<1000000x32xf32, #tpu.memory_space<hbm>> -> memref<1000000x32xf32, #tpu.memory_space<hbm>>
      tpu.wait_indirect_dma semaphore(%arg10 : memref<!tpu.dma_semaphore, #tpu.memory_space<semaphore_mem>>) src(%dma_wait3A_1140 : memref<1000000x32xf32, #tpu.memory_space<hbm>>) dst(%dma_wait3A_1134 : memref<50x32xf32, #tpu.memory_space<vmem>>)
      %dma_wait3A_1141 = arith.constant 15 : i32
      %dma_wait3A_1142 = arith.constant 750 : i32
      %dma_wait3A_1143 = arith.constant 0 : i32
      %dma_wait3A_1144 = tpu.memref_slice %arg8[%dma_wait3A_1142, %dma_wait3A_1143] : memref<1600x32xf32, #tpu.memory_space<vmem>> -> memref<50x32xf32, #tpu.memory_space<vmem>>
      %dma_wait3A_1145 = arith.constant 0 : i32
      %dma_wait3A_1146 = tpu.memref_slice %arg6[%dma_wait3A_1141, %dma_wait3A_1145] : memref<32x50xi32, #tpu.memory_space<vmem>> -> memref<1x50xi32, #tpu.memory_space<vmem>>
      %dma_wait3A_1147 = tpu.memref_squeeze %dma_wait3A_1146 : memref<1x50xi32, #tpu.memory_space<vmem>> -> memref<50xi32, #tpu.memory_space<vmem>>
      %dma_wait3A_1148 = arith.constant 0 : i32
      %dma_wait3A_1149 = arith.constant 0 : i32
      %dma_wait3A_1150 = tpu.memref_slice %arg2[%dma_wait3A_1148, %dma_wait3A_1149] : memref<1000000x32xf32, #tpu.memory_space<hbm>> -> memref<1000000x32xf32, #tpu.memory_space<hbm>>
      tpu.wait_indirect_dma semaphore(%arg10 : memref<!tpu.dma_semaphore, #tpu.memory_space<semaphore_mem>>) src(%dma_wait3A_1150 : memref<1000000x32xf32, #tpu.memory_space<hbm>>) dst(%dma_wait3A_1144 : memref<50x32xf32, #tpu.memory_space<vmem>>)
      %dma_wait3A_1151 = arith.constant 16 : i32
      %dma_wait3A_1152 = arith.constant 800 : i32
      %dma_wait3A_1153 = arith.constant 0 : i32
      %dma_wait3A_1154 = tpu.memref_slice %arg8[%dma_wait3A_1152, %dma_wait3A_1153] : memref<1600x32xf32, #tpu.memory_space<vmem>> -> memref<50x32xf32, #tpu.memory_space<vmem>>
      %dma_wait3A_1155 = arith.constant 0 : i32
      %dma_wait3A_1156 = tpu.memref_slice %arg6[%dma_wait3A_1151, %dma_wait3A_1155] : memref<32x50xi32, #tpu.memory_space<vmem>> -> memref<1x50xi32, #tpu.memory_space<vmem>>
      %dma_wait3A_1157 = tpu.memref_squeeze %dma_wait3A_1156 : memref<1x50xi32, #tpu.memory_space<vmem>> -> memref<50xi32, #tpu.memory_space<vmem>>
      %dma_wait3A_1158 = arith.constant 0 : i32
      %dma_wait3A_1159 = arith.constant 0 : i32
      %dma_wait3A_1160 = tpu.memref_slice %arg2[%dma_wait3A_1158, %dma_wait3A_1159] : memref<1000000x32xf32, #tpu.memory_space<hbm>> -> memref<1000000x32xf32, #tpu.memory_space<hbm>>
      tpu.wait_indirect_dma semaphore(%arg10 : memref<!tpu.dma_semaphore, #tpu.memory_space<semaphore_mem>>) src(%dma_wait3A_1160 : memref<1000000x32xf32, #tpu.memory_space<hbm>>) dst(%dma_wait3A_1154 : memref<50x32xf32, #tpu.memory_space<vmem>>)
      %dma_wait3A_1161 = arith.constant 17 : i32
      %dma_wait3A_1162 = arith.constant 850 : i32
      %dma_wait3A_1163 = arith.constant 0 : i32
      %dma_wait3A_1164 = tpu.memref_slice %arg8[%dma_wait3A_1162, %dma_wait3A_1163] : memref<1600x32xf32, #tpu.memory_space<vmem>> -> memref<50x32xf32, #tpu.memory_space<vmem>>
      %dma_wait3A_1165 = arith.constant 0 : i32
      %dma_wait3A_1166 = tpu.memref_slice %arg6[%dma_wait3A_1161, %dma_wait3A_1165] : memref<32x50xi32, #tpu.memory_space<vmem>> -> memref<1x50xi32, #tpu.memory_space<vmem>>
      %dma_wait3A_1167 = tpu.memref_squeeze %dma_wait3A_1166 : memref<1x50xi32, #tpu.memory_space<vmem>> -> memref<50xi32, #tpu.memory_space<vmem>>
      %dma_wait3A_1168 = arith.constant 0 : i32
      %dma_wait3A_1169 = arith.constant 0 : i32
      %dma_wait3A_1170 = tpu.memref_slice %arg2[%dma_wait3A_1168, %dma_wait3A_1169] : memref<1000000x32xf32, #tpu.memory_space<hbm>> -> memref<1000000x32xf32, #tpu.memory_space<hbm>>
      tpu.wait_indirect_dma semaphore(%arg10 : memref<!tpu.dma_semaphore, #tpu.memory_space<semaphore_mem>>) src(%dma_wait3A_1170 : memref<1000000x32xf32, #tpu.memory_space<hbm>>) dst(%dma_wait3A_1164 : memref<50x32xf32, #tpu.memory_space<vmem>>)
      %dma_wait3A_1171 = arith.constant 18 : i32
      %dma_wait3A_1172 = arith.constant 900 : i32
      %dma_wait3A_1173 = arith.constant 0 : i32
      %dma_wait3A_1174 = tpu.memref_slice %arg8[%dma_wait3A_1172, %dma_wait3A_1173] : memref<1600x32xf32, #tpu.memory_space<vmem>> -> memref<50x32xf32, #tpu.memory_space<vmem>>
      %dma_wait3A_1175 = arith.constant 0 : i32
      %dma_wait3A_1176 = tpu.memref_slice %arg6[%dma_wait3A_1171, %dma_wait3A_1175] : memref<32x50xi32, #tpu.memory_space<vmem>> -> memref<1x50xi32, #tpu.memory_space<vmem>>
      %dma_wait3A_1177 = tpu.memref_squeeze %dma_wait3A_1176 : memref<1x50xi32, #tpu.memory_space<vmem>> -> memref<50xi32, #tpu.memory_space<vmem>>
      %dma_wait3A_1178 = arith.constant 0 : i32
      %dma_wait3A_1179 = arith.constant 0 : i32
      %dma_wait3A_1180 = tpu.memref_slice %arg2[%dma_wait3A_1178, %dma_wait3A_1179] : memref<1000000x32xf32, #tpu.memory_space<hbm>> -> memref<1000000x32xf32, #tpu.memory_space<hbm>>
      tpu.wait_indirect_dma semaphore(%arg10 : memref<!tpu.dma_semaphore, #tpu.memory_space<semaphore_mem>>) src(%dma_wait3A_1180 : memref<1000000x32xf32, #tpu.memory_space<hbm>>) dst(%dma_wait3A_1174 : memref<50x32xf32, #tpu.memory_space<vmem>>)
      %dma_wait3A_1181 = arith.constant 19 : i32
      %dma_wait3A_1182 = arith.constant 950 : i32
      %dma_wait3A_1183 = arith.constant 0 : i32
      %dma_wait3A_1184 = tpu.memref_slice %arg8[%dma_wait3A_1182, %dma_wait3A_1183] : memref<1600x32xf32, #tpu.memory_space<vmem>> -> memref<50x32xf32, #tpu.memory_space<vmem>>
      %dma_wait3A_1185 = arith.constant 0 : i32
      %dma_wait3A_1186 = tpu.memref_slice %arg6[%dma_wait3A_1181, %dma_wait3A_1185] : memref<32x50xi32, #tpu.memory_space<vmem>> -> memref<1x50xi32, #tpu.memory_space<vmem>>
      %dma_wait3A_1187 = tpu.memref_squeeze %dma_wait3A_1186 : memref<1x50xi32, #tpu.memory_space<vmem>> -> memref<50xi32, #tpu.memory_space<vmem>>
      %dma_wait3A_1188 = arith.constant 0 : i32
      %dma_wait3A_1189 = arith.constant 0 : i32
      %dma_wait3A_1190 = tpu.memref_slice %arg2[%dma_wait3A_1188, %dma_wait3A_1189] : memref<1000000x32xf32, #tpu.memory_space<hbm>> -> memref<1000000x32xf32, #tpu.memory_space<hbm>>
      tpu.wait_indirect_dma semaphore(%arg10 : memref<!tpu.dma_semaphore, #tpu.memory_space<semaphore_mem>>) src(%dma_wait3A_1190 : memref<1000000x32xf32, #tpu.memory_space<hbm>>) dst(%dma_wait3A_1184 : memref<50x32xf32, #tpu.memory_space<vmem>>)
      %dma_wait3A_1191 = arith.constant 20 : i32
      %dma_wait3A_1192 = arith.constant 1000 : i32
      %dma_wait3A_1193 = arith.constant 0 : i32
      %dma_wait3A_1194 = tpu.memref_slice %arg8[%dma_wait3A_1192, %dma_wait3A_1193] : memref<1600x32xf32, #tpu.memory_space<vmem>> -> memref<50x32xf32, #tpu.memory_space<vmem>>
      %dma_wait3A_1195 = arith.constant 0 : i32
      %dma_wait3A_1196 = tpu.memref_slice %arg6[%dma_wait3A_1191, %dma_wait3A_1195] : memref<32x50xi32, #tpu.memory_space<vmem>> -> memref<1x50xi32, #tpu.memory_space<vmem>>
      %dma_wait3A_1197 = tpu.memref_squeeze %dma_wait3A_1196 : memref<1x50xi32, #tpu.memory_space<vmem>> -> memref<50xi32, #tpu.memory_space<vmem>>
      %dma_wait3A_1198 = arith.constant 0 : i32
      %dma_wait3A_1199 = arith.constant 0 : i32
      %dma_wait3A_1200 = tpu.memref_slice %arg2[%dma_wait3A_1198, %dma_wait3A_1199] : memref<1000000x32xf32, #tpu.memory_space<hbm>> -> memref<1000000x32xf32, #tpu.memory_space<hbm>>
      tpu.wait_indirect_dma semaphore(%arg10 : memref<!tpu.dma_semaphore, #tpu.memory_space<semaphore_mem>>) src(%dma_wait3A_1200 : memref<1000000x32xf32, #tpu.memory_space<hbm>>) dst(%dma_wait3A_1194 : memref<50x32xf32, #tpu.memory_space<vmem>>)
      %dma_wait3A_1201 = arith.constant 21 : i32
      %dma_wait3A_1202 = arith.constant 1050 : i32
      %dma_wait3A_1203 = arith.constant 0 : i32
      %dma_wait3A_1204 = tpu.memref_slice %arg8[%dma_wait3A_1202, %dma_wait3A_1203] : memref<1600x32xf32, #tpu.memory_space<vmem>> -> memref<50x32xf32, #tpu.memory_space<vmem>>
      %dma_wait3A_1205 = arith.constant 0 : i32
      %dma_wait3A_1206 = tpu.memref_slice %arg6[%dma_wait3A_1201, %dma_wait3A_1205] : memref<32x50xi32, #tpu.memory_space<vmem>> -> memref<1x50xi32, #tpu.memory_space<vmem>>
      %dma_wait3A_1207 = tpu.memref_squeeze %dma_wait3A_1206 : memref<1x50xi32, #tpu.memory_space<vmem>> -> memref<50xi32, #tpu.memory_space<vmem>>
      %dma_wait3A_1208 = arith.constant 0 : i32
      %dma_wait3A_1209 = arith.constant 0 : i32
      %dma_wait3A_1210 = tpu.memref_slice %arg2[%dma_wait3A_1208, %dma_wait3A_1209] : memref<1000000x32xf32, #tpu.memory_space<hbm>> -> memref<1000000x32xf32, #tpu.memory_space<hbm>>
      tpu.wait_indirect_dma semaphore(%arg10 : memref<!tpu.dma_semaphore, #tpu.memory_space<semaphore_mem>>) src(%dma_wait3A_1210 : memref<1000000x32xf32, #tpu.memory_space<hbm>>) dst(%dma_wait3A_1204 : memref<50x32xf32, #tpu.memory_space<vmem>>)
      %dma_wait3A_1211 = arith.constant 22 : i32
      %dma_wait3A_1212 = arith.constant 1100 : i32
      %dma_wait3A_1213 = arith.constant 0 : i32
      %dma_wait3A_1214 = tpu.memref_slice %arg8[%dma_wait3A_1212, %dma_wait3A_1213] : memref<1600x32xf32, #tpu.memory_space<vmem>> -> memref<50x32xf32, #tpu.memory_space<vmem>>
      %dma_wait3A_1215 = arith.constant 0 : i32
      %dma_wait3A_1216 = tpu.memref_slice %arg6[%dma_wait3A_1211, %dma_wait3A_1215] : memref<32x50xi32, #tpu.memory_space<vmem>> -> memref<1x50xi32, #tpu.memory_space<vmem>>
      %dma_wait3A_1217 = tpu.memref_squeeze %dma_wait3A_1216 : memref<1x50xi32, #tpu.memory_space<vmem>> -> memref<50xi32, #tpu.memory_space<vmem>>
      %dma_wait3A_1218 = arith.constant 0 : i32
      %dma_wait3A_1219 = arith.constant 0 : i32
      %dma_wait3A_1220 = tpu.memref_slice %arg2[%dma_wait3A_1218, %dma_wait3A_1219] : memref<1000000x32xf32, #tpu.memory_space<hbm>> -> memref<1000000x32xf32, #tpu.memory_space<hbm>>
      tpu.wait_indirect_dma semaphore(%arg10 : memref<!tpu.dma_semaphore, #tpu.memory_space<semaphore_mem>>) src(%dma_wait3A_1220 : memref<1000000x32xf32, #tpu.memory_space<hbm>>) dst(%dma_wait3A_1214 : memref<50x32xf32, #tpu.memory_space<vmem>>)
      %dma_wait3A_1221 = arith.constant 23 : i32
      %dma_wait3A_1222 = arith.constant 1150 : i32
      %dma_wait3A_1223 = arith.constant 0 : i32
      %dma_wait3A_1224 = tpu.memref_slice %arg8[%dma_wait3A_1222, %dma_wait3A_1223] : memref<1600x32xf32, #tpu.memory_space<vmem>> -> memref<50x32xf32, #tpu.memory_space<vmem>>
      %dma_wait3A_1225 = arith.constant 0 : i32
      %dma_wait3A_1226 = tpu.memref_slice %arg6[%dma_wait3A_1221, %dma_wait3A_1225] : memref<32x50xi32, #tpu.memory_space<vmem>> -> memref<1x50xi32, #tpu.memory_space<vmem>>
      %dma_wait3A_1227 = tpu.memref_squeeze %dma_wait3A_1226 : memref<1x50xi32, #tpu.memory_space<vmem>> -> memref<50xi32, #tpu.memory_space<vmem>>
      %dma_wait3A_1228 = arith.constant 0 : i32
      %dma_wait3A_1229 = arith.constant 0 : i32
      %dma_wait3A_1230 = tpu.memref_slice %arg2[%dma_wait3A_1228, %dma_wait3A_1229] : memref<1000000x32xf32, #tpu.memory_space<hbm>> -> memref<1000000x32xf32, #tpu.memory_space<hbm>>
      tpu.wait_indirect_dma semaphore(%arg10 : memref<!tpu.dma_semaphore, #tpu.memory_space<semaphore_mem>>) src(%dma_wait3A_1230 : memref<1000000x32xf32, #tpu.memory_space<hbm>>) dst(%dma_wait3A_1224 : memref<50x32xf32, #tpu.memory_space<vmem>>)
      %dma_wait3A_1231 = arith.constant 24 : i32
      %dma_wait3A_1232 = arith.constant 1200 : i32
      %dma_wait3A_1233 = arith.constant 0 : i32
      %dma_wait3A_1234 = tpu.memref_slice %arg8[%dma_wait3A_1232, %dma_wait3A_1233] : memref<1600x32xf32, #tpu.memory_space<vmem>> -> memref<50x32xf32, #tpu.memory_space<vmem>>
      %dma_wait3A_1235 = arith.constant 0 : i32
      %dma_wait3A_1236 = tpu.memref_slice %arg6[%dma_wait3A_1231, %dma_wait3A_1235] : memref<32x50xi32, #tpu.memory_space<vmem>> -> memref<1x50xi32, #tpu.memory_space<vmem>>
      %dma_wait3A_1237 = tpu.memref_squeeze %dma_wait3A_1236 : memref<1x50xi32, #tpu.memory_space<vmem>> -> memref<50xi32, #tpu.memory_space<vmem>>
      %dma_wait3A_1238 = arith.constant 0 : i32
      %dma_wait3A_1239 = arith.constant 0 : i32
      %dma_wait3A_1240 = tpu.memref_slice %arg2[%dma_wait3A_1238, %dma_wait3A_1239] : memref<1000000x32xf32, #tpu.memory_space<hbm>> -> memref<1000000x32xf32, #tpu.memory_space<hbm>>
      tpu.wait_indirect_dma semaphore(%arg10 : memref<!tpu.dma_semaphore, #tpu.memory_space<semaphore_mem>>) src(%dma_wait3A_1240 : memref<1000000x32xf32, #tpu.memory_space<hbm>>) dst(%dma_wait3A_1234 : memref<50x32xf32, #tpu.memory_space<vmem>>)
      %dma_wait3A_1241 = arith.constant 25 : i32
      %dma_wait3A_1242 = arith.constant 1250 : i32
      %dma_wait3A_1243 = arith.constant 0 : i32
      %dma_wait3A_1244 = tpu.memref_slice %arg8[%dma_wait3A_1242, %dma_wait3A_1243] : memref<1600x32xf32, #tpu.memory_space<vmem>> -> memref<50x32xf32, #tpu.memory_space<vmem>>
      %dma_wait3A_1245 = arith.constant 0 : i32
      %dma_wait3A_1246 = tpu.memref_slice %arg6[%dma_wait3A_1241, %dma_wait3A_1245] : memref<32x50xi32, #tpu.memory_space<vmem>> -> memref<1x50xi32, #tpu.memory_space<vmem>>
      %dma_wait3A_1247 = tpu.memref_squeeze %dma_wait3A_1246 : memref<1x50xi32, #tpu.memory_space<vmem>> -> memref<50xi32, #tpu.memory_space<vmem>>
      %dma_wait3A_1248 = arith.constant 0 : i32
      %dma_wait3A_1249 = arith.constant 0 : i32
      %dma_wait3A_1250 = tpu.memref_slice %arg2[%dma_wait3A_1248, %dma_wait3A_1249] : memref<1000000x32xf32, #tpu.memory_space<hbm>> -> memref<1000000x32xf32, #tpu.memory_space<hbm>>
      tpu.wait_indirect_dma semaphore(%arg10 : memref<!tpu.dma_semaphore, #tpu.memory_space<semaphore_mem>>) src(%dma_wait3A_1250 : memref<1000000x32xf32, #tpu.memory_space<hbm>>) dst(%dma_wait3A_1244 : memref<50x32xf32, #tpu.memory_space<vmem>>)
      %dma_wait3A_1251 = arith.constant 26 : i32
      %dma_wait3A_1252 = arith.constant 1300 : i32
      %dma_wait3A_1253 = arith.constant 0 : i32
      %dma_wait3A_1254 = tpu.memref_slice %arg8[%dma_wait3A_1252, %dma_wait3A_1253] : memref<1600x32xf32, #tpu.memory_space<vmem>> -> memref<50x32xf32, #tpu.memory_space<vmem>>
      %dma_wait3A_1255 = arith.constant 0 : i32
      %dma_wait3A_1256 = tpu.memref_slice %arg6[%dma_wait3A_1251, %dma_wait3A_1255] : memref<32x50xi32, #tpu.memory_space<vmem>> -> memref<1x50xi32, #tpu.memory_space<vmem>>
      %dma_wait3A_1257 = tpu.memref_squeeze %dma_wait3A_1256 : memref<1x50xi32, #tpu.memory_space<vmem>> -> memref<50xi32, #tpu.memory_space<vmem>>
      %dma_wait3A_1258 = arith.constant 0 : i32
      %dma_wait3A_1259 = arith.constant 0 : i32
      %dma_wait3A_1260 = tpu.memref_slice %arg2[%dma_wait3A_1258, %dma_wait3A_1259] : memref<1000000x32xf32, #tpu.memory_space<hbm>> -> memref<1000000x32xf32, #tpu.memory_space<hbm>>
      tpu.wait_indirect_dma semaphore(%arg10 : memref<!tpu.dma_semaphore, #tpu.memory_space<semaphore_mem>>) src(%dma_wait3A_1260 : memref<1000000x32xf32, #tpu.memory_space<hbm>>) dst(%dma_wait3A_1254 : memref<50x32xf32, #tpu.memory_space<vmem>>)
      %dma_wait3A_1261 = arith.constant 27 : i32
      %dma_wait3A_1262 = arith.constant 1350 : i32
      %dma_wait3A_1263 = arith.constant 0 : i32
      %dma_wait3A_1264 = tpu.memref_slice %arg8[%dma_wait3A_1262, %dma_wait3A_1263] : memref<1600x32xf32, #tpu.memory_space<vmem>> -> memref<50x32xf32, #tpu.memory_space<vmem>>
      %dma_wait3A_1265 = arith.constant 0 : i32
      %dma_wait3A_1266 = tpu.memref_slice %arg6[%dma_wait3A_1261, %dma_wait3A_1265] : memref<32x50xi32, #tpu.memory_space<vmem>> -> memref<1x50xi32, #tpu.memory_space<vmem>>
      %dma_wait3A_1267 = tpu.memref_squeeze %dma_wait3A_1266 : memref<1x50xi32, #tpu.memory_space<vmem>> -> memref<50xi32, #tpu.memory_space<vmem>>
      %dma_wait3A_1268 = arith.constant 0 : i32
      %dma_wait3A_1269 = arith.constant 0 : i32
      %dma_wait3A_1270 = tpu.memref_slice %arg2[%dma_wait3A_1268, %dma_wait3A_1269] : memref<1000000x32xf32, #tpu.memory_space<hbm>> -> memref<1000000x32xf32, #tpu.memory_space<hbm>>
      tpu.wait_indirect_dma semaphore(%arg10 : memref<!tpu.dma_semaphore, #tpu.memory_space<semaphore_mem>>) src(%dma_wait3A_1270 : memref<1000000x32xf32, #tpu.memory_space<hbm>>) dst(%dma_wait3A_1264 : memref<50x32xf32, #tpu.memory_space<vmem>>)
      %dma_wait3A_1271 = arith.constant 28 : i32
      %dma_wait3A_1272 = arith.constant 1400 : i32
      %dma_wait3A_1273 = arith.constant 0 : i32
      %dma_wait3A_1274 = tpu.memref_slice %arg8[%dma_wait3A_1272, %dma_wait3A_1273] : memref<1600x32xf32, #tpu.memory_space<vmem>> -> memref<50x32xf32, #tpu.memory_space<vmem>>
      %dma_wait3A_1275 = arith.constant 0 : i32
      %dma_wait3A_1276 = tpu.memref_slice %arg6[%dma_wait3A_1271, %dma_wait3A_1275] : memref<32x50xi32, #tpu.memory_space<vmem>> -> memref<1x50xi32, #tpu.memory_space<vmem>>
      %dma_wait3A_1277 = tpu.memref_squeeze %dma_wait3A_1276 : memref<1x50xi32, #tpu.memory_space<vmem>> -> memref<50xi32, #tpu.memory_space<vmem>>
      %dma_wait3A_1278 = arith.constant 0 : i32
      %dma_wait3A_1279 = arith.constant 0 : i32
      %dma_wait3A_1280 = tpu.memref_slice %arg2[%dma_wait3A_1278, %dma_wait3A_1279] : memref<1000000x32xf32, #tpu.memory_space<hbm>> -> memref<1000000x32xf32, #tpu.memory_space<hbm>>
      tpu.wait_indirect_dma semaphore(%arg10 : memref<!tpu.dma_semaphore, #tpu.memory_space<semaphore_mem>>) src(%dma_wait3A_1280 : memref<1000000x32xf32, #tpu.memory_space<hbm>>) dst(%dma_wait3A_1274 : memref<50x32xf32, #tpu.memory_space<vmem>>)
      %dma_wait3A_1281 = arith.constant 29 : i32
      %dma_wait3A_1282 = arith.constant 1450 : i32
      %dma_wait3A_1283 = arith.constant 0 : i32
      %dma_wait3A_1284 = tpu.memref_slice %arg8[%dma_wait3A_1282, %dma_wait3A_1283] : memref<1600x32xf32, #tpu.memory_space<vmem>> -> memref<50x32xf32, #tpu.memory_space<vmem>>
      %dma_wait3A_1285 = arith.constant 0 : i32
      %dma_wait3A_1286 = tpu.memref_slice %arg6[%dma_wait3A_1281, %dma_wait3A_1285] : memref<32x50xi32, #tpu.memory_space<vmem>> -> memref<1x50xi32, #tpu.memory_space<vmem>>
      %dma_wait3A_1287 = tpu.memref_squeeze %dma_wait3A_1286 : memref<1x50xi32, #tpu.memory_space<vmem>> -> memref<50xi32, #tpu.memory_space<vmem>>
      %dma_wait3A_1288 = arith.constant 0 : i32
      %dma_wait3A_1289 = arith.constant 0 : i32
      %dma_wait3A_1290 = tpu.memref_slice %arg2[%dma_wait3A_1288, %dma_wait3A_1289] : memref<1000000x32xf32, #tpu.memory_space<hbm>> -> memref<1000000x32xf32, #tpu.memory_space<hbm>>
      tpu.wait_indirect_dma semaphore(%arg10 : memref<!tpu.dma_semaphore, #tpu.memory_space<semaphore_mem>>) src(%dma_wait3A_1290 : memref<1000000x32xf32, #tpu.memory_space<hbm>>) dst(%dma_wait3A_1284 : memref<50x32xf32, #tpu.memory_space<vmem>>)
      %dma_wait3A_1291 = arith.constant 30 : i32
      %dma_wait3A_1292 = arith.constant 1500 : i32
      %dma_wait3A_1293 = arith.constant 0 : i32
      %dma_wait3A_1294 = tpu.memref_slice %arg8[%dma_wait3A_1292, %dma_wait3A_1293] : memref<1600x32xf32, #tpu.memory_space<vmem>> -> memref<50x32xf32, #tpu.memory_space<vmem>>
      %dma_wait3A_1295 = arith.constant 0 : i32
      %dma_wait3A_1296 = tpu.memref_slice %arg6[%dma_wait3A_1291, %dma_wait3A_1295] : memref<32x50xi32, #tpu.memory_space<vmem>> -> memref<1x50xi32, #tpu.memory_space<vmem>>
      %dma_wait3A_1297 = tpu.memref_squeeze %dma_wait3A_1296 : memref<1x50xi32, #tpu.memory_space<vmem>> -> memref<50xi32, #tpu.memory_space<vmem>>
      %dma_wait3A_1298 = arith.constant 0 : i32
      %dma_wait3A_1299 = arith.constant 0 : i32
      %dma_wait3A_1300 = tpu.memref_slice %arg2[%dma_wait3A_1298, %dma_wait3A_1299] : memref<1000000x32xf32, #tpu.memory_space<hbm>> -> memref<1000000x32xf32, #tpu.memory_space<hbm>>
      tpu.wait_indirect_dma semaphore(%arg10 : memref<!tpu.dma_semaphore, #tpu.memory_space<semaphore_mem>>) src(%dma_wait3A_1300 : memref<1000000x32xf32, #tpu.memory_space<hbm>>) dst(%dma_wait3A_1294 : memref<50x32xf32, #tpu.memory_space<vmem>>)
      %dma_wait3A_1301 = arith.constant 31 : i32
      %dma_wait3A_1302 = arith.constant 1550 : i32
      %dma_wait3A_1303 = arith.constant 0 : i32
      %dma_wait3A_1304 = tpu.memref_slice %arg8[%dma_wait3A_1302, %dma_wait3A_1303] : memref<1600x32xf32, #tpu.memory_space<vmem>> -> memref<50x32xf32, #tpu.memory_space<vmem>>
      %dma_wait3A_1305 = arith.constant 0 : i32
      %dma_wait3A_1306 = tpu.memref_slice %arg6[%dma_wait3A_1301, %dma_wait3A_1305] : memref<32x50xi32, #tpu.memory_space<vmem>> -> memref<1x50xi32, #tpu.memory_space<vmem>>
      %dma_wait3A_1307 = tpu.memref_squeeze %dma_wait3A_1306 : memref<1x50xi32, #tpu.memory_space<vmem>> -> memref<50xi32, #tpu.memory_space<vmem>>
      %dma_wait3A_1308 = arith.constant 0 : i32
      %dma_wait3A_1309 = arith.constant 0 : i32
      %dma_wait3A_1310 = tpu.memref_slice %arg2[%dma_wait3A_1308, %dma_wait3A_1309] : memref<1000000x32xf32, #tpu.memory_space<hbm>> -> memref<1000000x32xf32, #tpu.memory_space<hbm>>
      tpu.wait_indirect_dma semaphore(%arg10 : memref<!tpu.dma_semaphore, #tpu.memory_space<semaphore_mem>>) src(%dma_wait3A_1310 : memref<1000000x32xf32, #tpu.memory_space<hbm>>) dst(%dma_wait3A_1304 : memref<50x32xf32, #tpu.memory_space<vmem>>)
      "tpu.region"() ({
        %run_scoped3A = tpu.sem_alloc : memref<!tpu.dma_semaphore, #tpu.memory_space<semaphore_mem>>
        %dma_start3A_1311 = arith.constant 0 : i32
        %dma_start3A_1312 = tpu.memref_slice %arg4[%add3A_339, %dma_start3A_1311] : memref<819200x32xf32, #tpu.memory_space<hbm>> -> memref<1600x32xf32, #tpu.memory_space<hbm>>
        %dma_start3A_1313 = arith.constant 0 : i32
        %dma_start3A_1314 = tpu.memref_slice %arg4[%add3A_339, %dma_start3A_1313] : memref<819200x32xf32, #tpu.memory_space<hbm>> -> memref<1600x32xf32, #tpu.memory_space<hbm>>
        tpu.enqueue_dma source(%arg8 : memref<1600x32xf32, #tpu.memory_space<vmem>>) target(%dma_start3A_1314 : memref<1600x32xf32, #tpu.memory_space<hbm>>) target_semaphore(%run_scoped3A : memref<!tpu.dma_semaphore, #tpu.memory_space<semaphore_mem>>)
        %dma_wait3A_1315 = arith.constant 0 : i32
        %dma_wait3A_1316 = tpu.memref_slice %arg4[%add3A_339, %dma_wait3A_1315] : memref<819200x32xf32, #tpu.memory_space<hbm>> -> memref<1600x32xf32, #tpu.memory_space<hbm>>
        %dma_wait3A_1317 = arith.constant 0 : i32
        %dma_wait3A_1318 = tpu.memref_slice %arg4[%add3A_339, %dma_wait3A_1317] : memref<819200x32xf32, #tpu.memory_space<hbm>> -> memref<1600x32xf32, #tpu.memory_space<hbm>>
        tpu.wait_dma2 semaphore(%run_scoped3A : memref<!tpu.dma_semaphore, #tpu.memory_space<semaphore_mem>>) src(%arg8 : memref<1600x32xf32, #tpu.memory_space<vmem>>) dst(%dma_wait3A_1318 : memref<1600x32xf32, #tpu.memory_space<hbm>>)
        tpu.yield
      }) : () -> ()
    }
    %scan3A_329 = arith.constant 8 : i32
    return
  }
}

</mosaic_0001>

<sc_bundles>
// kernel: kernel.3.cloned.1.call-start
scs
__scs_entry_jumppad:
0x0: {  	(pc) =	sbr.rel $0x88, $3  }
0x1: {  	(tag) =	ssettag $0x0;
	lr =	simm.s32 $0x1  }
0x2: {  	[smem:$0x3F9F] =	sst lr;
	_ =	strace $0xD0000000  }
0x3: {  	_ = 	snop  }
0x4: {  	_ = 	snop  }
0x5: {  	_ = 	snop  }
0x6: {  	_ = 	snop  }
0x7: {  	_ = 	snop  }
__scs_overlays_trampoline_lowered:
0x8: {  	[smem:$0x3FAE] =	sst s0  }
0x9: {  	[smem:$0x3FAF] =	sst s1  }
0xa: {  	[smem:$0x3FB0] =	sst s2  }
0xb: {  	[smem:$0x3FB1] =	sst s3  }
0xc: {  	[smem:$0x3FB2] =	sst s4  }
0xd: {  	[smem:$0x3FB3] =	sst s5  }
0xe: {  	[smem:$0x3FB4] =	sst s6  }
0xf: {  	[smem:$0x3FB5] =	sst s7  }
0x10: {  	[smem:$0x3FB6] =	sst s8  }
0x11: {  	[smem:$0x3FB7] =	sst s9;
	s0 =	simm.s32 @!p0 $0x0  }
0x12: {  	s1 =	sld [smem:$0x3F9D];
	s0 =	simm.s32 @p0 $0x1  }
0x13: {  	[smem:$0x3FB8] =	sst s0;
	s0 =	simm.s32 @!p1 $0x0  }
0x14: {  	s2 =	sld [smem:$0x3F9C];
	s0 =	simm.s32 @p1 $0x1  }
0x15: {  	[smem:$0x3FB9] =	sst s0;
	s0 =	simm.s32 @!p2 $0x0  }
0x16: {  	s3 =	sld [smem:$0x3FDB];
	s0 =	simm.s32 @p2 $0x1  }
0x17: {  	s4 =	simm.s32 $0x1BF5;
	[smem:$0x3FBB] =	sst s0  }
0x18: {  	s0 =	sld [smem:$0x3F9E];
	_ =	swait.ge [sflag:s4], $0x0  }
0x19: {  	s7 =	sld [smem:$0x3F9F]  }
0x1a: {  	s8 =	sadd.s32 $0xFFFFE003, lr  }
0x1b: {  	s9 =	sadd.s32 $0xFFFFFEF7, lr;
	s5 =	simm.s32 $0xFFFFFFFF;
	p2 =	slt.u32 s8, $0xFFFFF086  }
0x1c: {  	p1 =	slt.u32 s9, $0xF7A;
	s5 =	simm.s32 @!p2 $0x0  }
0x1d: {  	s5 =	simm.s32 @p1 $0x1;
	p0 =	seq.s32 s7, s2  }
0x1e: {  	s7 =	smul.u32 @!p0 $0xF7A, s2;
	p2 =	seq.s32 @!p0 s5, $0x0  }
0x1f: {  	s9 =	smul.u32 $0xF7A, s1;
	s8 =	simm.s32 @!p0 $0x1BF5;
	p2 =	por !p2, p0  }
0x20: {  	[sflag:s8] =	ssyncset.s32 @!p0 $0xFFFFF086;
	s6 =	sadd.s32 @!p0 s3, s7;
	s7 =	simm.s32 @!p0 $0x108  }
0x21: {  	s3 =	sadd.s32 s3, s9;
	s6 =	sadd.s32 @!p0 $0x88, s6;
	s7 =	simm.s32 @p2 $0x1082  }
0x22: {  	[simem:s7], [sflag:s8] =	dma.local @!p0 [hbm:s6], $0xF7A  }
0x23: {  	s9 =	sor.u32 $0xD0000000, s2;
	s6 =	simm.s32 $0x108;
	_ =	swait.ge @!p0 [sflag:s8], $0x0  }
0x24: {  	s3 =	sadd.s32 $0x88, s3;
	s6 =	simm.s32 @!p1 $0x1082;
	[sflag:s4] =	ssyncset.s32 $0xFFFFF086  }
0x25: {  	[simem:s6], [sflag:s4] =	dma.local [hbm:s3], $0xF7A  }
0x26: {  	[smem:$0x3F9F] =	sst s1;
	(tag) =	ssettag s2;
	_ =	strace s9  }
0x27: {  	s1 =	sld [smem:$0x3FAF]  }
0x28: {  	s2 =	sld [smem:$0x3FB0]  }
0x29: {  	s4 =	sld [smem:$0x3FB2]  }
0x2a: {  	p0 =	seq.s32 s5, $0x0;
	s5 =	sld [smem:$0x3FB3]  }
0x2b: {  	s6 =	sld [smem:$0x3FB4]  }
0x2c: {  	s7 =	sld [smem:$0x3FB5]  }
0x2d: {  	s3 =	simm.s32 $0x108;
	s8 =	sld [smem:$0x3FB6]  }
0x2e: {  	s3 =	simm.s32 @!p0 $0x1082;
	s9 =	sld [smem:$0x3FB7]  }
0x2f: {  	lr =	sadd.s32 s0, s3;
	s0 =	sld [smem:$0x3FAE]  }
0x30: {  	s3 =	sld [smem:$0x3FB1]  }
0x31: {  	[smem:$0x3FBA] =	sst s10  }
0x32: {  	s10 =	sld [smem:$0x3FB8];
	_ =	sdelay $0x3  }
0x33: {  	p0 =	seq.s32 s10, $0x1;
	s10 =	sld [smem:$0x3FBA];
	_ =	sdelay $0x3  }
0x34: {  	[smem:$0x3FBA] =	sst s10  }
0x35: {  	s10 =	sld [smem:$0x3FB9];
	_ =	sdelay $0x3  }
0x36: {  	p1 =	seq.s32 s10, $0x1;
	s10 =	sld [smem:$0x3FBA];
	_ =	sdelay $0x3  }
0x37: {  	[smem:$0x3FBA] =	sst s10  }
0x38: {  	s10 =	sld [smem:$0x3FBB]  }
0x39: {  	_ = 	snop;
	(pc) =	sbr.ind lr, $3  }
0x3a: {  	_ = 	snop  }
0x3b: {  	_ = 	snop  }
0x3c: {  	p2 =	seq.s32 s10, $0x1;
	s10 =	sld [smem:$0x3FBA]  }
0x3d: {  	_ =	shalt  }
0x3e: {  	_ =	shalt  }
0x3f: {  	_ =	shalt  }
0x40: {  	_ =	shalt  }
0x41: {  	_ =	shalt  }
0x42: {  	_ =	shalt  }
0x43: {  	_ =	shalt  }
0x44: {  	_ =	shalt  }
0x45: {  	_ =	shalt  }
0x46: {  	_ =	shalt  }
0x47: {  	_ =	shalt  }
0x48: {  	_ =	shalt  }
0x49: {  	_ =	shalt  }
0x4a: {  	_ =	shalt  }
0x4b: {  	_ =	shalt  }
0x4c: {  	_ =	shalt  }
0x4d: {  	_ =	shalt  }
0x4e: {  	_ =	shalt  }
0x4f: {  	_ =	shalt  }
0x50: {  	_ =	shalt  }
0x51: {  	_ =	shalt  }
0x52: {  	_ =	shalt  }
0x53: {  	_ =	shalt  }
0x54: {  	_ =	shalt  }
0x55: {  	_ =	shalt  }
0x56: {  	_ =	shalt  }
0x57: {  	_ =	shalt  }
0x58: {  	_ =	shalt  }
0x59: {  	_ =	shalt  }
0x5a: {  	_ =	shalt  }
0x5b: {  	_ =	shalt  }
0x5c: {  	_ =	shalt  }
0x5d: {  	_ =	shalt  }
0x5e: {  	_ =	shalt  }
0x5f: {  	_ =	shalt  }
0x60: {  	_ =	shalt  }
0x61: {  	_ =	shalt  }
0x62: {  	_ =	shalt  }
0x63: {  	_ =	shalt  }
0x64: {  	_ =	shalt  }
0x65: {  	_ =	shalt  }
0x66: {  	_ =	shalt  }
0x67: {  	_ =	shalt  }
0x68: {  	_ =	shalt  }
0x69: {  	_ =	shalt  }
0x6a: {  	_ =	shalt  }
0x6b: {  	_ =	shalt  }
0x6c: {  	_ =	shalt  }
0x6d: {  	_ =	shalt  }
0x6e: {  	_ =	shalt  }
0x6f: {  	_ =	shalt  }
0x70: {  	_ =	shalt  }
0x71: {  	_ =	shalt  }
0x72: {  	_ =	shalt  }
0x73: {  	_ =	shalt  }
0x74: {  	_ =	shalt  }
0x75: {  	_ =	shalt  }
0x76: {  	_ =	shalt  }
0x77: {  	_ =	shalt  }
0x78: {  	_ =	shalt  }
0x79: {  	_ =	shalt  }
0x7a: {  	_ =	shalt  }
0x7b: {  	_ =	shalt  }
0x7c: {  	_ =	shalt  }
0x7d: {  	_ =	shalt  }
0x7e: {  	_ =	shalt  }
0x7f: {  	_ =	shalt  }
0x80: {  	_ =	shalt  }
0x81: {  	_ =	shalt  }
0x82: {  	_ =	shalt  }
0x83: {  	_ =	shalt  }
0x84: {  	_ =	shalt  }
0x85: {  	_ =	shalt  }
0x86: {  	_ =	shalt  }
0x87: {  	_ =	shalt  }
.Lfunc_end0:
.L_simem_size_0:
called_computation.2_lowered:
.L_overlay_start_0:
0x88: {  	s2 =	sld [smem:$0x3FD9]  }
0x89: {  	s3 =	sld [smem:$0x3FFE];
	_ =	sdelay $0x1  }
0x8a: {  	s1 =	srdreg.scid  }
0x8b: {  	s0 =	sand.u32 $0x1, s1  }
0x8c: {  	s17 =	sshll.u32 s0, $0xA;
	s2 =	sadd.s32 s3, s2  }
0x8d: {  	s2 =	sadd.s32 s2, s17  }
0x8e: {  	[smem:$0x3FC6] =	sst s2  }
0x8f: {  	_ = 	snop  }
0x90: {  	s2 =	sld [smem:$0x3FD0];
	(tm) =	ssettm $0x1  }
0x91: {  	s18 =	sld [smem:$0x3FFB];
	_ =	sdelay $0x3  }
0x92: {  	_ =	strace s18  }
0x93: {  	s3 =	sld [smem:$0x3FFC];
	_ =	sdelay $0x3  }
0x94: {  	_ =	strace s3  }
0x95: {  	s3 =	sld [smem:$0x3FFD];
	_ =	sdelay $0x3  }
0x96: {  	_ =	strace s3  }
0x97: {  	_ =	strace $0x8FFFFFFF  }
0x98: {  	s19 =	sld [smem:$0x3FDB];
	_ =	sdelay $0x1  }
0x99: {  	s4 =	simm.s32 $_scs_section_size  }
0x9a: {  	s5 =	simm.s32 $_size__tile_overlayer_lowered;
	s6 =	simm.s32 $_tile_overlayer_lowered  }
0x9b: {  	s22 =	simm.s32 $0x1BFF;
	s21 =	sshll.u32 s6, $0x1;
	s3 =	sadd.s32 s4, s19  }
0x9c: {  	s7 =	simm.s32 $0x0;
	s20 =	sshll.u32 s5, $0x1;
	s5 =	sadd.s32 s21, s3  }
0x9d: {  	[timem:s7], [sflag:s22] =	dma.local [hbm:s5], s20  }
0x9e: {  	_ =	swait.ge [sflag:s22], s20  }
0x9f: {  	s4 =	ssub.s32 $0x0, s20;
	[sflag:s22] =	ssyncset.done $0x0  }
0xa0: {  	[sflag:s22] =	ssyncadd.s32 s4;
	_ =	sdelay $0x1  }
0xa1: {  	s23 =	simm.s32 $0x1B8B  }
0xa2: {  	_ =	swait.ge [sflag:s23], $0x1  }
0xa3: {  	[sflag:s23] =	ssyncset.done $0x0  }
0xa4: {  	s25 =	simm.s32 $0x1B8E;
	s24 =	sld [smem:$0x3FFE];
	[sflag:s23] =	ssyncadd.s32 $0xFFFFFFFF  }
0xa5: {  	s26 =	simm.s32 $execute0_lowered;
	[smem:$0x3FD2] =	sst s25  }
0xa6: {  	s5 =	sshll.u32 s26, $0x1;
	_ =	strace $0x80000046;
	[dreg:$0x1] =	wrdreg $0xFFFFFFFF  }
0xa7: {  	s28 =	simm.s32 $_size_execute0_lowered;
	s3 =	sadd.s32 s3, s5;
	[dreg:$0x0] =	wrdreg $0x0  }
0xa8: {  	s5 =	sshll.u32 s28, $0x1;
	[dreg:$0x2] =	wrdreg s3  }
0xa9: {  	[dreg:$0x3] =	wrdreg s5  }
0xaa: {  	[dreg:$0x4] =	wrdreg $0xC0  }
0xab: {  	_ =	task [dreg:s7], $0x5FFFF  }
0xac: {  	[dreg:$0x1] =	wrdreg $0xFFFFFFFF  }
0xad: {  	[dreg:$0x0] =	wrdreg $0x60  }
0xae: {  	[dreg:$0x2] =	wrdreg s24  }
0xaf: {  	[dreg:$0x3] =	wrdreg s2  }
0xb0: {  	[dreg:$0x4] =	wrdreg $0x9  }
0xb1: {  	_ =	task.clear_ibuf [dreg:s7], $0x5FFFF;
	_ =	strace $0x90000046  }
0xb2: {  	s29 =	simm.s32 $0x9;
	_ =	strace $0x80000048  }
0xb3: {  	_ =	swait.ge [sflag:s29], $0x1  }
0xb4: {  	[sflag:s29] =	ssyncadd.s32 $0xFFFFFFFF  }
0xb5: {  	_ =	strace $0x90000048  }
0xb6: {  	_ =	sfence  }
0xb7: {  	s30 =	sld [smem:$0x0];
	_ =	sdelay $0x2  }
0xb8: {  	s31 =	sshll.u32 s1, $0xD;
	s1 =	sshrl.u32 s1, $0x2  }
0xb9: {  	s3 =	sand.u32 $0x4000, s31;
	s1 =	sadd.s32 s1, s30  }
0xba: {  	s0 =	sor.u32 s3, s0;
	s1 =	sshll.u32 s1, $0x11  }
0xbb: {  	s0 =	sor.u32 s1, s0  }
0xbc: {  	s0 =	sadd.s32 $0x8F2B, s0  }
0xbd: {  	[sflag:s0] =	ssyncadd.remote.s32 $0x1  }
0xbe: {  	_ =	sfence.sel $0xFFFF  }
0xbf: {  	[dreg:$0x0] =	wrdreg $0xFFFFFFFF;
	(pc) =	sbr.abs _section_cstart, $3  }
0xc0: {  	[dreg:$0x1] =	wrdreg $0xFFFFFFFF  }
0xc1: {  	_ =	task.clear_ibuf [dreg:s7], $0x2FFFF;
	_ =	strace $0x9FFFFFFF  }
0xc2: {  	(tm) =	ssettm $0x7FFFFFFF  }
0xc3: {  	_ =	shalt  }
tec
execute0_lowered:
.L_overlay_start_1:
0x0: {  	(tag) =	ssettag $0x1  }
0x1: {  	s0 =	srdreg.scid  }
0x2: {  	s11 =	stileid.u32;
	s1 =	rddreg [dreg:$0x0]  }
0x3: {  	s4 =	rddreg [dreg:$0x1];
	s28 =	simm.s32 $0x16C00;
	s29 =	simm.s32 $0xC78  }
0x4: {  	s30 =	simm.s32 $0x17240;
	s31 =	simm.s32 $0xCB0;
	s12 =	simm.s32 $0x18B40  }
0x5: {  	s13 =	simm.s32 $0xD90;
	s14 =	simm.s32 $0x19180;
	s6 =	smul.u32 $0x1C00, s11  }
0x6: {  	s15 =	simm.s32 $0xDC8;
	s16 =	simm.s32 $0x197C0;
	s8 =	smul.u32 $0xC800, s11  }
0x7: {  	s17 =	simm.s32 $0x1;
	s0 =	sand.u32 $0x1, s0;
	s24 =	smul.u32 $0x32000, s11  }
0x8: {  	s18 =	simm.s32 $0x2;
	s2 =	sshll.u32 s11, $0x1;
	s10 =	smul.u32 $0x6400, s0  }
0x9: {  	s20 =	simm.s32 $0x0;
	s3 =	sor.u32 s0, s2;
	s23 =	smul.u32 $0xE00, s0  }
0xa: {  	s2 =	simm.s32 $0x0;
	s7 =	ssub.s32 $0x2, s0;
	s0 =	smul.u32 $0x19000, s0  }
0xb: {  	s11 =	simm.s32 $0xE00;
	s5 =	smul.u32 $0xE00, s3;
	[smem:$0x7FF] =	sst s2  }
0xc: {  	s3 =	sadd.s32 $0xF43200, s1;
	s9 =	sshrl.u32 s7, $0x1;
	s1 =	sadd.s32 $0xE00, s1  }
0xd: {  	_ =	strace $0x80000047;
	s7 =	ssub.s32 s7, s9;
	s8 =	sadd.s32 s10, s8  }
0xe: {  	s9 =	simm.s32 $0x3;
	s10 =	simm.s32 $0x32;
	s5 =	sadd.s32 s1, s5  }
0xf: {  	s7 =	smax.u32 s7, $0x1;
	s25 =	sshll.u32 s8, $0x2;
	[dreg:$0x3] =	wrdreg s5  }
0x10: {  	s1 =	sadd.s32 s6, s1;
	s8 =	simm.s32 $0xD58;
	[dreg:$0x4] =	wrdreg s7  }
.Ltmp0:
0x11: {  	s5 =	sadd.s32 s24, s4;
	s4 =	sadd.s32 s4, s25;
	(pc) =	sbr.rel .LBB2_1-.Ltmp0, $4  }
0x12: {  	s6 =	sadd.s32 s23, s1;
	s24 =	simm.s32 $0x700;
	s25 =	simm.s32 $0xD600  }
0x13: {  	s1 =	simm.s32 $0x17880;
	s7 =	simm.s32 $0x18500;
	s0 =	sadd.s32 s0, s5  }
0x14: {  	s26 =	sadd.s32 $0x1900, s4;
	s4 =	simm.s32 $0x17EC0;
	[dreg:$0x5] =	wrdreg s0  }
0x15: {  	s5 =	simm.s32 $0xD20;
	[dreg:$0x6] =	wrdreg s26;
	s0 =	simm.s32 $0xCE8  }
.LBB2_5:
0x16: {  	s20 =	rddreg [dreg:$0x7]  }
0x17: {  	s19 =	rddreg [dreg:$0x4];
	s20 =	sadd.s32 $0x1, s20  }
0x18: {  	p0 =	sne.s32 s20, s19  }
.Ltmp1:
0x19: {  	_ = 	snop;
	(pc) =	sbr.rel @!p0 .LBB2_6-.Ltmp1, $1  }
0x1a: {  	_ =	sdelay $0x3  }
.LBB2_1:
0x1b: {  	[dreg:$0x7] =	wrdreg s20  }
0x1c: {  	s19 =	rddreg [dreg:$0x3]  }
0x1d: {  	[tilespmem:s2], [sflag:$0x3] =	stream.linear.gather [hbm4b:s19+s2], $0x700, $0x38;
	[tilespmem:$0x19E00] =	vst v63  }
0x1e: {  	_ =	swait.ge [sflag:s9], $0x700  }
0x1f: {  	[sflag:s9] =	ssyncset.done $0x0  }
0x20: {  	[sflag:s9] =	ssyncadd.s32 $0xFFFFF900  }
0x21: {  	[tilespmem:s11], [sflag:$0x1] =	stream.indirect.gather [hbm4b:s3+s10], $0x20, s2, s10, $0xb8;
	[tilespmem:$0x19E00] =	vst v63  }
0x22: {  	s23 =	simm.s32 $0x38;
	s26 =	simm.s32 $0x1440  }
0x23: {  	[tilespmem:s26], [sflag:$0x1] =	stream.indirect.gather [hbm4b:s3+s10], $0x20, s23, s10, $0xb8;
	[tilespmem:$0x19E00] =	vst v63  }
0x24: {  	s21 =	simm.s32 $0x70;
	s22 =	simm.s32 $0x1A80  }
0x25: {  	[tilespmem:s22], [sflag:$0x1] =	stream.indirect.gather [hbm4b:s3+s10], $0x20, s21, s10, $0xb8;
	[tilespmem:$0x19E00] =	vst v63  }
0x26: {  	s23 =	simm.s32 $0xA8;
	s26 =	simm.s32 $0x20C0  }
0x27: {  	[tilespmem:s26], [sflag:$0x1] =	stream.indirect.gather [hbm4b:s3+s10], $0x20, s23, s10, $0xb8;
	[tilespmem:$0x19E00] =	vst v63  }
0x28: {  	s21 =	simm.s32 $0xE0;
	s22 =	simm.s32 $0x2700  }
0x29: {  	[tilespmem:s22], [sflag:$0x1] =	stream.indirect.gather [hbm4b:s3+s10], $0x20, s21, s10, $0xb8;
	[tilespmem:$0x19E00] =	vst v63  }
0x2a: {  	s23 =	simm.s32 $0x118;
	s26 =	simm.s32 $0x2D40  }
0x2b: {  	[tilespmem:s26], [sflag:$0x1] =	stream.indirect.gather [hbm4b:s3+s10], $0x20, s23, s10, $0xb8;
	[tilespmem:$0x19E00] =	vst v63  }
0x2c: {  	s21 =	simm.s32 $0x150;
	s22 =	simm.s32 $0x3380  }
0x2d: {  	[tilespmem:s22], [sflag:$0x1] =	stream.indirect.gather [hbm4b:s3+s10], $0x20, s21, s10, $0xb8;
	[tilespmem:$0x19E00] =	vst v63  }
0x2e: {  	s23 =	simm.s32 $0x188;
	s26 =	simm.s32 $0x39C0  }
0x2f: {  	[tilespmem:s26], [sflag:$0x1] =	stream.indirect.gather [hbm4b:s3+s10], $0x20, s23, s10, $0xb8;
	[tilespmem:$0x19E00] =	vst v63  }
0x30: {  	s21 =	simm.s32 $0x1C0;
	s22 =	simm.s32 $0x4000  }
0x31: {  	[tilespmem:s22], [sflag:$0x1] =	stream.indirect.gather [hbm4b:s3+s10], $0x20, s21, s10, $0xb8;
	[tilespmem:$0x19E00] =	vst v63  }
0x32: {  	s23 =	simm.s32 $0x1F8;
	s26 =	simm.s32 $0x4640  }
0x33: {  	[tilespmem:s26], [sflag:$0x1] =	stream.indirect.gather [hbm4b:s3+s10], $0x20, s23, s10, $0xb8;
	[tilespmem:$0x19E00] =	vst v63  }
0x34: {  	s21 =	simm.s32 $0x230;
	s22 =	simm.s32 $0x4C80  }
0x35: {  	[tilespmem:s22], [sflag:$0x1] =	stream.indirect.gather [hbm4b:s3+s10], $0x20, s21, s10, $0xb8;
	[tilespmem:$0x19E00] =	vst v63  }
0x36: {  	s23 =	simm.s32 $0x268;
	s26 =	simm.s32 $0x52C0  }
0x37: {  	[tilespmem:s26], [sflag:$0x1] =	stream.indirect.gather [hbm4b:s3+s10], $0x20, s23, s10, $0xb8;
	[tilespmem:$0x19E00] =	vst v63  }
0x38: {  	s21 =	simm.s32 $0x2A0;
	s22 =	simm.s32 $0x5900  }
0x39: {  	[tilespmem:s22], [sflag:$0x1] =	stream.indirect.gather [hbm4b:s3+s10], $0x20, s21, s10, $0xb8;
	[tilespmem:$0x19E00] =	vst v63  }
0x3a: {  	s23 =	simm.s32 $0x2D8;
	s26 =	simm.s32 $0x5F40  }
0x3b: {  	[tilespmem:s26], [sflag:$0x1] =	stream.indirect.gather [hbm4b:s3+s10], $0x20, s23, s10, $0xb8;
	[tilespmem:$0x19E00] =	vst v63  }
0x3c: {  	s21 =	simm.s32 $0x310;
	s22 =	simm.s32 $0x6580  }
0x3d: {  	[tilespmem:s22], [sflag:$0x1] =	stream.indirect.gather [hbm4b:s3+s10], $0x20, s21, s10, $0xb8;
	[tilespmem:$0x19E00] =	vst v63  }
0x3e: {  	s23 =	simm.s32 $0x348;
	s26 =	simm.s32 $0x6BC0  }
0x3f: {  	[tilespmem:s26], [sflag:$0x1] =	stream.indirect.gather [hbm4b:s3+s10], $0x20, s23, s10, $0xb8;
	[tilespmem:$0x19E00] =	vst v63  }
0x40: {  	s21 =	simm.s32 $0x380;
	s22 =	simm.s32 $0x7200  }
0x41: {  	[tilespmem:s22], [sflag:$0x1] =	stream.indirect.gather [hbm4b:s3+s10], $0x20, s21, s10, $0xb8;
	[tilespmem:$0x19E00] =	vst v63  }
0x42: {  	s23 =	simm.s32 $0x3B8;
	s26 =	simm.s32 $0x7840  }
0x43: {  	[tilespmem:s26], [sflag:$0x1] =	stream.indirect.gather [hbm4b:s3+s10], $0x20, s23, s10, $0xb8;
	[tilespmem:$0x19E00] =	vst v63  }
0x44: {  	s21 =	simm.s32 $0x3F0;
	s22 =	simm.s32 $0x7E80  }
0x45: {  	[tilespmem:s22], [sflag:$0x1] =	stream.indirect.gather [hbm4b:s3+s10], $0x20, s21, s10, $0xb8;
	[tilespmem:$0x19E00] =	vst v63  }
0x46: {  	s23 =	simm.s32 $0x428;
	s26 =	simm.s32 $0x84C0  }
0x47: {  	[tilespmem:s26], [sflag:$0x1] =	stream.indirect.gather [hbm4b:s3+s10], $0x20, s23, s10, $0xb8;
	[tilespmem:$0x19E00] =	vst v63  }
0x48: {  	s21 =	simm.s32 $0x460;
	s22 =	simm.s32 $0x8B00  }
0x49: {  	[tilespmem:s22], [sflag:$0x1] =	stream.indirect.gather [hbm4b:s3+s10], $0x20, s21, s10, $0xb8;
	[tilespmem:$0x19E00] =	vst v63  }
0x4a: {  	s23 =	simm.s32 $0x498;
	s26 =	simm.s32 $0x9140  }
0x4b: {  	[tilespmem:s26], [sflag:$0x1] =	stream.indirect.gather [hbm4b:s3+s10], $0x20, s23, s10, $0xb8;
	[tilespmem:$0x19E00] =	vst v63  }
0x4c: {  	s21 =	simm.s32 $0x4D0;
	s22 =	simm.s32 $0x9780  }
0x4d: {  	[tilespmem:s22], [sflag:$0x1] =	stream.indirect.gather [hbm4b:s3+s10], $0x20, s21, s10, $0xb8;
	[tilespmem:$0x19E00] =	vst v63  }
0x4e: {  	s23 =	simm.s32 $0x508;
	s26 =	simm.s32 $0x9DC0  }
0x4f: {  	[tilespmem:s26], [sflag:$0x1] =	stream.indirect.gather [hbm4b:s3+s10], $0x20, s23, s10, $0xb8;
	[tilespmem:$0x19E00] =	vst v63  }
0x50: {  	s21 =	simm.s32 $0x540;
	s22 =	simm.s32 $0xA400  }
0x51: {  	[tilespmem:s22], [sflag:$0x1] =	stream.indirect.gather [hbm4b:s3+s10], $0x20, s21, s10, $0xb8;
	[tilespmem:$0x19E00] =	vst v63  }
0x52: {  	s23 =	simm.s32 $0x578;
	s26 =	simm.s32 $0xAA40  }
0x53: {  	[tilespmem:s26], [sflag:$0x1] =	stream.indirect.gather [hbm4b:s3+s10], $0x20, s23, s10, $0xb8;
	[tilespmem:$0x19E00] =	vst v63  }
0x54: {  	s21 =	simm.s32 $0x5B0;
	s22 =	simm.s32 $0xB080  }
0x55: {  	[tilespmem:s22], [sflag:$0x1] =	stream.indirect.gather [hbm4b:s3+s10], $0x20, s21, s10, $0xb8;
	[tilespmem:$0x19E00] =	vst v63  }
0x56: {  	s23 =	simm.s32 $0x5E8;
	s26 =	simm.s32 $0xB6C0  }
0x57: {  	[tilespmem:s26], [sflag:$0x1] =	stream.indirect.gather [hbm4b:s3+s10], $0x20, s23, s10, $0xb8;
	[tilespmem:$0x19E00] =	vst v63  }
0x58: {  	s21 =	simm.s32 $0x620;
	s22 =	simm.s32 $0xBD00  }
0x59: {  	[tilespmem:s22], [sflag:$0x1] =	stream.indirect.gather [hbm4b:s3+s10], $0x20, s21, s10, $0xb8;
	[tilespmem:$0x19E00] =	vst v63  }
0x5a: {  	s23 =	simm.s32 $0x658;
	s26 =	simm.s32 $0xC340  }
0x5b: {  	[tilespmem:s26], [sflag:$0x1] =	stream.indirect.gather [hbm4b:s3+s10], $0x20, s23, s10, $0xb8;
	[tilespmem:$0x19E00] =	vst v63  }
.Ltmp2:
0x5c: {  	s19 =	rddreg [dreg:$0x6];
	(pc) =	sbr.rel .LBB2_2-.Ltmp2, $4  }
0x5d: {  	s20 =	rddreg [dreg:$0x5];
	s21 =	simm.s32 $0x690;
	s22 =	simm.s32 $0xC980  }
0x5e: {  	[tilespmem:s22], [sflag:$0x1] =	stream.indirect.gather [hbm4b:s3+s10], $0x20, s21, s10, $0xb8;
	[tilespmem:$0x19E00] =	vst v63  }
0x5f: {  	s23 =	simm.s32 $0x6C8;
	s26 =	simm.s32 $0xCFC0;
	s21 =	simm.s32 $0x0  }
0x60: {  	[tilespmem:s26], [sflag:$0x1] =	stream.indirect.gather [hbm4b:s3+s10], $0x20, s23, s10, $0xb8;
	[tilespmem:$0x19E00] =	vst v63  }
.LBB2_4:
0x61: {  	_ =	swait.ge [sflag:s18], $0x640  }
0x62: {  	[sflag:s18] =	ssyncset.done $0x0  }
0x63: {  	[sflag:s18] =	ssyncadd.s32 $0xFFFFF9C0  }
0x64: {  	_ =	swait.ge [sflag:s18], $0x640  }
0x65: {  	[sflag:s18] =	ssyncset.done $0x0  }
0x66: {  	[sflag:s18] =	ssyncadd.s32 $0xFFFFF9C0  }
0x67: {  	_ =	swait.ge [sflag:s18], $0x640  }
0x68: {  	[sflag:s18] =	ssyncset.done $0x0  }
0x69: {  	[sflag:s18] =	ssyncadd.s32 $0xFFFFF9C0  }
0x6a: {  	_ =	swait.ge [sflag:s18], $0x640  }
0x6b: {  	[sflag:s18] =	ssyncset.done $0x0  }
0x6c: {  	[sflag:s18] =	ssyncadd.s32 $0xFFFFF9C0  }
0x6d: {  	_ =	swait.ge [sflag:s18], $0x640  }
0x6e: {  	[sflag:s18] =	ssyncset.done $0x0  }
0x6f: {  	[sflag:s18] =	ssyncadd.s32 $0xFFFFF9C0  }
0x70: {  	_ =	swait.ge [sflag:s18], $0x640  }
0x71: {  	[sflag:s18] =	ssyncset.done $0x0  }
0x72: {  	[sflag:s18] =	ssyncadd.s32 $0xFFFFF9C0  }
0x73: {  	_ =	swait.ge [sflag:s18], $0x640  }
0x74: {  	[sflag:s18] =	ssyncset.done $0x0  }
0x75: {  	[sflag:s18] =	ssyncadd.s32 $0xFFFFF9C0  }
0x76: {  	_ =	swait.ge [sflag:s18], $0x640  }
0x77: {  	[sflag:s18] =	ssyncset.done $0x0  }
0x78: {  	[sflag:s18] =	ssyncadd.s32 $0xFFFFF9C0  }
0x79: {  	_ =	swait.ge [sflag:s18], $0x640  }
0x7a: {  	[sflag:s18] =	ssyncset.done $0x0  }
0x7b: {  	[sflag:s18] =	ssyncadd.s32 $0xFFFFF9C0  }
0x7c: {  	_ =	swait.ge [sflag:s18], $0x640  }
0x7d: {  	[sflag:s18] =	ssyncset.done $0x0  }
0x7e: {  	[sflag:s18] =	ssyncadd.s32 $0xFFFFF9C0  }
0x7f: {  	_ =	swait.ge [sflag:s18], $0x640  }
0x80: {  	[sflag:s18] =	ssyncset.done $0x0  }
0x81: {  	[sflag:s18] =	ssyncadd.s32 $0xFFFFF9C0  }
0x82: {  	_ =	swait.ge [sflag:s18], $0x640  }
0x83: {  	[sflag:s18] =	ssyncset.done $0x0  }
0x84: {  	[sflag:s18] =	ssyncadd.s32 $0xFFFFF9C0  }
0x85: {  	_ =	swait.ge [sflag:s18], $0x640  }
0x86: {  	[sflag:s18] =	ssyncset.done $0x0  }
0x87: {  	[sflag:s18] =	ssyncadd.s32 $0xFFFFF9C0  }
0x88: {  	_ =	swait.ge [sflag:s18], $0x640  }
0x89: {  	[sflag:s18] =	ssyncset.done $0x0  }
0x8a: {  	[sflag:s18] =	ssyncadd.s32 $0xFFFFF9C0  }
0x8b: {  	_ =	swait.ge [sflag:s18], $0x640  }
0x8c: {  	[sflag:s18] =	ssyncset.done $0x0  }
0x8d: {  	[sflag:s18] =	ssyncadd.s32 $0xFFFFF9C0  }
0x8e: {  	_ =	swait.ge [sflag:s18], $0x640  }
0x8f: {  	[sflag:s18] =	ssyncset.done $0x0  }
0x90: {  	[sflag:s18] =	ssyncadd.s32 $0xFFFFF9C0  }
0x91: {  	_ =	swait.ge [sflag:s18], $0x640  }
0x92: {  	[sflag:s18] =	ssyncset.done $0x0  }
0x93: {  	[sflag:s18] =	ssyncadd.s32 $0xFFFFF9C0  }
0x94: {  	_ =	swait.ge [sflag:s18], $0x640  }
0x95: {  	[sflag:s18] =	ssyncset.done $0x0  }
0x96: {  	[sflag:s18] =	ssyncadd.s32 $0xFFFFF9C0  }
0x97: {  	_ =	swait.ge [sflag:s18], $0x640  }
0x98: {  	[sflag:s18] =	ssyncset.done $0x0  }
0x99: {  	[sflag:s18] =	ssyncadd.s32 $0xFFFFF9C0  }
0x9a: {  	_ =	swait.ge [sflag:s18], $0x640  }
0x9b: {  	[sflag:s18] =	ssyncset.done $0x0  }
0x9c: {  	[sflag:s18] =	ssyncadd.s32 $0xFFFFF9C0  }
0x9d: {  	_ =	swait.ge [sflag:s18], $0x640  }
0x9e: {  	[sflag:s18] =	ssyncset.done $0x0  }
0x9f: {  	[sflag:s18] =	ssyncadd.s32 $0xFFFFF9C0  }
0xa0: {  	_ =	swait.ge [sflag:s18], $0x640  }
0xa1: {  	[sflag:s18] =	ssyncset.done $0x0  }
0xa2: {  	[sflag:s18] =	ssyncadd.s32 $0xFFFFF9C0  }
0xa3: {  	_ =	swait.ge [sflag:s18], $0x640  }
0xa4: {  	[sflag:s18] =	ssyncset.done $0x0  }
0xa5: {  	[sflag:s18] =	ssyncadd.s32 $0xFFFFF9C0  }
0xa6: {  	_ =	swait.ge [sflag:s18], $0x640  }
0xa7: {  	[sflag:s18] =	ssyncset.done $0x0  }
0xa8: {  	[sflag:s18] =	ssyncadd.s32 $0xFFFFF9C0  }
0xa9: {  	_ =	swait.ge [sflag:s18], $0x640  }
0xaa: {  	[sflag:s18] =	ssyncset.done $0x0  }
0xab: {  	[sflag:s18] =	ssyncadd.s32 $0xFFFFF9C0  }
0xac: {  	_ =	swait.ge [sflag:s18], $0x640  }
0xad: {  	[sflag:s18] =	ssyncset.done $0x0  }
0xae: {  	[sflag:s18] =	ssyncadd.s32 $0xFFFFF9C0  }
0xaf: {  	_ =	swait.ge [sflag:s18], $0x640  }
0xb0: {  	[sflag:s18] =	ssyncset.done $0x0  }
0xb1: {  	[sflag:s18] =	ssyncadd.s32 $0xFFFFF9C0  }
0xb2: {  	_ =	swait.ge [sflag:s18], $0x640  }
0xb3: {  	[sflag:s18] =	ssyncset.done $0x0  }
0xb4: {  	[sflag:s18] =	ssyncadd.s32 $0xFFFFF9C0  }
0xb5: {  	_ =	swait.ge [sflag:s18], $0x640  }
0xb6: {  	[sflag:s18] =	ssyncset.done $0x0  }
0xb7: {  	[sflag:s18] =	ssyncadd.s32 $0xFFFFF9C0  }
0xb8: {  	_ =	swait.ge [sflag:s18], $0x640  }
0xb9: {  	[sflag:s18] =	ssyncset.done $0x0  }
0xba: {  	[sflag:s18] =	ssyncadd.s32 $0xFFFFF9C0  }
0xbb: {  	_ =	swait.ge [sflag:s18], $0x640  }
0xbc: {  	[sflag:s18] =	ssyncset.done $0x0  }
0xbd: {  	[sflag:s18] =	ssyncadd.s32 $0xFFFFF9C0  }
0xbe: {  	s21 =	sadd.s32 $0x1C0, s21;
	_ =	swait.ge [sflag:s18], $0x640  }
0xbf: {  	p0 =	sne.s32 s21, $0xE00;
	[sflag:s18] =	ssyncset.done $0x0  }
.Ltmp3:
0xc0: {  	[sflag:s18] =	ssyncadd.s32 $0xFFFFF9C0;
	(pc) =	sbr.rel @!p0 .LBB2_5-.Ltmp3, $4  }
0xc1: {  	[hbm4b:s19+s2] =	stream.linear.scatter [tilespmem:s25], [sflag:$0x3], $0xC800, $0x38;
	[tilespmem:$0x19E00] =	vst v63  }
0xc2: {  	_ =	swait.ge [sflag:s9], $0xC800  }
0xc3: {  	[sflag:s9] =	ssyncset.done $0x0  }
0xc4: {  	s20 =	sadd.s32 $0x3200, s20;
	s19 =	sadd.s32 $0x3200, s19;
	[sflag:s9] =	ssyncadd.s32 $0xFFFF3800  }
.LBB2_2:
0xc5: {  	s22 =	sadd.s32 s21, s6  }
0xc6: {  	s23 =	sadd.s32 $0xE0, s22  }
0xc7: {  	[tilespmem:s24], [sflag:$0x3] =	stream.linear.gather [hbm4b:s23+s2], $0x700, $0x38;
	[tilespmem:$0x19E00] =	vst v63  }
0xc8: {  	_ =	swait.ge [sflag:s9], $0x700  }
0xc9: {  	[sflag:s9] =	ssyncset.done $0x0  }
0xca: {  	[sflag:s9] =	ssyncadd.s32 $0xFFFFF900  }
0xcb: {  	[tilespmem:s25], [sflag:$0x2] =	stream.indirect.gather [hbm4b:s3+s10], $0x20, s24, s10, $0xb8;
	[tilespmem:$0x19E00] =	vst v63  }
0xcc: {  	s26 =	simm.s32 $0xDC40;
	s23 =	simm.s32 $0x738  }
0xcd: {  	[tilespmem:s26], [sflag:$0x2] =	stream.indirect.gather [hbm4b:s3+s10], $0x20, s23, s10, $0xb8;
	[tilespmem:$0x19E00] =	vst v63  }
0xce: {  	s23 =	simm.s32 $0x770;
	s26 =	simm.s32 $0xE280  }
0xcf: {  	[tilespmem:s26], [sflag:$0x2] =	stream.indirect.gather [hbm4b:s3+s10], $0x20, s23, s10, $0xb8;
	[tilespmem:$0x19E00] =	vst v63  }
0xd0: {  	s23 =	simm.s32 $0x7A8;
	s26 =	simm.s32 $0xE8C0  }
0xd1: {  	[tilespmem:s26], [sflag:$0x2] =	stream.indirect.gather [hbm4b:s3+s10], $0x20, s23, s10, $0xb8;
	[tilespmem:$0x19E00] =	vst v63  }
0xd2: {  	s23 =	simm.s32 $0x7E0;
	s26 =	simm.s32 $0xEF00  }
0xd3: {  	[tilespmem:s26], [sflag:$0x2] =	stream.indirect.gather [hbm4b:s3+s10], $0x20, s23, s10, $0xb8;
	[tilespmem:$0x19E00] =	vst v63  }
0xd4: {  	s23 =	simm.s32 $0x818;
	s26 =	simm.s32 $0xF540  }
0xd5: {  	[tilespmem:s26], [sflag:$0x2] =	stream.indirect.gather [hbm4b:s3+s10], $0x20, s23, s10, $0xb8;
	[tilespmem:$0x19E00] =	vst v63  }
0xd6: {  	s23 =	simm.s32 $0x850;
	s26 =	simm.s32 $0xFB80  }
0xd7: {  	[tilespmem:s26], [sflag:$0x2] =	stream.indirect.gather [hbm4b:s3+s10], $0x20, s23, s10, $0xb8;
	[tilespmem:$0x19E00] =	vst v63  }
0xd8: {  	s23 =	simm.s32 $0x888;
	s26 =	simm.s32 $0x101C0  }
0xd9: {  	[tilespmem:s26], [sflag:$0x2] =	stream.indirect.gather [hbm4b:s3+s10], $0x20, s23, s10, $0xb8;
	[tilespmem:$0x19E00] =	vst v63  }
0xda: {  	s23 =	simm.s32 $0x8C0;
	s26 =	simm.s32 $0x10800  }
0xdb: {  	[tilespmem:s26], [sflag:$0x2] =	stream.indirect.gather [hbm4b:s3+s10], $0x20, s23, s10, $0xb8;
	[tilespmem:$0x19E00] =	vst v63  }
0xdc: {  	s23 =	simm.s32 $0x8F8;
	s26 =	simm.s32 $0x10E40  }
0xdd: {  	[tilespmem:s26], [sflag:$0x2] =	stream.indirect.gather [hbm4b:s3+s10], $0x20, s23, s10, $0xb8;
	[tilespmem:$0x19E00] =	vst v63  }
0xde: {  	s23 =	simm.s32 $0x930;
	s26 =	simm.s32 $0x11480  }
0xdf: {  	[tilespmem:s26], [sflag:$0x2] =	stream.indirect.gather [hbm4b:s3+s10], $0x20, s23, s10, $0xb8;
	[tilespmem:$0x19E00] =	vst v63  }
0xe0: {  	s23 =	simm.s32 $0x968;
	s26 =	simm.s32 $0x11AC0  }
0xe1: {  	[tilespmem:s26], [sflag:$0x2] =	stream.indirect.gather [hbm4b:s3+s10], $0x20, s23, s10, $0xb8;
	[tilespmem:$0x19E00] =	vst v63  }
0xe2: {  	s23 =	simm.s32 $0x9A0;
	s26 =	simm.s32 $0x12100  }
0xe3: {  	[tilespmem:s26], [sflag:$0x2] =	stream.indirect.gather [hbm4b:s3+s10], $0x20, s23, s10, $0xb8;
	[tilespmem:$0x19E00] =	vst v63  }
0xe4: {  	s23 =	simm.s32 $0x9D8;
	s26 =	simm.s32 $0x12740  }
0xe5: {  	[tilespmem:s26], [sflag:$0x2] =	stream.indirect.gather [hbm4b:s3+s10], $0x20, s23, s10, $0xb8;
	[tilespmem:$0x19E00] =	vst v63  }
0xe6: {  	s23 =	simm.s32 $0xA10;
	s26 =	simm.s32 $0x12D80  }
0xe7: {  	[tilespmem:s26], [sflag:$0x2] =	stream.indirect.gather [hbm4b:s3+s10], $0x20, s23, s10, $0xb8;
	[tilespmem:$0x19E00] =	vst v63  }
0xe8: {  	s23 =	simm.s32 $0xA48;
	s26 =	simm.s32 $0x133C0  }
0xe9: {  	[tilespmem:s26], [sflag:$0x2] =	stream.indirect.gather [hbm4b:s3+s10], $0x20, s23, s10, $0xb8;
	[tilespmem:$0x19E00] =	vst v63  }
0xea: {  	s23 =	simm.s32 $0xA80;
	s26 =	simm.s32 $0x13A00  }
0xeb: {  	[tilespmem:s26], [sflag:$0x2] =	stream.indirect.gather [hbm4b:s3+s10], $0x20, s23, s10, $0xb8;
	[tilespmem:$0x19E00] =	vst v63  }
0xec: {  	s23 =	simm.s32 $0xAB8;
	s26 =	simm.s32 $0x14040  }
0xed: {  	[tilespmem:s26], [sflag:$0x2] =	stream.indirect.gather [hbm4b:s3+s10], $0x20, s23, s10, $0xb8;
	[tilespmem:$0x19E00] =	vst v63  }
0xee: {  	s23 =	simm.s32 $0xAF0;
	s26 =	simm.s32 $0x14680  }
0xef: {  	[tilespmem:s26], [sflag:$0x2] =	stream.indirect.gather [hbm4b:s3+s10], $0x20, s23, s10, $0xb8;
	[tilespmem:$0x19E00] =	vst v63  }
0xf0: {  	s23 =	simm.s32 $0xB28;
	s26 =	simm.s32 $0x14CC0  }
0xf1: {  	[tilespmem:s26], [sflag:$0x2] =	stream.indirect.gather [hbm4b:s3+s10], $0x20, s23, s10, $0xb8;
	[tilespmem:$0x19E00] =	vst v63  }
0xf2: {  	s23 =	simm.s32 $0xB60;
	s26 =	simm.s32 $0x15300  }
0xf3: {  	[tilespmem:s26], [sflag:$0x2] =	stream.indirect.gather [hbm4b:s3+s10], $0x20, s23, s10, $0xb8;
	[tilespmem:$0x19E00] =	vst v63  }
0xf4: {  	s23 =	simm.s32 $0xB98;
	s26 =	simm.s32 $0x15940  }
0xf5: {  	[tilespmem:s26], [sflag:$0x2] =	stream.indirect.gather [hbm4b:s3+s10], $0x20, s23, s10, $0xb8;
	[tilespmem:$0x19E00] =	vst v63  }
0xf6: {  	s23 =	simm.s32 $0xBD0;
	s26 =	simm.s32 $0x15F80  }
0xf7: {  	[tilespmem:s26], [sflag:$0x2] =	stream.indirect.gather [hbm4b:s3+s10], $0x20, s23, s10, $0xb8;
	[tilespmem:$0x19E00] =	vst v63  }
0xf8: {  	s23 =	simm.s32 $0xC08;
	s26 =	simm.s32 $0x165C0  }
0xf9: {  	[tilespmem:s26], [sflag:$0x2] =	stream.indirect.gather [hbm4b:s3+s10], $0x20, s23, s10, $0xb8;
	[tilespmem:$0x19E00] =	vst v63  }
0xfa: {  	s26 =	simm.s32 $0xC40  }
0xfb: {  	[tilespmem:s28], [sflag:$0x2] =	stream.indirect.gather [hbm4b:s3+s10], $0x20, s26, s10, $0xb8;
	[tilespmem:$0x19E00] =	vst v63  }
0xfc: {  	_ = 	snop  }
0xfd: {  	[tilespmem:s30], [sflag:$0x2] =	stream.indirect.gather [hbm4b:s3+s10], $0x20, s29, s10, $0xb8;
	[tilespmem:$0x19E00] =	vst v63  }
0xfe: {  	_ = 	snop  }
0xff: {  	[tilespmem:s1], [sflag:$0x2] =	stream.indirect.gather [hbm4b:s3+s10], $0x20, s31, s10, $0xb8;
	[tilespmem:$0x19E00] =	vst v63  }
0x100: {  	_ = 	snop  }
0x101: {  	[tilespmem:s4], [sflag:$0x2] =	stream.indirect.gather [hbm4b:s3+s10], $0x20, s0, s10, $0xb8;
	[tilespmem:$0x19E00] =	vst v63  }
0x102: {  	_ = 	snop  }
0x103: {  	[tilespmem:s7], [sflag:$0x2] =	stream.indirect.gather [hbm4b:s3+s10], $0x20, s5, s10, $0xb8;
	[tilespmem:$0x19E00] =	vst v63  }
0x104: {  	_ = 	snop  }
0x105: {  	[tilespmem:s12], [sflag:$0x2] =	stream.indirect.gather [hbm4b:s3+s10], $0x20, s8, s10, $0xb8;
	[tilespmem:$0x19E00] =	vst v63  }
0x106: {  	_ = 	snop  }
0x107: {  	[tilespmem:s14], [sflag:$0x2] =	stream.indirect.gather [hbm4b:s3+s10], $0x20, s13, s10, $0xb8;
	[tilespmem:$0x19E00] =	vst v63  }
0x108: {  	_ = 	snop  }
0x109: {  	[tilespmem:s16], [sflag:$0x2] =	stream.indirect.gather [hbm4b:s3+s10], $0x20, s15, s10, $0xb8;
	[tilespmem:$0x19E00] =	vst v63  }
0x10a: {  	_ =	swait.ge [sflag:s17], $0x640  }
0x10b: {  	[sflag:s17] =	ssyncset.done $0x0  }
0x10c: {  	[sflag:s17] =	ssyncadd.s32 $0xFFFFF9C0  }
0x10d: {  	_ =	swait.ge [sflag:s17], $0x640  }
0x10e: {  	[sflag:s17] =	ssyncset.done $0x0  }
0x10f: {  	[sflag:s17] =	ssyncadd.s32 $0xFFFFF9C0  }
0x110: {  	_ =	swait.ge [sflag:s17], $0x640  }
0x111: {  	[sflag:s17] =	ssyncset.done $0x0  }
0x112: {  	[sflag:s17] =	ssyncadd.s32 $0xFFFFF9C0  }
0x113: {  	_ =	swait.ge [sflag:s17], $0x640  }
0x114: {  	[sflag:s17] =	ssyncset.done $0x0  }
0x115: {  	[sflag:s17] =	ssyncadd.s32 $0xFFFFF9C0  }
0x116: {  	_ =	swait.ge [sflag:s17], $0x640  }
0x117: {  	[sflag:s17] =	ssyncset.done $0x0  }
0x118: {  	[sflag:s17] =	ssyncadd.s32 $0xFFFFF9C0  }
0x119: {  	_ =	swait.ge [sflag:s17], $0x640  }
0x11a: {  	[sflag:s17] =	ssyncset.done $0x0  }
0x11b: {  	[sflag:s17] =	ssyncadd.s32 $0xFFFFF9C0  }
0x11c: {  	_ =	swait.ge [sflag:s17], $0x640  }
0x11d: {  	[sflag:s17] =	ssyncset.done $0x0  }
0x11e: {  	[sflag:s17] =	ssyncadd.s32 $0xFFFFF9C0  }
0x11f: {  	_ =	swait.ge [sflag:s17], $0x640  }
0x120: {  	[sflag:s17] =	ssyncset.done $0x0  }
0x121: {  	[sflag:s17] =	ssyncadd.s32 $0xFFFFF9C0  }
0x122: {  	_ =	swait.ge [sflag:s17], $0x640  }
0x123: {  	[sflag:s17] =	ssyncset.done $0x0  }
0x124: {  	[sflag:s17] =	ssyncadd.s32 $0xFFFFF9C0  }
0x125: {  	_ =	swait.ge [sflag:s17], $0x640  }
0x126: {  	[sflag:s17] =	ssyncset.done $0x0  }
0x127: {  	[sflag:s17] =	ssyncadd.s32 $0xFFFFF9C0  }
0x128: {  	_ =	swait.ge [sflag:s17], $0x640  }
0x129: {  	[sflag:s17] =	ssyncset.done $0x0  }
0x12a: {  	[sflag:s17] =	ssyncadd.s32 $0xFFFFF9C0  }
0x12b: {  	_ =	swait.ge [sflag:s17], $0x640  }
0x12c: {  	[sflag:s17] =	ssyncset.done $0x0  }
0x12d: {  	[sflag:s17] =	ssyncadd.s32 $0xFFFFF9C0  }
0x12e: {  	_ =	swait.ge [sflag:s17], $0x640  }
0x12f: {  	[sflag:s17] =	ssyncset.done $0x0  }
0x130: {  	[sflag:s17] =	ssyncadd.s32 $0xFFFFF9C0  }
0x131: {  	_ =	swait.ge [sflag:s17], $0x640  }
0x132: {  	[sflag:s17] =	ssyncset.done $0x0  }
0x133: {  	[sflag:s17] =	ssyncadd.s32 $0xFFFFF9C0  }
0x134: {  	_ =	swait.ge [sflag:s17], $0x640  }
0x135: {  	[sflag:s17] =	ssyncset.done $0x0  }
0x136: {  	[sflag:s17] =	ssyncadd.s32 $0xFFFFF9C0  }
0x137: {  	_ =	swait.ge [sflag:s17], $0x640  }
0x138: {  	[sflag:s17] =	ssyncset.done $0x0  }
0x139: {  	[sflag:s17] =	ssyncadd.s32 $0xFFFFF9C0  }
0x13a: {  	_ =	swait.ge [sflag:s17], $0x640  }
0x13b: {  	[sflag:s17] =	ssyncset.done $0x0  }
0x13c: {  	[sflag:s17] =	ssyncadd.s32 $0xFFFFF9C0  }
0x13d: {  	_ =	swait.ge [sflag:s17], $0x640  }
0x13e: {  	[sflag:s17] =	ssyncset.done $0x0  }
0x13f: {  	[sflag:s17] =	ssyncadd.s32 $0xFFFFF9C0  }
0x140: {  	_ =	swait.ge [sflag:s17], $0x640  }
0x141: {  	[sflag:s17] =	ssyncset.done $0x0  }
0x142: {  	[sflag:s17] =	ssyncadd.s32 $0xFFFFF9C0  }
0x143: {  	_ =	swait.ge [sflag:s17], $0x640  }
0x144: {  	[sflag:s17] =	ssyncset.done $0x0  }
0x145: {  	[sflag:s17] =	ssyncadd.s32 $0xFFFFF9C0  }
0x146: {  	_ =	swait.ge [sflag:s17], $0x640  }
0x147: {  	[sflag:s17] =	ssyncset.done $0x0  }
0x148: {  	[sflag:s17] =	ssyncadd.s32 $0xFFFFF9C0  }
0x149: {  	_ =	swait.ge [sflag:s17], $0x640  }
0x14a: {  	[sflag:s17] =	ssyncset.done $0x0  }
0x14b: {  	[sflag:s17] =	ssyncadd.s32 $0xFFFFF9C0  }
0x14c: {  	_ =	swait.ge [sflag:s17], $0x640  }
0x14d: {  	[sflag:s17] =	ssyncset.done $0x0  }
0x14e: {  	[sflag:s17] =	ssyncadd.s32 $0xFFFFF9C0  }
0x14f: {  	_ =	swait.ge [sflag:s17], $0x640  }
0x150: {  	[sflag:s17] =	ssyncset.done $0x0  }
0x151: {  	[sflag:s17] =	ssyncadd.s32 $0xFFFFF9C0  }
0x152: {  	_ =	swait.ge [sflag:s17], $0x640  }
0x153: {  	[sflag:s17] =	ssyncset.done $0x0  }
0x154: {  	[sflag:s17] =	ssyncadd.s32 $0xFFFFF9C0  }
0x155: {  	_ =	swait.ge [sflag:s17], $0x640  }
0x156: {  	[sflag:s17] =	ssyncset.done $0x0  }
0x157: {  	[sflag:s17] =	ssyncadd.s32 $0xFFFFF9C0  }
0x158: {  	_ =	swait.ge [sflag:s17], $0x640  }
0x159: {  	[sflag:s17] =	ssyncset.done $0x0  }
0x15a: {  	[sflag:s17] =	ssyncadd.s32 $0xFFFFF9C0  }
0x15b: {  	_ =	swait.ge [sflag:s17], $0x640  }
0x15c: {  	[sflag:s17] =	ssyncset.done $0x0  }
0x15d: {  	[sflag:s17] =	ssyncadd.s32 $0xFFFFF9C0  }
0x15e: {  	_ =	swait.ge [sflag:s17], $0x640  }
0x15f: {  	[sflag:s17] =	ssyncset.done $0x0  }
0x160: {  	[sflag:s17] =	ssyncadd.s32 $0xFFFFF9C0  }
0x161: {  	_ =	swait.ge [sflag:s17], $0x640  }
0x162: {  	[sflag:s17] =	ssyncset.done $0x0  }
0x163: {  	[sflag:s17] =	ssyncadd.s32 $0xFFFFF9C0  }
0x164: {  	_ =	swait.ge [sflag:s17], $0x640  }
0x165: {  	[sflag:s17] =	ssyncset.done $0x0  }
0x166: {  	[sflag:s17] =	ssyncadd.s32 $0xFFFFF9C0  }
0x167: {  	_ =	swait.ge [sflag:s17], $0x640  }
0x168: {  	p0 =	seq.s32 s21, $0xC40;
	[sflag:s17] =	ssyncset.done $0x0  }
.Ltmp4:
0x169: {  	[sflag:s17] =	ssyncadd.s32 $0xFFFFF9C0;
	(pc) =	sbr.rel @p0 .LBB2_4-.Ltmp4, $4  }
0x16a: {  	[hbm4b:s20+s2] =	stream.linear.scatter [tilespmem:s11], [sflag:$0x3], $0xC800, $0x38;
	[tilespmem:$0x19E00] =	vst v63  }
0x16b: {  	_ =	swait.ge [sflag:s9], $0xC800  }
0x16c: {  	[sflag:s9] =	ssyncset.done $0x0  }
0x16d: {  	[sflag:s9] =	ssyncadd.s32 $0xFFFF3800  }
0x16e: {  	s22 =	sadd.s32 $0x1C0, s22  }
0x16f: {  	[tilespmem:s2], [sflag:$0x3] =	stream.linear.gather [hbm4b:s22+s2], $0x700, $0x38;
	[tilespmem:$0x19E00] =	vst v63  }
0x170: {  	_ =	swait.ge [sflag:s9], $0x700  }
0x171: {  	[sflag:s9] =	ssyncset.done $0x0  }
0x172: {  	[sflag:s9] =	ssyncadd.s32 $0xFFFFF900  }
0x173: {  	[tilespmem:s11], [sflag:$0x1] =	stream.indirect.gather [hbm4b:s3+s10], $0x20, s2, s10, $0xb8;
	[tilespmem:$0x19E00] =	vst v63  }
0x174: {  	s26 =	simm.s32 $0x38;
	s23 =	simm.s32 $0x1440  }
0x175: {  	[tilespmem:s23], [sflag:$0x1] =	stream.indirect.gather [hbm4b:s3+s10], $0x20, s26, s10, $0xb8;
	[tilespmem:$0x19E00] =	vst v63  }
0x176: {  	s23 =	simm.s32 $0x70;
	s26 =	simm.s32 $0x1A80  }
0x177: {  	[tilespmem:s26], [sflag:$0x1] =	stream.indirect.gather [hbm4b:s3+s10], $0x20, s23, s10, $0xb8;
	[tilespmem:$0x19E00] =	vst v63  }
0x178: {  	s23 =	simm.s32 $0xA8;
	s26 =	simm.s32 $0x20C0  }
0x179: {  	[tilespmem:s26], [sflag:$0x1] =	stream.indirect.gather [hbm4b:s3+s10], $0x20, s23, s10, $0xb8;
	[tilespmem:$0x19E00] =	vst v63  }
0x17a: {  	s23 =	simm.s32 $0xE0;
	s26 =	simm.s32 $0x2700  }
0x17b: {  	[tilespmem:s26], [sflag:$0x1] =	stream.indirect.gather [hbm4b:s3+s10], $0x20, s23, s10, $0xb8;
	[tilespmem:$0x19E00] =	vst v63  }
0x17c: {  	s23 =	simm.s32 $0x118;
	s26 =	simm.s32 $0x2D40  }
0x17d: {  	[tilespmem:s26], [sflag:$0x1] =	stream.indirect.gather [hbm4b:s3+s10], $0x20, s23, s10, $0xb8;
	[tilespmem:$0x19E00] =	vst v63  }
0x17e: {  	s23 =	simm.s32 $0x150;
	s26 =	simm.s32 $0x3380  }
0x17f: {  	[tilespmem:s26], [sflag:$0x1] =	stream.indirect.gather [hbm4b:s3+s10], $0x20, s23, s10, $0xb8;
	[tilespmem:$0x19E00] =	vst v63  }
0x180: {  	s23 =	simm.s32 $0x188;
	s26 =	simm.s32 $0x39C0  }
0x181: {  	[tilespmem:s26], [sflag:$0x1] =	stream.indirect.gather [hbm4b:s3+s10], $0x20, s23, s10, $0xb8;
	[tilespmem:$0x19E00] =	vst v63  }
0x182: {  	s23 =	simm.s32 $0x1C0;
	s26 =	simm.s32 $0x4000  }
0x183: {  	[tilespmem:s26], [sflag:$0x1] =	stream.indirect.gather [hbm4b:s3+s10], $0x20, s23, s10, $0xb8;
	[tilespmem:$0x19E00] =	vst v63  }
0x184: {  	s23 =	simm.s32 $0x1F8;
	s26 =	simm.s32 $0x4640  }
0x185: {  	[tilespmem:s26], [sflag:$0x1] =	stream.indirect.gather [hbm4b:s3+s10], $0x20, s23, s10, $0xb8;
	[tilespmem:$0x19E00] =	vst v63  }
0x186: {  	s23 =	simm.s32 $0x230;
	s26 =	simm.s32 $0x4C80  }
0x187: {  	[tilespmem:s26], [sflag:$0x1] =	stream.indirect.gather [hbm4b:s3+s10], $0x20, s23, s10, $0xb8;
	[tilespmem:$0x19E00] =	vst v63  }
0x188: {  	s23 =	simm.s32 $0x268;
	s26 =	simm.s32 $0x52C0  }
0x189: {  	[tilespmem:s26], [sflag:$0x1] =	stream.indirect.gather [hbm4b:s3+s10], $0x20, s23, s10, $0xb8;
	[tilespmem:$0x19E00] =	vst v63  }
0x18a: {  	s23 =	simm.s32 $0x2A0;
	s26 =	simm.s32 $0x5900  }
0x18b: {  	[tilespmem:s26], [sflag:$0x1] =	stream.indirect.gather [hbm4b:s3+s10], $0x20, s23, s10, $0xb8;
	[tilespmem:$0x19E00] =	vst v63  }
0x18c: {  	s23 =	simm.s32 $0x2D8;
	s26 =	simm.s32 $0x5F40  }
0x18d: {  	[tilespmem:s26], [sflag:$0x1] =	stream.indirect.gather [hbm4b:s3+s10], $0x20, s23, s10, $0xb8;
	[tilespmem:$0x19E00] =	vst v63  }
0x18e: {  	s23 =	simm.s32 $0x310;
	s26 =	simm.s32 $0x6580  }
0x18f: {  	[tilespmem:s26], [sflag:$0x1] =	stream.indirect.gather [hbm4b:s3+s10], $0x20, s23, s10, $0xb8;
	[tilespmem:$0x19E00] =	vst v63  }
0x190: {  	s23 =	simm.s32 $0x348;
	s26 =	simm.s32 $0x6BC0  }
0x191: {  	[tilespmem:s26], [sflag:$0x1] =	stream.indirect.gather [hbm4b:s3+s10], $0x20, s23, s10, $0xb8;
	[tilespmem:$0x19E00] =	vst v63  }
0x192: {  	s23 =	simm.s32 $0x380;
	s26 =	simm.s32 $0x7200  }
0x193: {  	[tilespmem:s26], [sflag:$0x1] =	stream.indirect.gather [hbm4b:s3+s10], $0x20, s23, s10, $0xb8;
	[tilespmem:$0x19E00] =	vst v63  }
0x194: {  	s23 =	simm.s32 $0x3B8;
	s26 =	simm.s32 $0x7840  }
0x195: {  	[tilespmem:s26], [sflag:$0x1] =	stream.indirect.gather [hbm4b:s3+s10], $0x20, s23, s10, $0xb8;
	[tilespmem:$0x19E00] =	vst v63  }
0x196: {  	s23 =	simm.s32 $0x3F0;
	s26 =	simm.s32 $0x7E80  }
0x197: {  	[tilespmem:s26], [sflag:$0x1] =	stream.indirect.gather [hbm4b:s3+s10], $0x20, s23, s10, $0xb8;
	[tilespmem:$0x19E00] =	vst v63  }
0x198: {  	s23 =	simm.s32 $0x428;
	s26 =	simm.s32 $0x84C0  }
0x199: {  	[tilespmem:s26], [sflag:$0x1] =	stream.indirect.gather [hbm4b:s3+s10], $0x20, s23, s10, $0xb8;
	[tilespmem:$0x19E00] =	vst v63  }
0x19a: {  	s23 =	simm.s32 $0x460;
	s26 =	simm.s32 $0x8B00  }
0x19b: {  	[tilespmem:s26], [sflag:$0x1] =	stream.indirect.gather [hbm4b:s3+s10], $0x20, s23, s10, $0xb8;
	[tilespmem:$0x19E00] =	vst v63  }
0x19c: {  	s23 =	simm.s32 $0x498;
	s26 =	simm.s32 $0x9140  }
0x19d: {  	[tilespmem:s26], [sflag:$0x1] =	stream.indirect.gather [hbm4b:s3+s10], $0x20, s23, s10, $0xb8;
	[tilespmem:$0x19E00] =	vst v63  }
0x19e: {  	s23 =	simm.s32 $0x4D0;
	s26 =	simm.s32 $0x9780  }
0x19f: {  	[tilespmem:s26], [sflag:$0x1] =	stream.indirect.gather [hbm4b:s3+s10], $0x20, s23, s10, $0xb8;
	[tilespmem:$0x19E00] =	vst v63  }
0x1a0: {  	s23 =	simm.s32 $0x508;
	s26 =	simm.s32 $0x9DC0  }
0x1a1: {  	[tilespmem:s26], [sflag:$0x1] =	stream.indirect.gather [hbm4b:s3+s10], $0x20, s23, s10, $0xb8;
	[tilespmem:$0x19E00] =	vst v63  }
0x1a2: {  	s23 =	simm.s32 $0x540;
	s26 =	simm.s32 $0xA400  }
0x1a3: {  	[tilespmem:s26], [sflag:$0x1] =	stream.indirect.gather [hbm4b:s3+s10], $0x20, s23, s10, $0xb8;
	[tilespmem:$0x19E00] =	vst v63  }
0x1a4: {  	s23 =	simm.s32 $0x578;
	s26 =	simm.s32 $0xAA40  }
0x1a5: {  	[tilespmem:s26], [sflag:$0x1] =	stream.indirect.gather [hbm4b:s3+s10], $0x20, s23, s10, $0xb8;
	[tilespmem:$0x19E00] =	vst v63  }
0x1a6: {  	s23 =	simm.s32 $0x5B0;
	s26 =	simm.s32 $0xB080  }
0x1a7: {  	[tilespmem:s26], [sflag:$0x1] =	stream.indirect.gather [hbm4b:s3+s10], $0x20, s23, s10, $0xb8;
	[tilespmem:$0x19E00] =	vst v63  }
0x1a8: {  	s23 =	simm.s32 $0x5E8;
	s26 =	simm.s32 $0xB6C0  }
0x1a9: {  	[tilespmem:s26], [sflag:$0x1] =	stream.indirect.gather [hbm4b:s3+s10], $0x20, s23, s10, $0xb8;
	[tilespmem:$0x19E00] =	vst v63  }
0x1aa: {  	s23 =	simm.s32 $0x620;
	s26 =	simm.s32 $0xBD00  }
0x1ab: {  	[tilespmem:s26], [sflag:$0x1] =	stream.indirect.gather [hbm4b:s3+s10], $0x20, s23, s10, $0xb8;
	[tilespmem:$0x19E00] =	vst v63  }
0x1ac: {  	s23 =	simm.s32 $0x658;
	s26 =	simm.s32 $0xC340  }
0x1ad: {  	[tilespmem:s26], [sflag:$0x1] =	stream.indirect.gather [hbm4b:s3+s10], $0x20, s23, s10, $0xb8;
	[tilespmem:$0x19E00] =	vst v63  }
.Ltmp5:
0x1ae: {  	_ = 	snop;
	(pc) =	sbr.rel .LBB2_4-.Ltmp5, $4  }
0x1af: {  	s23 =	simm.s32 $0x690;
	s26 =	simm.s32 $0xC980  }
0x1b0: {  	[tilespmem:s26], [sflag:$0x1] =	stream.indirect.gather [hbm4b:s3+s10], $0x20, s23, s10, $0xb8;
	[tilespmem:$0x19E00] =	vst v63  }
0x1b1: {  	s23 =	simm.s32 $0x6C8;
	s26 =	simm.s32 $0xCFC0  }
0x1b2: {  	[tilespmem:s26], [sflag:$0x1] =	stream.indirect.gather [hbm4b:s3+s10], $0x20, s23, s10, $0xb8;
	[tilespmem:$0x19E00] =	vst v63  }
.LBB2_6:
0x1b3: {  	_ =	sfence.sel $0x180000  }
0x1b4: {  	[bflag:$0x0] =	sbarrier.arrive $0xFFFF  }
0x1b5: {  	_ =	strace $0x90000047  }
0x1b6: {  	s0 =	stileid.u32;
	[bflag:$0x2] =	sbarrier.arrive $0xFFFF  }
0x1b7: {  	p0 =	sne.s32 s0, $0x0;
	s0 =	rddreg [dreg:$0x2]  }
0x1b8: {  	s0 =	sadd.s32 @!p0 $0x100000, s0  }
0x1b9: {  	[sflag:s0] =	ssyncadd.tile.s32 @!p0 $0x1;
	_ =	shalt  }
.Lfunc_end2:
_tile_overlayer_lowered:
.L_overlay_start_2:
0x1ba: {  	(tag) =	ssettag $0x2  }
0x1bb: {  	s0 =	rddreg [dreg:$0x0];
	s2 =	stileid.u32  }
0x1bc: {  	s1 =	rddreg [dreg:$0x1];
	p0 =	sne.s32 s2, $0x0  }
0x1bd: {  	s3 =	rddreg [dreg:$0x2];
	[bflag:$0x3] =	sbarrier.arrive $0xFFFF;
	s2 =	simm.s32 @!p0 $0x1C03  }
0x1be: {  	[timem:s3], [sflag:s2] =	dma.local @!p0 [hbm:s0], s1  }
0x1bf: {  	s0 =	simm.s32 @!p0 $0x3  }
0x1c0: {  	_ =	swait.ge @!p0 [sflag:s0], s1  }
0x1c1: {  	s1 =	ssub.s32 @!p0 $0x0, s1;
	[sflag:s0] =	ssyncset.done @!p0 $0x0  }
0x1c2: {  	[sflag:s0] =	ssyncadd.s32 @!p0 s1  }
0x1c3: {  	[bflag:$0x3] =	sbarrier.arrive $0xFFFF  }
0x1c4: {  	_ =	shalt  }

// kernel: sparse-core-data-format-call.1.cloned.1.call-start
scs
called_computation.1_lowered:
.L_overlay_start_0:
0x0: {  	s2 =	sld [smem:$0x3FD9]  }
0x1: {  	s3 =	sld [smem:$0x3FFE];
	_ =	sdelay $0x1  }
0x2: {  	s1 =	srdreg.scid  }
0x3: {  	s0 =	sand.u32 $0x1, s1  }
0x4: {  	s18 =	sshll.u32 s0, $0xA;
	s2 =	sadd.s32 s3, s2  }
0x5: {  	s2 =	sadd.s32 s2, s18  }
0x6: {  	[smem:$0x3FC6] =	sst s2  }
0x7: {  	_ = 	snop  }
0x8: {  	s2 =	sld [smem:$0x3FD0];
	(tm) =	ssettm $0x1  }
0x9: {  	s19 =	sld [smem:$0x3FFB];
	_ =	sdelay $0x3  }
0xa: {  	_ =	strace s19  }
0xb: {  	s3 =	sld [smem:$0x3FFC];
	_ =	sdelay $0x3  }
0xc: {  	_ =	strace s3  }
0xd: {  	s3 =	sld [smem:$0x3FFD];
	_ =	sdelay $0x3  }
0xe: {  	_ =	strace s3  }
0xf: {  	_ =	strace $0x8FFFFFFF  }
0x10: {  	s20 =	sld [smem:$0x3FDB];
	_ =	sdelay $0x1  }
0x11: {  	s4 =	simm.s32 $_scs_section_size  }
0x12: {  	s5 =	simm.s32 $_size__tile_overlayer_lowered;
	s6 =	simm.s32 $_tile_overlayer_lowered  }
0x13: {  	s23 =	simm.s32 $0x1BFF;
	s22 =	sshll.u32 s6, $0x1;
	s3 =	sadd.s32 s4, s20  }
0x14: {  	s7 =	simm.s32 $0x0;
	s21 =	sshll.u32 s5, $0x1;
	s5 =	sadd.s32 s22, s3  }
0x15: {  	[timem:s7], [sflag:s23] =	dma.local [hbm:s5], s21  }
0x16: {  	_ =	swait.ge [sflag:s23], s21  }
0x17: {  	s4 =	ssub.s32 $0x0, s21;
	[sflag:s23] =	ssyncset.done $0x0  }
0x18: {  	[sflag:s23] =	ssyncadd.s32 s4;
	_ =	sdelay $0x1  }
0x19: {  	s24 =	simm.s32 $0x1B8B  }
0x1a: {  	_ =	swait.ge [sflag:s24], $0x1  }
0x1b: {  	[sflag:s24] =	ssyncset.done $0x0  }
0x1c: {  	s26 =	simm.s32 $0x1B8E;
	s25 =	sld [smem:$0x3FFE];
	[sflag:s24] =	ssyncadd.s32 $0xFFFFFFFF  }
0x1d: {  	s27 =	simm.s32 $execute0_lowered;
	[smem:$0x3FD2] =	sst s26  }
0x1e: {  	s5 =	sshll.u32 s27, $0x1;
	_ =	strace $0x80000049;
	[dreg:$0x1] =	wrdreg $0xFFFFFFFF  }
0x1f: {  	s28 =	simm.s32 $_size_execute0_lowered;
	s3 =	sadd.s32 s3, s5;
	[dreg:$0x0] =	wrdreg $0x0  }
0x20: {  	s5 =	sshll.u32 s28, $0x1;
	[dreg:$0x2] =	wrdreg s3  }
0x21: {  	[dreg:$0x3] =	wrdreg s5  }
0x22: {  	[dreg:$0x4] =	wrdreg $0xC0  }
0x23: {  	_ =	task [dreg:s7], $0x5FFFF  }
0x24: {  	[dreg:$0x1] =	wrdreg $0xFFFFFFFF  }
0x25: {  	[dreg:$0x0] =	wrdreg $0x60  }
0x26: {  	[dreg:$0x2] =	wrdreg s25  }
0x27: {  	[dreg:$0x3] =	wrdreg s2  }
0x28: {  	[dreg:$0x4] =	wrdreg $0x9  }
0x29: {  	_ =	task.clear_ibuf [dreg:s7], $0x5FFFF;
	_ =	strace $0x90000049  }
0x2a: {  	s29 =	simm.s32 $0x9;
	_ =	strace $0x8000004B  }
0x2b: {  	_ =	swait.ge [sflag:s29], $0x1  }
0x2c: {  	[sflag:s29] =	ssyncadd.s32 $0xFFFFFFFF  }
0x2d: {  	_ =	strace $0x9000004B  }
0x2e: {  	_ =	sfence  }
0x2f: {  	s30 =	sld [smem:$0x0];
	_ =	sdelay $0x2  }
0x30: {  	s31 =	sshll.u32 s1, $0xD;
	s1 =	sshrl.u32 s1, $0x2  }
0x31: {  	s3 =	sand.u32 $0x4000, s31;
	s1 =	sadd.s32 s1, s30  }
0x32: {  	s0 =	sor.u32 s3, s0;
	s1 =	sshll.u32 s1, $0x11  }
0x33: {  	s0 =	sor.u32 s1, s0  }
0x34: {  	s0 =	sadd.s32 $0x8F2B, s0  }
0x35: {  	[sflag:s0] =	ssyncadd.remote.s32 $0x1  }
0x36: {  	_ =	sfence.sel $0xFFFF  }
0x37: {  	[dreg:$0x0] =	wrdreg $0xFFFFFFFF;
	(pc) =	sbr.abs _section_cstart, $3  }
0x38: {  	[dreg:$0x1] =	wrdreg $0xFFFFFFFF  }
0x39: {  	_ =	task.clear_ibuf [dreg:s7], $0x2FFFF;
	_ =	strace $0x9FFFFFFF  }
0x3a: {  	(tm) =	ssettm $0x7FFFFFFF  }
0x3b: {  	_ =	shalt  }
tec
execute0_lowered:
.L_overlay_start_1:
0x0: {  	(tag) =	ssettag $0x1  }
0x1: {  	s0 =	srdreg.scid  }
0x2: {  	s1 =	sshll.u32 s0, $0x4  }
0x3: {  	s4 =	rddreg [dreg:$0x0];
	s0 =	stileid.u32;
	s1 =	sand.u32 $0x10, s1  }
0x4: {  	s2 =	rddreg [dreg:$0x1];
	s7 =	simm.s32 $0x1;
	s1 =	sor.u32 s0, s1  }
0x5: {  	s8 =	simm.s32 $0x2;
	s11 =	simm.s32 $0x0;
	s3 =	sshll.u32 s1, $0x7  }
0x6: {  	s10 =	simm.s32 $0x0;
	s4 =	sadd.s32 $0xE00, s4;
	s6 =	ssub.s32 $0xC8000, s3  }
.Ltmp0:
0x7: {  	s1 =	rddreg [dreg:$0x2];
	s5 =	sand.u32 $0xF80, s6;
	(pc) =	sbr.rel .LBB1_1-.Ltmp0, $4  }
0x8: {  	_ =	strace $0x8000004A;
	s9 =	smov.u32 s3;
	p0 =	sne.s32 s5, $0x0  }
0x9: {  	s6 =	sshrl.u32 s6, $0xC;
	s5 =	simm.s32 $0x1;
	s7 =	simm.s32 @!p0 $0x0  }
0xa: {  	[sflag:s5] =	ssyncpa.u1 $0x0;
	p0 =	por $0x0, $0x0;
	s6 =	sadd.s32 s7, s6  }
0xb: {  	[sflag:s8] =	ssyncpa.u1 $0x0;
	s8 =	simm.s32 $0x640000;
	s7 =	sadd.s32 $0x1, s6  }
.LBB1_4:
0xc: {  	s14 =	sshll.u32 s11, $0x3  }
0xd: {  	s30 =	sand.u32 $0x7F, s11;
	s15 =	sand.u32 $0xFFFFFC00, s14  }
0xe: {  	s11 =	sor.u32 s30, s15  }
0xf: {  	s15 =	smulhi.u32 $0x51EB851F, s11  }
0x10: {  	s14 =	smulhi.u32 $0x51EB851F, s14  }
0x11: {  	s15 =	sshrl.u32 s15, $0x12  }
0x12: {  	s14 =	sshrl.u32 s14, $0x12;
	s15 =	smul.u32 $0xC8000, s15  }
0x13: {  	s14 =	sand.u32 $0x1F, s14  }
0x14: {  	s14 =	smul.u32 $0x19000, s14;
	s11 =	ssub.s32 s11, s15  }
0x15: {  	s15 =	sand.u32 $0x7, s11  }
0x16: {  	s14 =	sadd.s32 s2, s14;
	s11 =	sshrl.u32 s11, $0x3;
	s15 =	sshll.u32 s15, $0x12  }
0x17: {  	[tilespmem:s13+$0x0 ss:$0x81] =	vst.msk $0xffff, v0;
	s11 =	sadd.s32 s11, s14;
	s31 =	sor.u32 $0x400, s15  }
0x18: {  	[hbm4b:s11+s31] =	stream.strided.scatter [tilespmem:s12], [sflag:$0x2], $0x1000, s8, s31, $0x20;
	[tilespmem:$0x4040] =	vst v63  }
.LBB1_5:
0x19: {  	s13 =	sadd.s32 $0x1000, s9  }
0x1a: {  	p2 =	sgt.s32 s13, $0xC7FFF  }
0x1b: {  	s13 =	smov.u32 @p2 s3;
	p2 =	sne.s32 s10, s7  }
.Ltmp1:
0x1c: {  	p1 =	slt.u32 s10, $0x2;
	(pc) =	sbr.rel @!p2 .LBB1_6-.Ltmp1, $4  }
0x1d: {  	s12 =	simm.s32 @!p1 $0x2  }
0x1e: {  	s14 =	sadd.s32 $0x1, s10;
	_ =	swait.ge @!p1 [sflag:s12], $0x1000  }
0x1f: {  	s11 =	smov.u32 s9;
	p0 =	por !p0, !p0;
	[sflag:s12] =	ssyncset.done @!p1 $0x0  }
0x20: {  	s10 =	smov.u32 s14;
	s9 =	smov.u32 s13;
	[sflag:s12] =	ssyncadd.s32 @!p1 $0xFFFFF000  }
.LBB1_1:
0x21: {  	p1 =	sge.u32 s10, s6  }
0x22: {  	s12 =	sand.u32 @!p1 $0x1FFFFFF, s9  }
0x23: {  	s13 =	smulhi.u32 @!p1 $0x147AE15, s12;
	_ =	sdelay $0x1  }
0x24: {  	s13 =	sshrl.u32 @!p1 s13, $0xC  }
0x25: {  	s13 =	smul.u32 @!p1 $0xC8000, s13;
	_ =	sdelay $0x1  }
0x26: {  	s31 =	sadd.s32 $0xFFFFFFFF, s10;
	s14 =	sxor.u32 @!p1 $0xFFFFFFFF, s10;
	s12 =	ssub.s32 @!p1 s12, s13  }
0x27: {  	s15 =	simm.s32 @!p1 $0x80;
	s14 =	sshll.u32 @!p1 s14, $0xC;
	s12 =	sshll.u32 @!p1 s12, $0x4  }
0x28: {  	s13 =	sand.u32 @!p1 $0x1000, s14;
	s14 =	simm.s32 @!p1 $0x20;
	s12 =	sadd.s32 @!p1 s4, s12  }
0x29: {  	[tilespmem:s13], [sflag:$0x1] =	stream.strided.gather @!p1 [hbm4b:s12+s14], $0x1000, s15, s14, $0x38;
	[tilespmem:$0x4040] =	vst v63  }
0x2a: {  	p1 =	sge.u32 s31, s6  }
.Ltmp2:
0x2b: {  	_ = 	snop;
	(pc) =	sbr.rel @p1 .LBB1_5-.Ltmp2, $1  }
0x2c: {  	_ =	sdelay $0x3  }
0x2d: {  	s12 =	simm.s32 $0x1  }
0x2e: {  	_ =	swait.ge [sflag:s5], $0x1000;
	s12 =	simm.s32 @!p0 $0x0  }
0x2f: {  	[sflag:s5] =	ssyncset.done $0x0;
	s13 =	sshll.u32 s12, $0xC  }
0x30: {  	[sflag:s5] =	ssyncadd.s32 $0xFFFFF000;
	s16 =	sor.u32 $0x10, s13  }
0x31: {  	s12 =	smul.u32 $0x4080, s12;
	v1 =	vld [tilespmem:s16+$0x0]  }
0x32: {  	s30 =	sand.u32 $0x1, s10;
	v0 =	vld [tilespmem:s16+$0xFFFFFFF0]  }
0x33: {  	s13 =	smul.u32 $0x4080, s30;
	s12 =	sshrl.u32 s12, $0x2  }
0x34: {  	s14 =	sor.u32 $0x2000, s12  }
0x35: {  	s31 =	sshrl.u32 s13, $0x2;
	s13 =	sadd.s32 $0x0, s14  }
0x36: {  	s15 =	simm.s32 $0x4;
	s16 =	sadd.s32 $0x20, s16;
	s12 =	sor.u32 $0x2000, s31;
	[tilespmem:s13+$0x810 ss:$0x81] =	vst.msk $0xffff, v1  }
.LBB1_3:
0x37: {  	v1 =	vld [tilespmem:s16+$0x0];
	p1 =	sne.s32 s15, $0x1FC;
	[tilespmem:s13+$0x0 ss:$0x81] =	vst.msk $0xffff, v0;
	s13 =	smov.u32 s15;
	s15 =	sadd.s32 $0x4, s15  }
.Ltmp3:
0x38: {  	v0 =	vld [tilespmem:s16+$0xFFFFFFF0];
	(pc) =	sbr.rel @p1 .LBB1_3-.Ltmp3, $4  }
0x39: {  	_ = 	snop  }
0x3a: {  	s13 =	sshra.s32 s13, $0x2  }
0x3b: {  	s13 =	sadd.s32 s13, s14  }
0x3c: {  	s16 =	sadd.s32 $0x20, s16;
	[tilespmem:s13+$0x810 ss:$0x81] =	vst.msk $0xffff, v1  }
.Ltmp4:
0x3d: {  	_ = 	snop;
	(pc) =	sbr.rel .LBB1_4-.Ltmp4, $1  }
0x3e: {  	_ =	sdelay $0x3  }
.LBB1_6:
0x3f: {  	_ =	sfence.sel $0x180000  }
0x40: {  	s2 =	simm.s32 $0x1;
	[bflag:$0x0] =	sbarrier.arrive $0xFFFF  }
0x41: {  	s31 =	simm.s32 $0x2;
	[sflag:s2] =	ssyncpa.u1 $0x1  }
0x42: {  	[sflag:s31] =	ssyncpa.u1 $0x1  }
0x43: {  	p0 =	sne.s32 s0, $0x0;
	_ =	strace $0x9000004A  }
0x44: {  	s0 =	sadd.s32 @!p0 $0x100000, s1;
	[bflag:$0x2] =	sbarrier.arrive $0xFFFF  }
0x45: {  	[sflag:s0] =	ssyncadd.tile.s32 @!p0 $0x1;
	_ =	shalt  }
.Lfunc_end1:
_tile_overlayer_lowered:
.L_overlay_start_2:
0x46: {  	(tag) =	ssettag $0x2  }
0x47: {  	s0 =	rddreg [dreg:$0x0];
	s2 =	stileid.u32  }
0x48: {  	s1 =	rddreg [dreg:$0x1];
	p0 =	sne.s32 s2, $0x0  }
0x49: {  	s3 =	rddreg [dreg:$0x2];
	[bflag:$0x3] =	sbarrier.arrive $0xFFFF;
	s2 =	simm.s32 @!p0 $0x1C01  }
0x4a: {  	[timem:s3], [sflag:s2] =	dma.local @!p0 [hbm:s0], s1  }
0x4b: {  	s0 =	simm.s32 @!p0 $0x1  }
0x4c: {  	_ =	swait.ge @!p0 [sflag:s0], s1  }
0x4d: {  	s1 =	ssub.s32 @!p0 $0x0, s1;
	[sflag:s0] =	ssyncset.done @!p0 $0x0  }
0x4e: {  	[sflag:s0] =	ssyncadd.s32 @!p0 s1  }
0x4f: {  	[bflag:$0x3] =	sbarrier.arrive $0xFFFF  }
0x50: {  	_ =	shalt  }

// kernel: sparse-core-data-format-call.cloned.1.call-start
scs
called_computation_lowered:
.L_overlay_start_0:
0x0: {  	s2 =	sld [smem:$0x3FD9]  }
0x1: {  	s3 =	sld [smem:$0x3FFE];
	_ =	sdelay $0x1  }
0x2: {  	s1 =	srdreg.scid  }
0x3: {  	s0 =	sand.u32 $0x1, s1  }
0x4: {  	s18 =	sshll.u32 s0, $0xA;
	s2 =	sadd.s32 s3, s2  }
0x5: {  	s2 =	sadd.s32 s2, s18  }
0x6: {  	[smem:$0x3FC6] =	sst s2  }
0x7: {  	_ = 	snop  }
0x8: {  	s2 =	sld [smem:$0x3FD0];
	(tm) =	ssettm $0x1  }
0x9: {  	s19 =	sld [smem:$0x3FFB];
	_ =	sdelay $0x3  }
0xa: {  	_ =	strace s19  }
0xb: {  	s3 =	sld [smem:$0x3FFC];
	_ =	sdelay $0x3  }
0xc: {  	_ =	strace s3  }
0xd: {  	s3 =	sld [smem:$0x3FFD];
	_ =	sdelay $0x3  }
0xe: {  	_ =	strace s3  }
0xf: {  	_ =	strace $0x8FFFFFFF  }
0x10: {  	s20 =	sld [smem:$0x3FDB];
	_ =	sdelay $0x1  }
0x11: {  	s4 =	simm.s32 $_scs_section_size  }
0x12: {  	s5 =	simm.s32 $_size__tile_overlayer_lowered;
	s6 =	simm.s32 $_tile_overlayer_lowered  }
0x13: {  	s23 =	simm.s32 $0x1BFF;
	s22 =	sshll.u32 s6, $0x1;
	s3 =	sadd.s32 s4, s20  }
0x14: {  	s7 =	simm.s32 $0x0;
	s21 =	sshll.u32 s5, $0x1;
	s5 =	sadd.s32 s22, s3  }
0x15: {  	[timem:s7], [sflag:s23] =	dma.local [hbm:s5], s21  }
0x16: {  	_ =	swait.ge [sflag:s23], s21  }
0x17: {  	s4 =	ssub.s32 $0x0, s21;
	[sflag:s23] =	ssyncset.done $0x0  }
0x18: {  	[sflag:s23] =	ssyncadd.s32 s4;
	_ =	sdelay $0x1  }
0x19: {  	s24 =	simm.s32 $0x1B8B  }
0x1a: {  	_ =	swait.ge [sflag:s24], $0x1  }
0x1b: {  	[sflag:s24] =	ssyncset.done $0x0  }
0x1c: {  	s26 =	simm.s32 $0x1B8E;
	s25 =	sld [smem:$0x3FFE];
	[sflag:s24] =	ssyncadd.s32 $0xFFFFFFFF  }
0x1d: {  	s27 =	simm.s32 $execute0_lowered;
	[smem:$0x3FD2] =	sst s26  }
0x1e: {  	s5 =	sshll.u32 s27, $0x1;
	_ =	strace $0x8000004C;
	[dreg:$0x1] =	wrdreg $0xFFFFFFFF  }
0x1f: {  	s28 =	simm.s32 $_size_execute0_lowered;
	s3 =	sadd.s32 s3, s5;
	[dreg:$0x0] =	wrdreg $0x0  }
0x20: {  	s5 =	sshll.u32 s28, $0x1;
	[dreg:$0x2] =	wrdreg s3  }
0x21: {  	[dreg:$0x3] =	wrdreg s5  }
0x22: {  	[dreg:$0x4] =	wrdreg $0xC0  }
0x23: {  	_ =	task [dreg:s7], $0x5FFFF  }
0x24: {  	[dreg:$0x1] =	wrdreg $0xFFFFFFFF  }
0x25: {  	[dreg:$0x0] =	wrdreg $0x60  }
0x26: {  	[dreg:$0x2] =	wrdreg s25  }
0x27: {  	[dreg:$0x3] =	wrdreg s2  }
0x28: {  	[dreg:$0x4] =	wrdreg $0x9  }
0x29: {  	_ =	task.clear_ibuf [dreg:s7], $0x5FFFF;
	_ =	strace $0x9000004C  }
0x2a: {  	s29 =	simm.s32 $0x9;
	_ =	strace $0x8000004E  }
0x2b: {  	_ =	swait.ge [sflag:s29], $0x1  }
0x2c: {  	[sflag:s29] =	ssyncadd.s32 $0xFFFFFFFF  }
0x2d: {  	_ =	strace $0x9000004E  }
0x2e: {  	_ =	sfence  }
0x2f: {  	s30 =	sld [smem:$0x0];
	_ =	sdelay $0x2  }
0x30: {  	s31 =	sshll.u32 s1, $0xD;
	s1 =	sshrl.u32 s1, $0x2  }
0x31: {  	s3 =	sand.u32 $0x4000, s31;
	s1 =	sadd.s32 s1, s30  }
0x32: {  	s0 =	sor.u32 s3, s0;
	s1 =	sshll.u32 s1, $0x11  }
0x33: {  	s0 =	sor.u32 s1, s0  }
0x34: {  	s0 =	sadd.s32 $0x8F2B, s0  }
0x35: {  	[sflag:s0] =	ssyncadd.remote.s32 $0x1  }
0x36: {  	_ =	sfence.sel $0xFFFF  }
0x37: {  	[dreg:$0x0] =	wrdreg $0xFFFFFFFF;
	(pc) =	sbr.abs _section_cstart, $3  }
0x38: {  	[dreg:$0x1] =	wrdreg $0xFFFFFFFF  }
0x39: {  	_ =	task.clear_ibuf [dreg:s7], $0x2FFFF;
	_ =	strace $0x9FFFFFFF  }
0x3a: {  	(tm) =	ssettm $0x7FFFFFFF  }
0x3b: {  	_ =	shalt  }
tec
execute0_lowered:
.L_overlay_start_1:
0x0: {  	(tag) =	ssettag $0x1  }
0x1: {  	s8 =	rddreg [dreg:$0x0]  }
0x2: {  	s2 =	rddreg [dreg:$0x1];
	s1 =	stileid.u32  }
0x3: {  	s4 =	srdreg.scid;
	s0 =	rddreg [dreg:$0x2];
	_ =	strace $0x8000004D  }
0x4: {  	s9 =	simm.s32 $0x1;
	s31 =	simm.s32 $0x2;
	s16 =	simm.s32 $0x0  }
0x5: {  	s17 =	simm.s32 $0x0;
	s11 =	simm.s32 $0x0;
	s12 =	simm.s32 $0x0  }
0x6: {  	s15 =	simm.s32 $0x0;
	s3 =	sshll.u32 s1, $0x1;
	s4 =	sshll.u32 s4, $0x7  }
0x7: {  	s4 =	sand.u32 $0x80, s4;
	s5 =	ssub.s32 $0x20, s3;
	s14 =	smov.u32 s3  }
0x8: {  	s6 =	sshrl.u32 s5, $0x5;
	s5 =	sand.u32 $0x1E, s5;
	s7 =	ssub.s32 $0x4000, s4  }
0x9: {  	p0 =	sne.s32 s5, $0x0;
	s30 =	sshrl.u32 s7, $0x7;
	s7 =	sshrl.u32 s7, $0x8  }
.Ltmp0:
0xa: {  	s9 =	simm.s32 @!p0 $0x0;
	s10 =	sand.u32 $0x1, s30;
	(pc) =	sbr.rel .LBB1_1-.Ltmp0, $4  }
0xb: {  	s5 =	simm.s32 $0x1;
	s6 =	sadd.s32 s9, s6;
	s7 =	sadd.s32 s7, s10  }
0xc: {  	s13 =	smov.u32 s4;
	[sflag:s5] =	ssyncpa.u1 $0x0;
	s6 =	smul.u32 s6, s7  }
0xd: {  	p0 =	por $0x0, $0x0;
	[sflag:s31] =	ssyncpa.u1 $0x0;
	s10 =	simm.s32 $0x80000  }
0xe: {  	s7 =	sadd.s32 $0xE00, s8;
	s8 =	sadd.s32 $0x40E00, s8;
	s9 =	sadd.s32 $0x1, s6  }
.LBB1_7:
0xf: {  	p1 =	slt.u32 s15, $0x2  }
0x10: {  	s19 =	smov.u32 s17;
	p2 =	sgt.s32 @!p1 s17, $0x1E;
	s18 =	sshra.s32 @!p1 s17, $0x1F  }
0x11: {  	p3 =	sgt.s32 @!p1 s16, $0x3F80;
	s20 =	sshra.s32 @!p1 s16, $0x1F;
	p2 =	por !p2, p1  }
0x12: {  	s17 =	sand.u32 @!p1 s18, s17;
	p3 =	por !p3, p1;
	s18 =	smov.u32 s16  }
0x13: {  	s16 =	sand.u32 @!p1 s20, s16;
	s19 =	simm.s32 @p2 $0x1E;
	s18 =	simm.s32 @p3 $0x3F80  }
0x14: {  	s20 =	smov.u32 s14;
	s17 =	ssub.s32 @!p1 s19, s17;
	s16 =	ssub.s32 @!p1 s18, s16  }
0x15: {  	s18 =	sadd.s32 @!p1 $0xFFFFFFE2, s17;
	s17 =	ssub.s32 @!p1 $0x20, s17;
	s19 =	sadd.s32 @!p1 $0xFFFFC080, s16  }
0x16: {  	p2 =	sgt.s32 @!p1 s18, $0x1;
	s17 =	smul.u32 @!p1 $0x32, s17;
	p3 =	sgt.s32 @!p1 s19, $0x7F  }
0x17: {  	s16 =	ssub.s32 @!p1 $0x4000, s16;
	p2 =	por !p2, p1;
	p3 =	por !p3, p1  }
0x18: {  	s18 =	sadd.s32 $0x100, s13;
	s17 =	simm.s32 @!p2 $0x0;
	s16 =	simm.s32 @!p3 $0x0  }
0x19: {  	p2 =	sgt.s32 s18, $0x3FFF;
	s16 =	smul.u32 @!p1 s16, s17;
	s17 =	sadd.s32 $0x20, s14  }
0x1a: {  	s20 =	smov.u32 @p2 s17  }
0x1b: {  	s18 =	smov.u32 @p2 s4;
	p2 =	sgt.s32 s20, $0x1F  }
0x1c: {  	s20 =	smov.u32 @p2 s3;
	p2 =	sne.s32 s15, s9  }
.Ltmp1:
0x1d: {  	p0 =	por !p0, !p0;
	s19 =	simm.s32 @!p1 $0x2;
	(pc) =	sbr.rel @!p2 .LBB1_8-.Ltmp1, $4  }
0x1e: {  	s17 =	smov.u32 s12;
	s12 =	smov.u32 s14;
	s16 =	sand.u32 @!p1 $0x3FFFFFFE, s16  }
0x1f: {  	_ =	swait.ge @!p1 [sflag:s19], s16;
	s21 =	ssub.s32 @!p1 $0x0, s16;
	s16 =	smov.u32 s11  }
0x20: {  	s15 =	sadd.s32 $0x1, s15;
	s11 =	smov.u32 s13;
	[sflag:s19] =	ssyncset.done @!p1 $0x0  }
0x21: {  	s13 =	smov.u32 s18;
	s14 =	smov.u32 s20;
	[sflag:s19] =	ssyncadd.s32 @!p1 s21  }
.LBB1_1:
0x22: {  	p1 =	sge.u32 s15, s6  }
0x23: {  	s18 =	sxor.u32 @!p1 $0xFFFFFFFF, s15;
	s19 =	sshll.u32 @!p1 s14, $0x12  }
0x24: {  	s20 =	sshll.u32 @!p1 s13, $0x4;
	s22 =	simm.s32 @!p1 $0x40;
	s23 =	simm.s32 @!p1 $0x80  }
0x25: {  	s18 =	sshll.u32 @!p1 s18, $0xE;
	s20 =	sand.u32 @!p1 $0x3FFF0, s20;
	s21 =	sadd.s32 @!p1 s7, s19  }
0x26: {  	s19 =	sadd.s32 @!p1 s19, s8;
	s18 =	sand.u32 @!p1 $0x4000, s18;
	s21 =	sadd.s32 @!p1 s20, s21  }
0x27: {  	[tilespmem:s18], [sflag:$0x1] =	stream.strided.gather @!p1 [hbm4b:s21+s22], $0x2000, s23, s22, $0x38;
	[tilespmem:$0x10100] =	vst v63  }
0x28: {  	s31 =	sadd.s32 $0xFFFFFFFF, s15;
	s19 =	sadd.s32 @!p1 s20, s19;
	s18 =	sor.u32 @!p1 $0x2000, s18  }
0x29: {  	[tilespmem:s18], [sflag:$0x1] =	stream.strided.gather @!p1 [hbm4b:s19+s22], $0x2000, s23, s22, $0x38;
	[tilespmem:$0x10100] =	vst v63  }
0x2a: {  	p1 =	sge.u32 s31, s6  }
.Ltmp2:
0x2b: {  	_ = 	snop;
	(pc) =	sbr.rel @p1 .LBB1_7-.Ltmp2, $1  }
0x2c: {  	_ =	sdelay $0x3  }
0x2d: {  	s18 =	simm.s32 $0x1;
	s20 =	sand.u32 $0x1, s15  }
0x2e: {  	_ =	swait.ge [sflag:s5], $0x4000;
	s18 =	simm.s32 @!p0 $0x0;
	s20 =	smul.u32 $0x10200, s20  }
0x2f: {  	p2 =	por $0x1, $0x1;
	[sflag:s5] =	ssyncset.done $0x0;
	s19 =	smul.u32 $0x10200, s18  }
0x30: {  	s21 =	sshll.u32 s18, $0x10;
	[sflag:s5] =	ssyncadd.s32 $0xFFFFC000;
	s30 =	sshrl.u32 s20, $0x2  }
0x31: {  	s31 =	sshrl.u32 s21, $0x2;
	s21 =	simm.s32 $0x0;
	s19 =	sshrl.u32 s19, $0x2  }
0x32: {  	s18 =	sor.u32 $0x8000, s30;
	s20 =	sadd.s32 $0x20, s31;
	s19 =	sor.u32 $0x8000, s19  }
.LBB1_3:
0x33: {  	s22 =	sshll.u32 s21, $0xD  }
0x34: {  	s22 =	sand.u32 $0x3FFFE000, s22  }
0x35: {  	s24 =	sadd.s32 s22, s20  }
0x36: {  	s31 =	smul.u32 $0x204, s21;
	v3 =	vld [tilespmem:s24+$0x10]  }
0x37: {  	v1 =	vld [tilespmem:s24+$0xFFFFFFF0]  }
0x38: {  	s21 =	sshra.s32 s31, $0x2;
	v0 =	vld [tilespmem:s24+$0x0]  }
0x39: {  	s21 =	sadd.s32 s21, s19;
	v2 =	vld [tilespmem:s24+$0xFFFFFFE0]  }
0x3a: {  	s22 =	sadd.s32 $0x0, s21  }
0x3b: {  	p1 =	por p2, p2;
	s23 =	simm.s32 $0x4;
	s24 =	sadd.s32 $0x40, s24;
	[tilespmem:s22+$0x3060 ss:$0x102] =	vst.msk $0xffff, v3  }
.LBB1_4:
0x3c: {  	v3 =	vld [tilespmem:s24+$0x10];
	p2 =	sne.s32 s23, $0x1FC;
	[tilespmem:s22+$0x1020 ss:$0x102] =	vst.msk $0xffff, v1;
	s25 =	smov.u32 s23;
	s23 =	sadd.s32 $0x4, s23  }
.Ltmp3:
0x3d: {  	v1 =	vld [tilespmem:s24+$0xFFFFFFF0];
	[tilespmem:s22+$0x2040 ss:$0x102] =	vst.msk $0xffff, v0;
	(pc) =	sbr.rel @p2 .LBB1_4-.Ltmp3, $4  }
0x3e: {  	v0 =	vld [tilespmem:s24+$0x0];
	[tilespmem:s22+$0x0 ss:$0x102] =	vst.msk $0xffff, v2  }
0x3f: {  	s22 =	sshra.s32 s25, $0x2;
	v2 =	vld [tilespmem:s24+$0xFFFFFFE0]  }
0x40: {  	s22 =	sadd.s32 s22, s21  }
0x41: {  	s24 =	sadd.s32 $0x40, s24;
	[tilespmem:s22+$0x3060 ss:$0x102] =	vst.msk $0xffff, v3  }
.Ltmp4:
0x42: {  	(pc) =	sbr.rel @p1 .LBB1_3-.Ltmp4, $4  }
0x43: {  	_ = 	snop  }
0x44: {  	[tilespmem:s22+$0x1020 ss:$0x102] =	vst.msk $0xffff, v1  }
0x45: {  	[tilespmem:s22+$0x2040 ss:$0x102] =	vst.msk $0xffff, v0  }
0x46: {  	s21 =	simm.s32 $0x1;
	p2 =	por $0x0, $0x0;
	[tilespmem:s22+$0x0 ss:$0x102] =	vst.msk $0xffff, v2  }
0x47: {  	s19 =	sand.u32 $0x78, s11;
	p1 =	sgt.s32 s12, $0x1E;
	s20 =	smov.u32 s12  }
0x48: {  	s21 =	sshra.s32 s12, $0x1F;
	s22 =	sshll.u32 s12, $0xE;
	s23 =	sshll.u32 s11, $0x3  }
0x49: {  	s30 =	sshra.s32 s11, $0x1F;
	s25 =	sshll.u32 s12, $0x7;
	s20 =	simm.s32 @!p1 $0x1E  }
0x4a: {  	s21 =	sand.u32 s21, s12;
	s22 =	sand.u32 $0x60000, s22;
	p1 =	sgt.s32 s11, $0x3F80  }
0x4b: {  	s25 =	sand.u32 $0x380, s25;
	s20 =	ssub.s32 s20, s21;
	s21 =	smov.u32 s11  }
0x4c: {  	s22 =	sadd.s32 s22, s23;
	s24 =	sadd.s32 $0xFFFFFFE2, s20;
	s21 =	simm.s32 @!p1 $0x3F80  }
0x4d: {  	s20 =	ssub.s32 $0x20, s20;
	p1 =	sgt.s32 s24, $0x1;
	s24 =	sand.u32 s30, s11  }
0x4e: {  	s23 =	sand.u32 $0x3C00, s23;
	s20 =	smul.u32 $0x32, s20;
	s21 =	ssub.s32 s21, s24  }
0x4f: {  	s19 =	sor.u32 s25, s19;
	s22 =	sand.u32 $0x7C000, s22;
	s24 =	sadd.s32 $0xFFFFC080, s21  }
0x50: {  	s20 =	simm.s32 @p1 $0x0;
	s21 =	ssub.s32 $0x4000, s21;
	p1 =	sgt.s32 s24, $0x7F  }
.Ltmp5:
0x51: {  	s19 =	sor.u32 s23, s19;
	s21 =	simm.s32 @p1 $0x0;
	(pc) =	sbr.rel .LBB1_7-.Ltmp5, $4  }
0x52: {  	s31 =	sand.u32 $0x7, s11;
	s19 =	sor.u32 s22, s19;
	s20 =	smul.u32 s21, s20  }
0x53: {  	s19 =	sshrl.u32 s19, $0x3;
	s21 =	sshll.u32 s31, $0x12  }
0x54: {  	s19 =	sadd.s32 s2, s19;
	s21 =	sor.u32 $0x100, s21;
	s20 =	sand.u32 $0x3FFFFFFE, s20  }
0x55: {  	[hbm4b:s19+s21] =	stream.strided.scatter [tilespmem:s18], [sflag:$0x2], s20, s10, s21, $0x20;
	[tilespmem:$0x10100] =	vst v63  }
.LBB1_8:
0x56: {  	_ =	sfence.sel $0x180000  }
0x57: {  	s2 =	simm.s32 $0x1;
	[bflag:$0x0] =	sbarrier.arrive $0xFFFF  }
0x58: {  	s31 =	simm.s32 $0x2;
	[sflag:s2] =	ssyncpa.u1 $0x1  }
0x59: {  	[sflag:s31] =	ssyncpa.u1 $0x1  }
0x5a: {  	p0 =	sne.s32 s1, $0x0;
	_ =	strace $0x9000004D  }
0x5b: {  	s0 =	sadd.s32 @!p0 $0x100000, s0;
	[bflag:$0x2] =	sbarrier.arrive $0xFFFF  }
0x5c: {  	[sflag:s0] =	ssyncadd.tile.s32 @!p0 $0x1;
	_ =	shalt  }
.Lfunc_end1:
_tile_overlayer_lowered:
.L_overlay_start_2:
0x5d: {  	(tag) =	ssettag $0x2  }
0x5e: {  	s0 =	rddreg [dreg:$0x0];
	s2 =	stileid.u32  }
0x5f: {  	s1 =	rddreg [dreg:$0x1];
	p0 =	sne.s32 s2, $0x0  }
0x60: {  	s3 =	rddreg [dreg:$0x2];
	[bflag:$0x3] =	sbarrier.arrive $0xFFFF;
	s2 =	simm.s32 @!p0 $0x1C01  }
0x61: {  	[timem:s3], [sflag:s2] =	dma.local @!p0 [hbm:s0], s1  }
0x62: {  	s0 =	simm.s32 @!p0 $0x1  }
0x63: {  	_ =	swait.ge @!p0 [sflag:s0], s1  }
0x64: {  	s1 =	ssub.s32 @!p0 $0x0, s1;
	[sflag:s0] =	ssyncset.done @!p0 $0x0  }
0x65: {  	[sflag:s0] =	ssyncadd.s32 @!p0 s1  }
0x66: {  	[bflag:$0x3] =	sbarrier.arrive $0xFFFF  }
0x67: {  	_ =	shalt  }

</sc_bundles>
